<compile_context>
chip_gen: v7x
topology: tpu7x:2x2x1
jax: 0.10.2.dev20260603
libtpu: 0.0.44.dev20260713+nightly
codegen_flags: <defaults>
</compile_context>

<pallas_src>
import functools

import jax
import jax.numpy as jnp
from jax import lax
from jax.experimental import pallas as pl
from jax.experimental.pallas import tpu as pltpu
from jax.experimental.pallas import tpu_sc as plsc

_K = 8192
_N = 16384
_LANES = 16
_NC = 2
_NS = 16
_NW = _NC * _NS
_QPW = _N // _NW
_NV = _QPW // _LANES
_UNROLL = 8
_RUNPROBE = 3

_mesh = plsc.VectorSubcoreMesh(core_axis_name="c", subcore_axis_name="s")


@functools.partial(
    pl.kernel,
    out_type=(
        jax.ShapeDtypeStruct((_N,), jnp.int32),
        jax.ShapeDtypeStruct((_N,), jnp.float32),
    ),
    mesh=_mesh,
    compiler_params=pltpu.CompilerParams(needs_layout_passes=False),
    scratch_types=[
        pltpu.VMEM((_K,), jnp.float32),
        pltpu.VMEM((_K,), jnp.int32),
        pltpu.VMEM((_QPW,), jnp.float32),
        pltpu.VMEM((_QPW,), jnp.int32),
        pltpu.VMEM((_QPW,), jnp.float32),
        pltpu.SemaphoreType.DMA,
        pltpu.SemaphoreType.DMA,
        pltpu.SemaphoreType.DMA,
    ],
)
def _vq_search(x_hbm, s_hbm, ord_hbm, oi_hbm, od_hbm,
               s_v, ord_v, q_v, oi_v, od_v, sem_a, sem_b, sem_c):
    wid = lax.axis_index("s") * _NC + lax.axis_index("c")
    base = wid * _QPW
    cp_s = pltpu.async_copy(s_hbm, s_v, sem_a)
    cp_o = pltpu.async_copy(ord_hbm, ord_v, sem_b)
    cp_q = pltpu.async_copy(x_hbm.at[pl.ds(base, _QPW)], q_v, sem_c)
    cp_s.wait()
    cp_o.wait()
    cp_q.wait()

    def runstart(p, v):
        for _ in range(_RUNPROBE):
            pm = jnp.maximum(p - 1, 0)
            vm = plsc.load_gather(s_v, [pm])
            p = jnp.where((p > 0) & (vm == v), pm, p)
        return p

    def chunk(ci, carry):
        off = ci * (_UNROLL * _LANES)
        xs = [q_v[pl.ds(off + u * _LANES, _LANES)] for u in range(_UNROLL)]
        poss = [jnp.zeros((_LANES,), jnp.int32) for _ in range(_UNROLL)]
        step = _K // 2
        while step >= 1:
            for u in range(_UNROLL):
                sv = plsc.load_gather(s_v, [poss[u] + (step - 1)])
                poss[u] = poss[u] + jnp.where(sv < xs[u], step, 0)
            step //= 2
        for u in range(_UNROLL):
            pR = poss[u]
            pL = jnp.maximum(pR - 1, 0)
            vL = plsc.load_gather(s_v, [pL])
            vR = plsc.load_gather(s_v, [pR])
            iL = plsc.load_gather(ord_v, [runstart(pL, vL)])
            iR = plsc.load_gather(ord_v, [runstart(pR, vR)])
            dL = jnp.abs(xs[u] - vL)
            dR = jnp.abs(xs[u] - vR)
            takeR = (dR < dL) | ((dR == dL) & (iR < iL))
            oi_v[pl.ds(off + u * _LANES, _LANES)] = jnp.where(takeR, iR, iL)
            od_v[pl.ds(off + u * _LANES, _LANES)] = jnp.where(takeR, dR, dL)
        return carry

    lax.fori_loop(0, _NV // _UNROLL, chunk, 0)
    cp_oi = pltpu.async_copy(oi_v, oi_hbm.at[pl.ds(base, _QPW)], sem_a)
    cp_od = pltpu.async_copy(od_v, od_hbm.at[pl.ds(base, _QPW)], sem_b)
    cp_oi.wait()
    cp_od.wait()


def kernel(input_data, codewords):
    s, order = lax.sort(
        (codewords, jnp.arange(_K, dtype=jnp.int32)),
        num_keys=1, is_stable=True)
    return _vq_search(input_data, s, order)

# --- scband reference (transcript-rebuilt; emitter-appended) ---
"""Pipeline reference for scband-vector-quantization-layer1-d-71786083386047 (READ-ONLY COPY).

The authoritative reference and input builder live on the scoring server;
editing this copy changes nothing except your own understanding.
"""

import jax, jax.numpy as jnp
import numpy as np

NUM_CODEWORDS = 8192
N = 16384

def setup_inputs(seed: int = 0) -> dict:
    key = jax.random.key(seed)
    k1, k2 = jax.random.split(key)
    input_data = jax.random.normal(k1, (N,), dtype=jnp.float32)
    codewords = jax.random.normal(k2, (NUM_CODEWORDS,), dtype=jnp.float32)
    return {"input_data": input_data, "codewords": codewords}

def reference(input_data, codewords):
    # distances: [N, K] pairwise absolute differences
    distances = jnp.abs(input_data[:, None] - codewords[None, :])
    quantized_indices = jnp.argmin(distances, axis=1)
    quantized_distances = jnp.abs(input_data - codewords[quantized_indices])
    return (quantized_indices, quantized_distances)

if __name__ == "__main__":
    import jax
    _d = setup_inputs()
    print(jax.jit(kernel)(*tuple(_d.values())))

</pallas_src>

<mosaic_0001>
#map = affine_map<(d0, d1) -> (0)>
module attributes {stable_mosaic.version = 14 : i64} {
  func.func @_vq_search(%arg0: i32, %arg1: i32, %arg2: memref<16384xf32, #tpu.memory_space<hbm>>, %arg3: memref<8192xf32, #tpu.memory_space<hbm>>, %arg4: memref<8192xi32, #tpu.memory_space<hbm>>, %arg5: memref<16384xi32, #tpu.memory_space<hbm>>, %arg6: memref<16384xf32, #tpu.memory_space<hbm>>, %arg7: memref<8192xf32, #tpu.memory_space<vmem>>, %arg8: memref<8192xi32, #tpu.memory_space<vmem>>, %arg9: memref<512xf32, #tpu.memory_space<vmem>>, %arg10: memref<512xi32, #tpu.memory_space<vmem>>, %arg11: memref<512xf32, #tpu.memory_space<vmem>>, %arg12: memref<!tpu.dma_semaphore, #tpu.memory_space<semaphore_mem>>, %arg13: memref<!tpu.dma_semaphore, #tpu.memory_space<semaphore_mem>>, %arg14: memref<!tpu.dma_semaphore, #tpu.memory_space<semaphore_mem>>) attributes {dimension_semantics = [#tpu.dimension_semantics<core_parallel>, #tpu.dimension_semantics<subcore_parallel>], iteration_bounds = array<i64: 2, 16>, scalar_prefetch = 0 : i64, scratch_operands = 8 : i64, tpu.core_type = #tpu.core_type<sc_vector_subcore>, window_params = [{transform_indices = #map}, {transform_indices = #map}, {transform_indices = #map}, {transform_indices = #map}, {transform_indices = #map}]} {
    %mul3A = arith.constant 2 : i32
    %mul3A_0 = arith.muli %arg1, %mul3A : i32
    %add3A = arith.addi %mul3A_0, %arg0 : i32
    %mul3A_1 = arith.constant 512 : i32
    %mul3A_2 = arith.muli %add3A, %mul3A_1 : i32
    tpu.enqueue_dma source(%arg3 : memref<8192xf32, #tpu.memory_space<hbm>>) target(%arg7 : memref<8192xf32, #tpu.memory_space<vmem>>) target_semaphore(%arg12 : memref<!tpu.dma_semaphore, #tpu.memory_space<semaphore_mem>>)
    tpu.enqueue_dma source(%arg4 : memref<8192xi32, #tpu.memory_space<hbm>>) target(%arg8 : memref<8192xi32, #tpu.memory_space<vmem>>) target_semaphore(%arg13 : memref<!tpu.dma_semaphore, #tpu.memory_space<semaphore_mem>>)
    %dma_start3A = tpu.memref_slice %arg2[%mul3A_2] : memref<16384xf32, #tpu.memory_space<hbm>> -> memref<512xf32, #tpu.memory_space<hbm>>
    %dma_start3A_3 = tpu.memref_slice %arg2[%mul3A_2] : memref<16384xf32, #tpu.memory_space<hbm>> -> memref<512xf32, #tpu.memory_space<hbm>>
    tpu.enqueue_dma source(%dma_start3A_3 : memref<512xf32, #tpu.memory_space<hbm>>) target(%arg9 : memref<512xf32, #tpu.memory_space<vmem>>) target_semaphore(%arg14 : memref<!tpu.dma_semaphore, #tpu.memory_space<semaphore_mem>>)
    tpu.wait_dma2 semaphore(%arg12 : memref<!tpu.dma_semaphore, #tpu.memory_space<semaphore_mem>>) src(%arg3 : memref<8192xf32, #tpu.memory_space<hbm>>) dst(%arg7 : memref<8192xf32, #tpu.memory_space<vmem>>)
    tpu.wait_dma2 semaphore(%arg13 : memref<!tpu.dma_semaphore, #tpu.memory_space<semaphore_mem>>) src(%arg4 : memref<8192xi32, #tpu.memory_space<hbm>>) dst(%arg8 : memref<8192xi32, #tpu.memory_space<vmem>>)
    %dma_wait3A = tpu.memref_slice %arg2[%mul3A_2] : memref<16384xf32, #tpu.memory_space<hbm>> -> memref<512xf32, #tpu.memory_space<hbm>>
    %dma_wait3A_4 = tpu.memref_slice %arg2[%mul3A_2] : memref<16384xf32, #tpu.memory_space<hbm>> -> memref<512xf32, #tpu.memory_space<hbm>>
    tpu.wait_dma2 semaphore(%arg14 : memref<!tpu.dma_semaphore, #tpu.memory_space<semaphore_mem>>) src(%dma_wait3A_4 : memref<512xf32, #tpu.memory_space<hbm>>) dst(%arg9 : memref<512xf32, #tpu.memory_space<vmem>>)
    %scan3A = arith.constant 0 : i32
    %scan3A_5 = arith.constant 0 : i32
    %scan3A_6 = arith.constant 4 : i32
    %scan3A_7 = arith.addi %scan3A_5, %scan3A_6 : i32
    %scan3A_8 = arith.constant 1 : i32
    scf.for %scan3A_18 = %scan3A_5 to %scan3A_7 step %scan3A_8  : i32 {
      %mul3A_19 = arith.constant 128 : i32
      %mul3A_20 = arith.muli %scan3A_18, %mul3A_19 : i32
      %add3A_21 = arith.constant 0 : i32
      %add3A_22 = arith.addi %mul3A_20, %add3A_21 : i32
      %get3A = arith.index_cast %add3A_22 : i32 to index
      %get3A_23 = tpu.vector_load %arg9[%get3A] {strides = array<i32>} : memref<512xf32, #tpu.memory_space<vmem>>, vector<16xf32>,
      %add3A_24 = arith.constant 16 : i32
      %add3A_25 = arith.addi %mul3A_20, %add3A_24 : i32
      %get3A_26 = arith.index_cast %add3A_25 : i32 to index
      %get3A_27 = tpu.vector_load %arg9[%get3A_26] {strides = array<i32>} : memref<512xf32, #tpu.memory_space<vmem>>, vector<16xf32>,
      %add3A_28 = arith.constant 32 : i32
      %add3A_29 = arith.addi %mul3A_20, %add3A_28 : i32
      %get3A_30 = arith.index_cast %add3A_29 : i32 to index
      %get3A_31 = tpu.vector_load %arg9[%get3A_30] {strides = array<i32>} : memref<512xf32, #tpu.memory_space<vmem>>, vector<16xf32>,
      %add3A_32 = arith.constant 48 : i32
      %add3A_33 = arith.addi %mul3A_20, %add3A_32 : i32
      %get3A_34 = arith.index_cast %add3A_33 : i32 to index
      %get3A_35 = tpu.vector_load %arg9[%get3A_34] {strides = array<i32>} : memref<512xf32, #tpu.memory_space<vmem>>, vector<16xf32>,
      %add3A_36 = arith.constant 64 : i32
      %add3A_37 = arith.addi %mul3A_20, %add3A_36 : i32
      %get3A_38 = arith.index_cast %add3A_37 : i32 to index
      %get3A_39 = tpu.vector_load %arg9[%get3A_38] {strides = array<i32>} : memref<512xf32, #tpu.memory_space<vmem>>, vector<16xf32>,
      %add3A_40 = arith.constant 80 : i32
      %add3A_41 = arith.addi %mul3A_20, %add3A_40 : i32
      %get3A_42 = arith.index_cast %add3A_41 : i32 to index
      %get3A_43 = tpu.vector_load %arg9[%get3A_42] {strides = array<i32>} : memref<512xf32, #tpu.memory_space<vmem>>, vector<16xf32>,
      %add3A_44 = arith.constant 96 : i32
      %add3A_45 = arith.addi %mul3A_20, %add3A_44 : i32
      %get3A_46 = arith.index_cast %add3A_45 : i32 to index
      %get3A_47 = tpu.vector_load %arg9[%get3A_46] {strides = array<i32>} : memref<512xf32, #tpu.memory_space<vmem>>, vector<16xf32>,
      %add3A_48 = arith.constant 112 : i32
      %add3A_49 = arith.addi %mul3A_20, %add3A_48 : i32
      %get3A_50 = arith.index_cast %add3A_49 : i32 to index
      %get3A_51 = tpu.vector_load %arg9[%get3A_50] {strides = array<i32>} : memref<512xf32, #tpu.memory_space<vmem>>, vector<16xf32>,
      %broadcast_in_dim3A = arith.constant 0 : i32
      %broadcast_in_dim3A_52 = vector.broadcast %broadcast_in_dim3A : i32 to vector<16xi32>
      %broadcast_in_dim3A_53 = arith.constant 0 : i32
      %broadcast_in_dim3A_54 = vector.broadcast %broadcast_in_dim3A_53 : i32 to vector<16xi32>
      %broadcast_in_dim3A_55 = arith.constant 0 : i32
      %broadcast_in_dim3A_56 = vector.broadcast %broadcast_in_dim3A_55 : i32 to vector<16xi32>
      %broadcast_in_dim3A_57 = arith.constant 0 : i32
      %broadcast_in_dim3A_58 = vector.broadcast %broadcast_in_dim3A_57 : i32 to vector<16xi32>
      %broadcast_in_dim3A_59 = arith.constant 0 : i32
      %broadcast_in_dim3A_60 = vector.broadcast %broadcast_in_dim3A_59 : i32 to vector<16xi32>
      %broadcast_in_dim3A_61 = arith.constant 0 : i32
      %broadcast_in_dim3A_62 = vector.broadcast %broadcast_in_dim3A_61 : i32 to vector<16xi32>
      %broadcast_in_dim3A_63 = arith.constant 0 : i32
      %broadcast_in_dim3A_64 = vector.broadcast %broadcast_in_dim3A_63 : i32 to vector<16xi32>
      %broadcast_in_dim3A_65 = arith.constant 0 : i32
      %broadcast_in_dim3A_66 = vector.broadcast %broadcast_in_dim3A_65 : i32 to vector<16xi32>
      %add3A_67 = arith.constant 4095 : i32
      %add3A_68 = vector.broadcast %add3A_67 : i32 to vector<16xi32>
      %add3A_69 = arith.addi %broadcast_in_dim3A_52, %add3A_68 : vector<16xi32>
      %gather3A = tpu.vector_load_idx %arg7[%add3A_69] : memref<8192xf32, #tpu.memory_space<vmem>>[vector<16xi32>], vector<16xf32>,
      %lt3A = arith.cmpf olt, %gather3A, %get3A_23 : vector<16xf32>
      %jit3A = arith.constant 4096 : i32
      %jit3A_70 = arith.constant 0 : i32
      %broadcast_in_dim3A_71 = vector.broadcast %jit3A : i32 to vector<16xi32>
      %broadcast_in_dim3A_72 = vector.broadcast %jit3A_70 : i32 to vector<16xi32>
      %select_n3A = arith.select %lt3A, %broadcast_in_dim3A_71, %broadcast_in_dim3A_72 : vector<16xi1>, vector<16xi32>
      %add3A_73 = arith.addi %broadcast_in_dim3A_52, %select_n3A : vector<16xi32>
      %add3A_74 = arith.constant 4095 : i32
      %add3A_75 = vector.broadcast %add3A_74 : i32 to vector<16xi32>
      %add3A_76 = arith.addi %broadcast_in_dim3A_54, %add3A_75 : vector<16xi32>
      %gather3A_77 = tpu.vector_load_idx %arg7[%add3A_76] : memref<8192xf32, #tpu.memory_space<vmem>>[vector<16xi32>], vector<16xf32>,
      %lt3A_78 = arith.cmpf olt, %gather3A_77, %get3A_27 : vector<16xf32>
      %jit3A_79 = arith.constant 4096 : i32
      %jit3A_80 = arith.constant 0 : i32
      %broadcast_in_dim3A_81 = vector.broadcast %jit3A_79 : i32 to vector<16xi32>
      %broadcast_in_dim3A_82 = vector.broadcast %jit3A_80 : i32 to vector<16xi32>
      %select_n3A_83 = arith.select %lt3A_78, %broadcast_in_dim3A_81, %broadcast_in_dim3A_82 : vector<16xi1>, vector<16xi32>
      %add3A_84 = arith.addi %broadcast_in_dim3A_54, %select_n3A_83 : vector<16xi32>
      %add3A_85 = arith.constant 4095 : i32
      %add3A_86 = vector.broadcast %add3A_85 : i32 to vector<16xi32>
      %add3A_87 = arith.addi %broadcast_in_dim3A_56, %add3A_86 : vector<16xi32>
      %gather3A_88 = tpu.vector_load_idx %arg7[%add3A_87] : memref<8192xf32, #tpu.memory_space<vmem>>[vector<16xi32>], vector<16xf32>,
      %lt3A_89 = arith.cmpf olt, %gather3A_88, %get3A_31 : vector<16xf32>
      %jit3A_90 = arith.constant 4096 : i32
      %jit3A_91 = arith.constant 0 : i32
      %broadcast_in_dim3A_92 = vector.broadcast %jit3A_90 : i32 to vector<16xi32>
      %broadcast_in_dim3A_93 = vector.broadcast %jit3A_91 : i32 to vector<16xi32>
      %select_n3A_94 = arith.select %lt3A_89, %broadcast_in_dim3A_92, %broadcast_in_dim3A_93 : vector<16xi1>, vector<16xi32>
      %add3A_95 = arith.addi %broadcast_in_dim3A_56, %select_n3A_94 : vector<16xi32>
      %add3A_96 = arith.constant 4095 : i32
      %add3A_97 = vector.broadcast %add3A_96 : i32 to vector<16xi32>
      %add3A_98 = arith.addi %broadcast_in_dim3A_58, %add3A_97 : vector<16xi32>
      %gather3A_99 = tpu.vector_load_idx %arg7[%add3A_98] : memref<8192xf32, #tpu.memory_space<vmem>>[vector<16xi32>], vector<16xf32>,
      %lt3A_100 = arith.cmpf olt, %gather3A_99, %get3A_35 : vector<16xf32>
      %jit3A_101 = arith.constant 4096 : i32
      %jit3A_102 = arith.constant 0 : i32
      %broadcast_in_dim3A_103 = vector.broadcast %jit3A_101 : i32 to vector<16xi32>
      %broadcast_in_dim3A_104 = vector.broadcast %jit3A_102 : i32 to vector<16xi32>
      %select_n3A_105 = arith.select %lt3A_100, %broadcast_in_dim3A_103, %broadcast_in_dim3A_104 : vector<16xi1>, vector<16xi32>
      %add3A_106 = arith.addi %broadcast_in_dim3A_58, %select_n3A_105 : vector<16xi32>
      %add3A_107 = arith.constant 4095 : i32
      %add3A_108 = vector.broadcast %add3A_107 : i32 to vector<16xi32>
      %add3A_109 = arith.addi %broadcast_in_dim3A_60, %add3A_108 : vector<16xi32>
      %gather3A_110 = tpu.vector_load_idx %arg7[%add3A_109] : memref<8192xf32, #tpu.memory_space<vmem>>[vector<16xi32>], vector<16xf32>,
      %lt3A_111 = arith.cmpf olt, %gather3A_110, %get3A_39 : vector<16xf32>
      %jit3A_112 = arith.constant 4096 : i32
      %jit3A_113 = arith.constant 0 : i32
      %broadcast_in_dim3A_114 = vector.broadcast %jit3A_112 : i32 to vector<16xi32>
      %broadcast_in_dim3A_115 = vector.broadcast %jit3A_113 : i32 to vector<16xi32>
      %select_n3A_116 = arith.select %lt3A_111, %broadcast_in_dim3A_114, %broadcast_in_dim3A_115 : vector<16xi1>, vector<16xi32>
      %add3A_117 = arith.addi %broadcast_in_dim3A_60, %select_n3A_116 : vector<16xi32>
      %add3A_118 = arith.constant 4095 : i32
      %add3A_119 = vector.broadcast %add3A_118 : i32 to vector<16xi32>
      %add3A_120 = arith.addi %broadcast_in_dim3A_62, %add3A_119 : vector<16xi32>
      %gather3A_121 = tpu.vector_load_idx %arg7[%add3A_120] : memref<8192xf32, #tpu.memory_space<vmem>>[vector<16xi32>], vector<16xf32>,
      %lt3A_122 = arith.cmpf olt, %gather3A_121, %get3A_43 : vector<16xf32>
      %jit3A_123 = arith.constant 4096 : i32
      %jit3A_124 = arith.constant 0 : i32
      %broadcast_in_dim3A_125 = vector.broadcast %jit3A_123 : i32 to vector<16xi32>
      %broadcast_in_dim3A_126 = vector.broadcast %jit3A_124 : i32 to vector<16xi32>
      %select_n3A_127 = arith.select %lt3A_122, %broadcast_in_dim3A_125, %broadcast_in_dim3A_126 : vector<16xi1>, vector<16xi32>
      %add3A_128 = arith.addi %broadcast_in_dim3A_62, %select_n3A_127 : vector<16xi32>
      %add3A_129 = arith.constant 4095 : i32
      %add3A_130 = vector.broadcast %add3A_129 : i32 to vector<16xi32>
      %add3A_131 = arith.addi %broadcast_in_dim3A_64, %add3A_130 : vector<16xi32>
      %gather3A_132 = tpu.vector_load_idx %arg7[%add3A_131] : memref<8192xf32, #tpu.memory_space<vmem>>[vector<16xi32>], vector<16xf32>,
      %lt3A_133 = arith.cmpf olt, %gather3A_132, %get3A_47 : vector<16xf32>
      %jit3A_134 = arith.constant 4096 : i32
      %jit3A_135 = arith.constant 0 : i32
      %broadcast_in_dim3A_136 = vector.broadcast %jit3A_134 : i32 to vector<16xi32>
      %broadcast_in_dim3A_137 = vector.broadcast %jit3A_135 : i32 to vector<16xi32>
      %select_n3A_138 = arith.select %lt3A_133, %broadcast_in_dim3A_136, %broadcast_in_dim3A_137 : vector<16xi1>, vector<16xi32>
      %add3A_139 = arith.addi %broadcast_in_dim3A_64, %select_n3A_138 : vector<16xi32>
      %add3A_140 = arith.constant 4095 : i32
      %add3A_141 = vector.broadcast %add3A_140 : i32 to vector<16xi32>
      %add3A_142 = arith.addi %broadcast_in_dim3A_66, %add3A_141 : vector<16xi32>
      %gather3A_143 = tpu.vector_load_idx %arg7[%add3A_142] : memref<8192xf32, #tpu.memory_space<vmem>>[vector<16xi32>], vector<16xf32>,
      %lt3A_144 = arith.cmpf olt, %gather3A_143, %get3A_51 : vector<16xf32>
      %jit3A_145 = arith.constant 4096 : i32
      %jit3A_146 = arith.constant 0 : i32
      %broadcast_in_dim3A_147 = vector.broadcast %jit3A_145 : i32 to vector<16xi32>
      %broadcast_in_dim3A_148 = vector.broadcast %jit3A_146 : i32 to vector<16xi32>
      %select_n3A_149 = arith.select %lt3A_144, %broadcast_in_dim3A_147, %broadcast_in_dim3A_148 : vector<16xi1>, vector<16xi32>
      %add3A_150 = arith.addi %broadcast_in_dim3A_66, %select_n3A_149 : vector<16xi32>
      %add3A_151 = arith.constant 2047 : i32
      %add3A_152 = vector.broadcast %add3A_151 : i32 to vector<16xi32>
      %add3A_153 = arith.addi %add3A_73, %add3A_152 : vector<16xi32>
      %gather3A_154 = tpu.vector_load_idx %arg7[%add3A_153] : memref<8192xf32, #tpu.memory_space<vmem>>[vector<16xi32>], vector<16xf32>,
      %lt3A_155 = arith.cmpf olt, %gather3A_154, %get3A_23 : vector<16xf32>
      %jit3A_156 = arith.constant 2048 : i32
      %jit3A_157 = arith.constant 0 : i32
      %broadcast_in_dim3A_158 = vector.broadcast %jit3A_156 : i32 to vector<16xi32>
      %broadcast_in_dim3A_159 = vector.broadcast %jit3A_157 : i32 to vector<16xi32>
      %select_n3A_160 = arith.select %lt3A_155, %broadcast_in_dim3A_158, %broadcast_in_dim3A_159 : vector<16xi1>, vector<16xi32>
      %add3A_161 = arith.addi %add3A_73, %select_n3A_160 : vector<16xi32>
      %add3A_162 = arith.constant 2047 : i32
      %add3A_163 = vector.broadcast %add3A_162 : i32 to vector<16xi32>
      %add3A_164 = arith.addi %add3A_84, %add3A_163 : vector<16xi32>
      %gather3A_165 = tpu.vector_load_idx %arg7[%add3A_164] : memref<8192xf32, #tpu.memory_space<vmem>>[vector<16xi32>], vector<16xf32>,
      %lt3A_166 = arith.cmpf olt, %gather3A_165, %get3A_27 : vector<16xf32>
      %jit3A_167 = arith.constant 2048 : i32
      %jit3A_168 = arith.constant 0 : i32
      %broadcast_in_dim3A_169 = vector.broadcast %jit3A_167 : i32 to vector<16xi32>
      %broadcast_in_dim3A_170 = vector.broadcast %jit3A_168 : i32 to vector<16xi32>
      %select_n3A_171 = arith.select %lt3A_166, %broadcast_in_dim3A_169, %broadcast_in_dim3A_170 : vector<16xi1>, vector<16xi32>
      %add3A_172 = arith.addi %add3A_84, %select_n3A_171 : vector<16xi32>
      %add3A_173 = arith.constant 2047 : i32
      %add3A_174 = vector.broadcast %add3A_173 : i32 to vector<16xi32>
      %add3A_175 = arith.addi %add3A_95, %add3A_174 : vector<16xi32>
      %gather3A_176 = tpu.vector_load_idx %arg7[%add3A_175] : memref<8192xf32, #tpu.memory_space<vmem>>[vector<16xi32>], vector<16xf32>,
      %lt3A_177 = arith.cmpf olt, %gather3A_176, %get3A_31 : vector<16xf32>
      %jit3A_178 = arith.constant 2048 : i32
      %jit3A_179 = arith.constant 0 : i32
      %broadcast_in_dim3A_180 = vector.broadcast %jit3A_178 : i32 to vector<16xi32>
      %broadcast_in_dim3A_181 = vector.broadcast %jit3A_179 : i32 to vector<16xi32>
      %select_n3A_182 = arith.select %lt3A_177, %broadcast_in_dim3A_180, %broadcast_in_dim3A_181 : vector<16xi1>, vector<16xi32>
      %add3A_183 = arith.addi %add3A_95, %select_n3A_182 : vector<16xi32>
      %add3A_184 = arith.constant 2047 : i32
      %add3A_185 = vector.broadcast %add3A_184 : i32 to vector<16xi32>
      %add3A_186 = arith.addi %add3A_106, %add3A_185 : vector<16xi32>
      %gather3A_187 = tpu.vector_load_idx %arg7[%add3A_186] : memref<8192xf32, #tpu.memory_space<vmem>>[vector<16xi32>], vector<16xf32>,
      %lt3A_188 = arith.cmpf olt, %gather3A_187, %get3A_35 : vector<16xf32>
      %jit3A_189 = arith.constant 2048 : i32
      %jit3A_190 = arith.constant 0 : i32
      %broadcast_in_dim3A_191 = vector.broadcast %jit3A_189 : i32 to vector<16xi32>
      %broadcast_in_dim3A_192 = vector.broadcast %jit3A_190 : i32 to vector<16xi32>
      %select_n3A_193 = arith.select %lt3A_188, %broadcast_in_dim3A_191, %broadcast_in_dim3A_192 : vector<16xi1>, vector<16xi32>
      %add3A_194 = arith.addi %add3A_106, %select_n3A_193 : vector<16xi32>
      %add3A_195 = arith.constant 2047 : i32
      %add3A_196 = vector.broadcast %add3A_195 : i32 to vector<16xi32>
      %add3A_197 = arith.addi %add3A_117, %add3A_196 : vector<16xi32>
      %gather3A_198 = tpu.vector_load_idx %arg7[%add3A_197] : memref<8192xf32, #tpu.memory_space<vmem>>[vector<16xi32>], vector<16xf32>,
      %lt3A_199 = arith.cmpf olt, %gather3A_198, %get3A_39 : vector<16xf32>
      %jit3A_200 = arith.constant 2048 : i32
      %jit3A_201 = arith.constant 0 : i32
      %broadcast_in_dim3A_202 = vector.broadcast %jit3A_200 : i32 to vector<16xi32>
      %broadcast_in_dim3A_203 = vector.broadcast %jit3A_201 : i32 to vector<16xi32>
      %select_n3A_204 = arith.select %lt3A_199, %broadcast_in_dim3A_202, %broadcast_in_dim3A_203 : vector<16xi1>, vector<16xi32>
      %add3A_205 = arith.addi %add3A_117, %select_n3A_204 : vector<16xi32>
      %add3A_206 = arith.constant 2047 : i32
      %add3A_207 = vector.broadcast %add3A_206 : i32 to vector<16xi32>
      %add3A_208 = arith.addi %add3A_128, %add3A_207 : vector<16xi32>
      %gather3A_209 = tpu.vector_load_idx %arg7[%add3A_208] : memref<8192xf32, #tpu.memory_space<vmem>>[vector<16xi32>], vector<16xf32>,
      %lt3A_210 = arith.cmpf olt, %gather3A_209, %get3A_43 : vector<16xf32>
      %jit3A_211 = arith.constant 2048 : i32
      %jit3A_212 = arith.constant 0 : i32
      %broadcast_in_dim3A_213 = vector.broadcast %jit3A_211 : i32 to vector<16xi32>
      %broadcast_in_dim3A_214 = vector.broadcast %jit3A_212 : i32 to vector<16xi32>
      %select_n3A_215 = arith.select %lt3A_210, %broadcast_in_dim3A_213, %broadcast_in_dim3A_214 : vector<16xi1>, vector<16xi32>
      %add3A_216 = arith.addi %add3A_128, %select_n3A_215 : vector<16xi32>
      %add3A_217 = arith.constant 2047 : i32
      %add3A_218 = vector.broadcast %add3A_217 : i32 to vector<16xi32>
      %add3A_219 = arith.addi %add3A_139, %add3A_218 : vector<16xi32>
      %gather3A_220 = tpu.vector_load_idx %arg7[%add3A_219] : memref<8192xf32, #tpu.memory_space<vmem>>[vector<16xi32>], vector<16xf32>,
      %lt3A_221 = arith.cmpf olt, %gather3A_220, %get3A_47 : vector<16xf32>
      %jit3A_222 = arith.constant 2048 : i32
      %jit3A_223 = arith.constant 0 : i32
      %broadcast_in_dim3A_224 = vector.broadcast %jit3A_222 : i32 to vector<16xi32>
      %broadcast_in_dim3A_225 = vector.broadcast %jit3A_223 : i32 to vector<16xi32>
      %select_n3A_226 = arith.select %lt3A_221, %broadcast_in_dim3A_224, %broadcast_in_dim3A_225 : vector<16xi1>, vector<16xi32>
      %add3A_227 = arith.addi %add3A_139, %select_n3A_226 : vector<16xi32>
      %add3A_228 = arith.constant 2047 : i32
      %add3A_229 = vector.broadcast %add3A_228 : i32 to vector<16xi32>
      %add3A_230 = arith.addi %add3A_150, %add3A_229 : vector<16xi32>
      %gather3A_231 = tpu.vector_load_idx %arg7[%add3A_230] : memref<8192xf32, #tpu.memory_space<vmem>>[vector<16xi32>], vector<16xf32>,
      %lt3A_232 = arith.cmpf olt, %gather3A_231, %get3A_51 : vector<16xf32>
      %jit3A_233 = arith.constant 2048 : i32
      %jit3A_234 = arith.constant 0 : i32
      %broadcast_in_dim3A_235 = vector.broadcast %jit3A_233 : i32 to vector<16xi32>
      %broadcast_in_dim3A_236 = vector.broadcast %jit3A_234 : i32 to vector<16xi32>
      %select_n3A_237 = arith.select %lt3A_232, %broadcast_in_dim3A_235, %broadcast_in_dim3A_236 : vector<16xi1>, vector<16xi32>
      %add3A_238 = arith.addi %add3A_150, %select_n3A_237 : vector<16xi32>
      %add3A_239 = arith.constant 1023 : i32
      %add3A_240 = vector.broadcast %add3A_239 : i32 to vector<16xi32>
      %add3A_241 = arith.addi %add3A_161, %add3A_240 : vector<16xi32>
      %gather3A_242 = tpu.vector_load_idx %arg7[%add3A_241] : memref<8192xf32, #tpu.memory_space<vmem>>[vector<16xi32>], vector<16xf32>,
      %lt3A_243 = arith.cmpf olt, %gather3A_242, %get3A_23 : vector<16xf32>
      %jit3A_244 = arith.constant 1024 : i32
      %jit3A_245 = arith.constant 0 : i32
      %broadcast_in_dim3A_246 = vector.broadcast %jit3A_244 : i32 to vector<16xi32>
      %broadcast_in_dim3A_247 = vector.broadcast %jit3A_245 : i32 to vector<16xi32>
      %select_n3A_248 = arith.select %lt3A_243, %broadcast_in_dim3A_246, %broadcast_in_dim3A_247 : vector<16xi1>, vector<16xi32>
      %add3A_249 = arith.addi %add3A_161, %select_n3A_248 : vector<16xi32>
      %add3A_250 = arith.constant 1023 : i32
      %add3A_251 = vector.broadcast %add3A_250 : i32 to vector<16xi32>
      %add3A_252 = arith.addi %add3A_172, %add3A_251 : vector<16xi32>
      %gather3A_253 = tpu.vector_load_idx %arg7[%add3A_252] : memref<8192xf32, #tpu.memory_space<vmem>>[vector<16xi32>], vector<16xf32>,
      %lt3A_254 = arith.cmpf olt, %gather3A_253, %get3A_27 : vector<16xf32>
      %jit3A_255 = arith.constant 1024 : i32
      %jit3A_256 = arith.constant 0 : i32
      %broadcast_in_dim3A_257 = vector.broadcast %jit3A_255 : i32 to vector<16xi32>
      %broadcast_in_dim3A_258 = vector.broadcast %jit3A_256 : i32 to vector<16xi32>
      %select_n3A_259 = arith.select %lt3A_254, %broadcast_in_dim3A_257, %broadcast_in_dim3A_258 : vector<16xi1>, vector<16xi32>
      %add3A_260 = arith.addi %add3A_172, %select_n3A_259 : vector<16xi32>
      %add3A_261 = arith.constant 1023 : i32
      %add3A_262 = vector.broadcast %add3A_261 : i32 to vector<16xi32>
      %add3A_263 = arith.addi %add3A_183, %add3A_262 : vector<16xi32>
      %gather3A_264 = tpu.vector_load_idx %arg7[%add3A_263] : memref<8192xf32, #tpu.memory_space<vmem>>[vector<16xi32>], vector<16xf32>,
      %lt3A_265 = arith.cmpf olt, %gather3A_264, %get3A_31 : vector<16xf32>
      %jit3A_266 = arith.constant 1024 : i32
      %jit3A_267 = arith.constant 0 : i32
      %broadcast_in_dim3A_268 = vector.broadcast %jit3A_266 : i32 to vector<16xi32>
      %broadcast_in_dim3A_269 = vector.broadcast %jit3A_267 : i32 to vector<16xi32>
      %select_n3A_270 = arith.select %lt3A_265, %broadcast_in_dim3A_268, %broadcast_in_dim3A_269 : vector<16xi1>, vector<16xi32>
      %add3A_271 = arith.addi %add3A_183, %select_n3A_270 : vector<16xi32>
      %add3A_272 = arith.constant 1023 : i32
      %add3A_273 = vector.broadcast %add3A_272 : i32 to vector<16xi32>
      %add3A_274 = arith.addi %add3A_194, %add3A_273 : vector<16xi32>
      %gather3A_275 = tpu.vector_load_idx %arg7[%add3A_274] : memref<8192xf32, #tpu.memory_space<vmem>>[vector<16xi32>], vector<16xf32>,
      %lt3A_276 = arith.cmpf olt, %gather3A_275, %get3A_35 : vector<16xf32>
      %jit3A_277 = arith.constant 1024 : i32
      %jit3A_278 = arith.constant 0 : i32
      %broadcast_in_dim3A_279 = vector.broadcast %jit3A_277 : i32 to vector<16xi32>
      %broadcast_in_dim3A_280 = vector.broadcast %jit3A_278 : i32 to vector<16xi32>
      %select_n3A_281 = arith.select %lt3A_276, %broadcast_in_dim3A_279, %broadcast_in_dim3A_280 : vector<16xi1>, vector<16xi32>
      %add3A_282 = arith.addi %add3A_194, %select_n3A_281 : vector<16xi32>
      %add3A_283 = arith.constant 1023 : i32
      %add3A_284 = vector.broadcast %add3A_283 : i32 to vector<16xi32>
      %add3A_285 = arith.addi %add3A_205, %add3A_284 : vector<16xi32>
      %gather3A_286 = tpu.vector_load_idx %arg7[%add3A_285] : memref<8192xf32, #tpu.memory_space<vmem>>[vector<16xi32>], vector<16xf32>,
      %lt3A_287 = arith.cmpf olt, %gather3A_286, %get3A_39 : vector<16xf32>
      %jit3A_288 = arith.constant 1024 : i32
      %jit3A_289 = arith.constant 0 : i32
      %broadcast_in_dim3A_290 = vector.broadcast %jit3A_288 : i32 to vector<16xi32>
      %broadcast_in_dim3A_291 = vector.broadcast %jit3A_289 : i32 to vector<16xi32>
      %select_n3A_292 = arith.select %lt3A_287, %broadcast_in_dim3A_290, %broadcast_in_dim3A_291 : vector<16xi1>, vector<16xi32>
      %add3A_293 = arith.addi %add3A_205, %select_n3A_292 : vector<16xi32>
      %add3A_294 = arith.constant 1023 : i32
      %add3A_295 = vector.broadcast %add3A_294 : i32 to vector<16xi32>
      %add3A_296 = arith.addi %add3A_216, %add3A_295 : vector<16xi32>
      %gather3A_297 = tpu.vector_load_idx %arg7[%add3A_296] : memref<8192xf32, #tpu.memory_space<vmem>>[vector<16xi32>], vector<16xf32>,
      %lt3A_298 = arith.cmpf olt, %gather3A_297, %get3A_43 : vector<16xf32>
      %jit3A_299 = arith.constant 1024 : i32
      %jit3A_300 = arith.constant 0 : i32
      %broadcast_in_dim3A_301 = vector.broadcast %jit3A_299 : i32 to vector<16xi32>
      %broadcast_in_dim3A_302 = vector.broadcast %jit3A_300 : i32 to vector<16xi32>
      %select_n3A_303 = arith.select %lt3A_298, %broadcast_in_dim3A_301, %broadcast_in_dim3A_302 : vector<16xi1>, vector<16xi32>
      %add3A_304 = arith.addi %add3A_216, %select_n3A_303 : vector<16xi32>
      %add3A_305 = arith.constant 1023 : i32
      %add3A_306 = vector.broadcast %add3A_305 : i32 to vector<16xi32>
      %add3A_307 = arith.addi %add3A_227, %add3A_306 : vector<16xi32>
      %gather3A_308 = tpu.vector_load_idx %arg7[%add3A_307] : memref<8192xf32, #tpu.memory_space<vmem>>[vector<16xi32>], vector<16xf32>,
      %lt3A_309 = arith.cmpf olt, %gather3A_308, %get3A_47 : vector<16xf32>
      %jit3A_310 = arith.constant 1024 : i32
      %jit3A_311 = arith.constant 0 : i32
      %broadcast_in_dim3A_312 = vector.broadcast %jit3A_310 : i32 to vector<16xi32>
      %broadcast_in_dim3A_313 = vector.broadcast %jit3A_311 : i32 to vector<16xi32>
      %select_n3A_314 = arith.select %lt3A_309, %broadcast_in_dim3A_312, %broadcast_in_dim3A_313 : vector<16xi1>, vector<16xi32>
      %add3A_315 = arith.addi %add3A_227, %select_n3A_314 : vector<16xi32>
      %add3A_316 = arith.constant 1023 : i32
      %add3A_317 = vector.broadcast %add3A_316 : i32 to vector<16xi32>
      %add3A_318 = arith.addi %add3A_238, %add3A_317 : vector<16xi32>
      %gather3A_319 = tpu.vector_load_idx %arg7[%add3A_318] : memref<8192xf32, #tpu.memory_space<vmem>>[vector<16xi32>], vector<16xf32>,
      %lt3A_320 = arith.cmpf olt, %gather3A_319, %get3A_51 : vector<16xf32>
      %jit3A_321 = arith.constant 1024 : i32
      %jit3A_322 = arith.constant 0 : i32
      %broadcast_in_dim3A_323 = vector.broadcast %jit3A_321 : i32 to vector<16xi32>
      %broadcast_in_dim3A_324 = vector.broadcast %jit3A_322 : i32 to vector<16xi32>
      %select_n3A_325 = arith.select %lt3A_320, %broadcast_in_dim3A_323, %broadcast_in_dim3A_324 : vector<16xi1>, vector<16xi32>
      %add3A_326 = arith.addi %add3A_238, %select_n3A_325 : vector<16xi32>
      %add3A_327 = arith.constant 511 : i32
      %add3A_328 = vector.broadcast %add3A_327 : i32 to vector<16xi32>
      %add3A_329 = arith.addi %add3A_249, %add3A_328 : vector<16xi32>
      %gather3A_330 = tpu.vector_load_idx %arg7[%add3A_329] : memref<8192xf32, #tpu.memory_space<vmem>>[vector<16xi32>], vector<16xf32>,
      %lt3A_331 = arith.cmpf olt, %gather3A_330, %get3A_23 : vector<16xf32>
      %jit3A_332 = arith.constant 512 : i32
      %jit3A_333 = arith.constant 0 : i32
      %broadcast_in_dim3A_334 = vector.broadcast %jit3A_332 : i32 to vector<16xi32>
      %broadcast_in_dim3A_335 = vector.broadcast %jit3A_333 : i32 to vector<16xi32>
      %select_n3A_336 = arith.select %lt3A_331, %broadcast_in_dim3A_334, %broadcast_in_dim3A_335 : vector<16xi1>, vector<16xi32>
      %add3A_337 = arith.addi %add3A_249, %select_n3A_336 : vector<16xi32>
      %add3A_338 = arith.constant 511 : i32
      %add3A_339 = vector.broadcast %add3A_338 : i32 to vector<16xi32>
      %add3A_340 = arith.addi %add3A_260, %add3A_339 : vector<16xi32>
      %gather3A_341 = tpu.vector_load_idx %arg7[%add3A_340] : memref<8192xf32, #tpu.memory_space<vmem>>[vector<16xi32>], vector<16xf32>,
      %lt3A_342 = arith.cmpf olt, %gather3A_341, %get3A_27 : vector<16xf32>
      %jit3A_343 = arith.constant 512 : i32
      %jit3A_344 = arith.constant 0 : i32
      %broadcast_in_dim3A_345 = vector.broadcast %jit3A_343 : i32 to vector<16xi32>
      %broadcast_in_dim3A_346 = vector.broadcast %jit3A_344 : i32 to vector<16xi32>
      %select_n3A_347 = arith.select %lt3A_342, %broadcast_in_dim3A_345, %broadcast_in_dim3A_346 : vector<16xi1>, vector<16xi32>
      %add3A_348 = arith.addi %add3A_260, %select_n3A_347 : vector<16xi32>
      %add3A_349 = arith.constant 511 : i32
      %add3A_350 = vector.broadcast %add3A_349 : i32 to vector<16xi32>
      %add3A_351 = arith.addi %add3A_271, %add3A_350 : vector<16xi32>
      %gather3A_352 = tpu.vector_load_idx %arg7[%add3A_351] : memref<8192xf32, #tpu.memory_space<vmem>>[vector<16xi32>], vector<16xf32>,
      %lt3A_353 = arith.cmpf olt, %gather3A_352, %get3A_31 : vector<16xf32>
      %jit3A_354 = arith.constant 512 : i32
      %jit3A_355 = arith.constant 0 : i32
      %broadcast_in_dim3A_356 = vector.broadcast %jit3A_354 : i32 to vector<16xi32>
      %broadcast_in_dim3A_357 = vector.broadcast %jit3A_355 : i32 to vector<16xi32>
      %select_n3A_358 = arith.select %lt3A_353, %broadcast_in_dim3A_356, %broadcast_in_dim3A_357 : vector<16xi1>, vector<16xi32>
      %add3A_359 = arith.addi %add3A_271, %select_n3A_358 : vector<16xi32>
      %add3A_360 = arith.constant 511 : i32
      %add3A_361 = vector.broadcast %add3A_360 : i32 to vector<16xi32>
      %add3A_362 = arith.addi %add3A_282, %add3A_361 : vector<16xi32>
      %gather3A_363 = tpu.vector_load_idx %arg7[%add3A_362] : memref<8192xf32, #tpu.memory_space<vmem>>[vector<16xi32>], vector<16xf32>,
      %lt3A_364 = arith.cmpf olt, %gather3A_363, %get3A_35 : vector<16xf32>
      %jit3A_365 = arith.constant 512 : i32
      %jit3A_366 = arith.constant 0 : i32
      %broadcast_in_dim3A_367 = vector.broadcast %jit3A_365 : i32 to vector<16xi32>
      %broadcast_in_dim3A_368 = vector.broadcast %jit3A_366 : i32 to vector<16xi32>
      %select_n3A_369 = arith.select %lt3A_364, %broadcast_in_dim3A_367, %broadcast_in_dim3A_368 : vector<16xi1>, vector<16xi32>
      %add3A_370 = arith.addi %add3A_282, %select_n3A_369 : vector<16xi32>
      %add3A_371 = arith.constant 511 : i32
      %add3A_372 = vector.broadcast %add3A_371 : i32 to vector<16xi32>
      %add3A_373 = arith.addi %add3A_293, %add3A_372 : vector<16xi32>
      %gather3A_374 = tpu.vector_load_idx %arg7[%add3A_373] : memref<8192xf32, #tpu.memory_space<vmem>>[vector<16xi32>], vector<16xf32>,
      %lt3A_375 = arith.cmpf olt, %gather3A_374, %get3A_39 : vector<16xf32>
      %jit3A_376 = arith.constant 512 : i32
      %jit3A_377 = arith.constant 0 : i32
      %broadcast_in_dim3A_378 = vector.broadcast %jit3A_376 : i32 to vector<16xi32>
      %broadcast_in_dim3A_379 = vector.broadcast %jit3A_377 : i32 to vector<16xi32>
      %select_n3A_380 = arith.select %lt3A_375, %broadcast_in_dim3A_378, %broadcast_in_dim3A_379 : vector<16xi1>, vector<16xi32>
      %add3A_381 = arith.addi %add3A_293, %select_n3A_380 : vector<16xi32>
      %add3A_382 = arith.constant 511 : i32
      %add3A_383 = vector.broadcast %add3A_382 : i32 to vector<16xi32>
      %add3A_384 = arith.addi %add3A_304, %add3A_383 : vector<16xi32>
      %gather3A_385 = tpu.vector_load_idx %arg7[%add3A_384] : memref<8192xf32, #tpu.memory_space<vmem>>[vector<16xi32>], vector<16xf32>,
      %lt3A_386 = arith.cmpf olt, %gather3A_385, %get3A_43 : vector<16xf32>
      %jit3A_387 = arith.constant 512 : i32
      %jit3A_388 = arith.constant 0 : i32
      %broadcast_in_dim3A_389 = vector.broadcast %jit3A_387 : i32 to vector<16xi32>
      %broadcast_in_dim3A_390 = vector.broadcast %jit3A_388 : i32 to vector<16xi32>
      %select_n3A_391 = arith.select %lt3A_386, %broadcast_in_dim3A_389, %broadcast_in_dim3A_390 : vector<16xi1>, vector<16xi32>
      %add3A_392 = arith.addi %add3A_304, %select_n3A_391 : vector<16xi32>
      %add3A_393 = arith.constant 511 : i32
      %add3A_394 = vector.broadcast %add3A_393 : i32 to vector<16xi32>
      %add3A_395 = arith.addi %add3A_315, %add3A_394 : vector<16xi32>
      %gather3A_396 = tpu.vector_load_idx %arg7[%add3A_395] : memref<8192xf32, #tpu.memory_space<vmem>>[vector<16xi32>], vector<16xf32>,
      %lt3A_397 = arith.cmpf olt, %gather3A_396, %get3A_47 : vector<16xf32>
      %jit3A_398 = arith.constant 512 : i32
      %jit3A_399 = arith.constant 0 : i32
      %broadcast_in_dim3A_400 = vector.broadcast %jit3A_398 : i32 to vector<16xi32>
      %broadcast_in_dim3A_401 = vector.broadcast %jit3A_399 : i32 to vector<16xi32>
      %select_n3A_402 = arith.select %lt3A_397, %broadcast_in_dim3A_400, %broadcast_in_dim3A_401 : vector<16xi1>, vector<16xi32>
      %add3A_403 = arith.addi %add3A_315, %select_n3A_402 : vector<16xi32>
      %add3A_404 = arith.constant 511 : i32
      %add3A_405 = vector.broadcast %add3A_404 : i32 to vector<16xi32>
      %add3A_406 = arith.addi %add3A_326, %add3A_405 : vector<16xi32>
      %gather3A_407 = tpu.vector_load_idx %arg7[%add3A_406] : memref<8192xf32, #tpu.memory_space<vmem>>[vector<16xi32>], vector<16xf32>,
      %lt3A_408 = arith.cmpf olt, %gather3A_407, %get3A_51 : vector<16xf32>
      %jit3A_409 = arith.constant 512 : i32
      %jit3A_410 = arith.constant 0 : i32
      %broadcast_in_dim3A_411 = vector.broadcast %jit3A_409 : i32 to vector<16xi32>
      %broadcast_in_dim3A_412 = vector.broadcast %jit3A_410 : i32 to vector<16xi32>
      %select_n3A_413 = arith.select %lt3A_408, %broadcast_in_dim3A_411, %broadcast_in_dim3A_412 : vector<16xi1>, vector<16xi32>
      %add3A_414 = arith.addi %add3A_326, %select_n3A_413 : vector<16xi32>
      %add3A_415 = arith.constant 255 : i32
      %add3A_416 = vector.broadcast %add3A_415 : i32 to vector<16xi32>
      %add3A_417 = arith.addi %add3A_337, %add3A_416 : vector<16xi32>
      %gather3A_418 = tpu.vector_load_idx %arg7[%add3A_417] : memref<8192xf32, #tpu.memory_space<vmem>>[vector<16xi32>], vector<16xf32>,
      %lt3A_419 = arith.cmpf olt, %gather3A_418, %get3A_23 : vector<16xf32>
      %jit3A_420 = arith.constant 256 : i32
      %jit3A_421 = arith.constant 0 : i32
      %broadcast_in_dim3A_422 = vector.broadcast %jit3A_420 : i32 to vector<16xi32>
      %broadcast_in_dim3A_423 = vector.broadcast %jit3A_421 : i32 to vector<16xi32>
      %select_n3A_424 = arith.select %lt3A_419, %broadcast_in_dim3A_422, %broadcast_in_dim3A_423 : vector<16xi1>, vector<16xi32>
      %add3A_425 = arith.addi %add3A_337, %select_n3A_424 : vector<16xi32>
      %add3A_426 = arith.constant 255 : i32
      %add3A_427 = vector.broadcast %add3A_426 : i32 to vector<16xi32>
      %add3A_428 = arith.addi %add3A_348, %add3A_427 : vector<16xi32>
      %gather3A_429 = tpu.vector_load_idx %arg7[%add3A_428] : memref<8192xf32, #tpu.memory_space<vmem>>[vector<16xi32>], vector<16xf32>,
      %lt3A_430 = arith.cmpf olt, %gather3A_429, %get3A_27 : vector<16xf32>
      %jit3A_431 = arith.constant 256 : i32
      %jit3A_432 = arith.constant 0 : i32
      %broadcast_in_dim3A_433 = vector.broadcast %jit3A_431 : i32 to vector<16xi32>
      %broadcast_in_dim3A_434 = vector.broadcast %jit3A_432 : i32 to vector<16xi32>
      %select_n3A_435 = arith.select %lt3A_430, %broadcast_in_dim3A_433, %broadcast_in_dim3A_434 : vector<16xi1>, vector<16xi32>
      %add3A_436 = arith.addi %add3A_348, %select_n3A_435 : vector<16xi32>
      %add3A_437 = arith.constant 255 : i32
      %add3A_438 = vector.broadcast %add3A_437 : i32 to vector<16xi32>
      %add3A_439 = arith.addi %add3A_359, %add3A_438 : vector<16xi32>
      %gather3A_440 = tpu.vector_load_idx %arg7[%add3A_439] : memref<8192xf32, #tpu.memory_space<vmem>>[vector<16xi32>], vector<16xf32>,
      %lt3A_441 = arith.cmpf olt, %gather3A_440, %get3A_31 : vector<16xf32>
      %jit3A_442 = arith.constant 256 : i32
      %jit3A_443 = arith.constant 0 : i32
      %broadcast_in_dim3A_444 = vector.broadcast %jit3A_442 : i32 to vector<16xi32>
      %broadcast_in_dim3A_445 = vector.broadcast %jit3A_443 : i32 to vector<16xi32>
      %select_n3A_446 = arith.select %lt3A_441, %broadcast_in_dim3A_444, %broadcast_in_dim3A_445 : vector<16xi1>, vector<16xi32>
      %add3A_447 = arith.addi %add3A_359, %select_n3A_446 : vector<16xi32>
      %add3A_448 = arith.constant 255 : i32
      %add3A_449 = vector.broadcast %add3A_448 : i32 to vector<16xi32>
      %add3A_450 = arith.addi %add3A_370, %add3A_449 : vector<16xi32>
      %gather3A_451 = tpu.vector_load_idx %arg7[%add3A_450] : memref<8192xf32, #tpu.memory_space<vmem>>[vector<16xi32>], vector<16xf32>,
      %lt3A_452 = arith.cmpf olt, %gather3A_451, %get3A_35 : vector<16xf32>
      %jit3A_453 = arith.constant 256 : i32
      %jit3A_454 = arith.constant 0 : i32
      %broadcast_in_dim3A_455 = vector.broadcast %jit3A_453 : i32 to vector<16xi32>
      %broadcast_in_dim3A_456 = vector.broadcast %jit3A_454 : i32 to vector<16xi32>
      %select_n3A_457 = arith.select %lt3A_452, %broadcast_in_dim3A_455, %broadcast_in_dim3A_456 : vector<16xi1>, vector<16xi32>
      %add3A_458 = arith.addi %add3A_370, %select_n3A_457 : vector<16xi32>
      %add3A_459 = arith.constant 255 : i32
      %add3A_460 = vector.broadcast %add3A_459 : i32 to vector<16xi32>
      %add3A_461 = arith.addi %add3A_381, %add3A_460 : vector<16xi32>
      %gather3A_462 = tpu.vector_load_idx %arg7[%add3A_461] : memref<8192xf32, #tpu.memory_space<vmem>>[vector<16xi32>], vector<16xf32>,
      %lt3A_463 = arith.cmpf olt, %gather3A_462, %get3A_39 : vector<16xf32>
      %jit3A_464 = arith.constant 256 : i32
      %jit3A_465 = arith.constant 0 : i32
      %broadcast_in_dim3A_466 = vector.broadcast %jit3A_464 : i32 to vector<16xi32>
      %broadcast_in_dim3A_467 = vector.broadcast %jit3A_465 : i32 to vector<16xi32>
      %select_n3A_468 = arith.select %lt3A_463, %broadcast_in_dim3A_466, %broadcast_in_dim3A_467 : vector<16xi1>, vector<16xi32>
      %add3A_469 = arith.addi %add3A_381, %select_n3A_468 : vector<16xi32>
      %add3A_470 = arith.constant 255 : i32
      %add3A_471 = vector.broadcast %add3A_470 : i32 to vector<16xi32>
      %add3A_472 = arith.addi %add3A_392, %add3A_471 : vector<16xi32>
      %gather3A_473 = tpu.vector_load_idx %arg7[%add3A_472] : memref<8192xf32, #tpu.memory_space<vmem>>[vector<16xi32>], vector<16xf32>,
      %lt3A_474 = arith.cmpf olt, %gather3A_473, %get3A_43 : vector<16xf32>
      %jit3A_475 = arith.constant 256 : i32
      %jit3A_476 = arith.constant 0 : i32
      %broadcast_in_dim3A_477 = vector.broadcast %jit3A_475 : i32 to vector<16xi32>
      %broadcast_in_dim3A_478 = vector.broadcast %jit3A_476 : i32 to vector<16xi32>
      %select_n3A_479 = arith.select %lt3A_474, %broadcast_in_dim3A_477, %broadcast_in_dim3A_478 : vector<16xi1>, vector<16xi32>
      %add3A_480 = arith.addi %add3A_392, %select_n3A_479 : vector<16xi32>
      %add3A_481 = arith.constant 255 : i32
      %add3A_482 = vector.broadcast %add3A_481 : i32 to vector<16xi32>
      %add3A_483 = arith.addi %add3A_403, %add3A_482 : vector<16xi32>
      %gather3A_484 = tpu.vector_load_idx %arg7[%add3A_483] : memref<8192xf32, #tpu.memory_space<vmem>>[vector<16xi32>], vector<16xf32>,
      %lt3A_485 = arith.cmpf olt, %gather3A_484, %get3A_47 : vector<16xf32>
      %jit3A_486 = arith.constant 256 : i32
      %jit3A_487 = arith.constant 0 : i32
      %broadcast_in_dim3A_488 = vector.broadcast %jit3A_486 : i32 to vector<16xi32>
      %broadcast_in_dim3A_489 = vector.broadcast %jit3A_487 : i32 to vector<16xi32>
      %select_n3A_490 = arith.select %lt3A_485, %broadcast_in_dim3A_488, %broadcast_in_dim3A_489 : vector<16xi1>, vector<16xi32>
      %add3A_491 = arith.addi %add3A_403, %select_n3A_490 : vector<16xi32>
      %add3A_492 = arith.constant 255 : i32
      %add3A_493 = vector.broadcast %add3A_492 : i32 to vector<16xi32>
      %add3A_494 = arith.addi %add3A_414, %add3A_493 : vector<16xi32>
      %gather3A_495 = tpu.vector_load_idx %arg7[%add3A_494] : memref<8192xf32, #tpu.memory_space<vmem>>[vector<16xi32>], vector<16xf32>,
      %lt3A_496 = arith.cmpf olt, %gather3A_495, %get3A_51 : vector<16xf32>
      %jit3A_497 = arith.constant 256 : i32
      %jit3A_498 = arith.constant 0 : i32
      %broadcast_in_dim3A_499 = vector.broadcast %jit3A_497 : i32 to vector<16xi32>
      %broadcast_in_dim3A_500 = vector.broadcast %jit3A_498 : i32 to vector<16xi32>
      %select_n3A_501 = arith.select %lt3A_496, %broadcast_in_dim3A_499, %broadcast_in_dim3A_500 : vector<16xi1>, vector<16xi32>
      %add3A_502 = arith.addi %add3A_414, %select_n3A_501 : vector<16xi32>
      %add3A_503 = arith.constant 127 : i32
      %add3A_504 = vector.broadcast %add3A_503 : i32 to vector<16xi32>
      %add3A_505 = arith.addi %add3A_425, %add3A_504 : vector<16xi32>
      %gather3A_506 = tpu.vector_load_idx %arg7[%add3A_505] : memref<8192xf32, #tpu.memory_space<vmem>>[vector<16xi32>], vector<16xf32>,
      %lt3A_507 = arith.cmpf olt, %gather3A_506, %get3A_23 : vector<16xf32>
      %jit3A_508 = arith.constant 128 : i32
      %jit3A_509 = arith.constant 0 : i32
      %broadcast_in_dim3A_510 = vector.broadcast %jit3A_508 : i32 to vector<16xi32>
      %broadcast_in_dim3A_511 = vector.broadcast %jit3A_509 : i32 to vector<16xi32>
      %select_n3A_512 = arith.select %lt3A_507, %broadcast_in_dim3A_510, %broadcast_in_dim3A_511 : vector<16xi1>, vector<16xi32>
      %add3A_513 = arith.addi %add3A_425, %select_n3A_512 : vector<16xi32>
      %add3A_514 = arith.constant 127 : i32
      %add3A_515 = vector.broadcast %add3A_514 : i32 to vector<16xi32>
      %add3A_516 = arith.addi %add3A_436, %add3A_515 : vector<16xi32>
      %gather3A_517 = tpu.vector_load_idx %arg7[%add3A_516] : memref<8192xf32, #tpu.memory_space<vmem>>[vector<16xi32>], vector<16xf32>,
      %lt3A_518 = arith.cmpf olt, %gather3A_517, %get3A_27 : vector<16xf32>
      %jit3A_519 = arith.constant 128 : i32
      %jit3A_520 = arith.constant 0 : i32
      %broadcast_in_dim3A_521 = vector.broadcast %jit3A_519 : i32 to vector<16xi32>
      %broadcast_in_dim3A_522 = vector.broadcast %jit3A_520 : i32 to vector<16xi32>
      %select_n3A_523 = arith.select %lt3A_518, %broadcast_in_dim3A_521, %broadcast_in_dim3A_522 : vector<16xi1>, vector<16xi32>
      %add3A_524 = arith.addi %add3A_436, %select_n3A_523 : vector<16xi32>
      %add3A_525 = arith.constant 127 : i32
      %add3A_526 = vector.broadcast %add3A_525 : i32 to vector<16xi32>
      %add3A_527 = arith.addi %add3A_447, %add3A_526 : vector<16xi32>
      %gather3A_528 = tpu.vector_load_idx %arg7[%add3A_527] : memref<8192xf32, #tpu.memory_space<vmem>>[vector<16xi32>], vector<16xf32>,
      %lt3A_529 = arith.cmpf olt, %gather3A_528, %get3A_31 : vector<16xf32>
      %jit3A_530 = arith.constant 128 : i32
      %jit3A_531 = arith.constant 0 : i32
      %broadcast_in_dim3A_532 = vector.broadcast %jit3A_530 : i32 to vector<16xi32>
      %broadcast_in_dim3A_533 = vector.broadcast %jit3A_531 : i32 to vector<16xi32>
      %select_n3A_534 = arith.select %lt3A_529, %broadcast_in_dim3A_532, %broadcast_in_dim3A_533 : vector<16xi1>, vector<16xi32>
      %add3A_535 = arith.addi %add3A_447, %select_n3A_534 : vector<16xi32>
      %add3A_536 = arith.constant 127 : i32
      %add3A_537 = vector.broadcast %add3A_536 : i32 to vector<16xi32>
      %add3A_538 = arith.addi %add3A_458, %add3A_537 : vector<16xi32>
      %gather3A_539 = tpu.vector_load_idx %arg7[%add3A_538] : memref<8192xf32, #tpu.memory_space<vmem>>[vector<16xi32>], vector<16xf32>,
      %lt3A_540 = arith.cmpf olt, %gather3A_539, %get3A_35 : vector<16xf32>
      %jit3A_541 = arith.constant 128 : i32
      %jit3A_542 = arith.constant 0 : i32
      %broadcast_in_dim3A_543 = vector.broadcast %jit3A_541 : i32 to vector<16xi32>
      %broadcast_in_dim3A_544 = vector.broadcast %jit3A_542 : i32 to vector<16xi32>
      %select_n3A_545 = arith.select %lt3A_540, %broadcast_in_dim3A_543, %broadcast_in_dim3A_544 : vector<16xi1>, vector<16xi32>
      %add3A_546 = arith.addi %add3A_458, %select_n3A_545 : vector<16xi32>
      %add3A_547 = arith.constant 127 : i32
      %add3A_548 = vector.broadcast %add3A_547 : i32 to vector<16xi32>
      %add3A_549 = arith.addi %add3A_469, %add3A_548 : vector<16xi32>
      %gather3A_550 = tpu.vector_load_idx %arg7[%add3A_549] : memref<8192xf32, #tpu.memory_space<vmem>>[vector<16xi32>], vector<16xf32>,
      %lt3A_551 = arith.cmpf olt, %gather3A_550, %get3A_39 : vector<16xf32>
      %jit3A_552 = arith.constant 128 : i32
      %jit3A_553 = arith.constant 0 : i32
      %broadcast_in_dim3A_554 = vector.broadcast %jit3A_552 : i32 to vector<16xi32>
      %broadcast_in_dim3A_555 = vector.broadcast %jit3A_553 : i32 to vector<16xi32>
      %select_n3A_556 = arith.select %lt3A_551, %broadcast_in_dim3A_554, %broadcast_in_dim3A_555 : vector<16xi1>, vector<16xi32>
      %add3A_557 = arith.addi %add3A_469, %select_n3A_556 : vector<16xi32>
      %add3A_558 = arith.constant 127 : i32
      %add3A_559 = vector.broadcast %add3A_558 : i32 to vector<16xi32>
      %add3A_560 = arith.addi %add3A_480, %add3A_559 : vector<16xi32>
      %gather3A_561 = tpu.vector_load_idx %arg7[%add3A_560] : memref<8192xf32, #tpu.memory_space<vmem>>[vector<16xi32>], vector<16xf32>,
      %lt3A_562 = arith.cmpf olt, %gather3A_561, %get3A_43 : vector<16xf32>
      %jit3A_563 = arith.constant 128 : i32
      %jit3A_564 = arith.constant 0 : i32
      %broadcast_in_dim3A_565 = vector.broadcast %jit3A_563 : i32 to vector<16xi32>
      %broadcast_in_dim3A_566 = vector.broadcast %jit3A_564 : i32 to vector<16xi32>
      %select_n3A_567 = arith.select %lt3A_562, %broadcast_in_dim3A_565, %broadcast_in_dim3A_566 : vector<16xi1>, vector<16xi32>
      %add3A_568 = arith.addi %add3A_480, %select_n3A_567 : vector<16xi32>
      %add3A_569 = arith.constant 127 : i32
      %add3A_570 = vector.broadcast %add3A_569 : i32 to vector<16xi32>
      %add3A_571 = arith.addi %add3A_491, %add3A_570 : vector<16xi32>
      %gather3A_572 = tpu.vector_load_idx %arg7[%add3A_571] : memref<8192xf32, #tpu.memory_space<vmem>>[vector<16xi32>], vector<16xf32>,
      %lt3A_573 = arith.cmpf olt, %gather3A_572, %get3A_47 : vector<16xf32>
      %jit3A_574 = arith.constant 128 : i32
      %jit3A_575 = arith.constant 0 : i32
      %broadcast_in_dim3A_576 = vector.broadcast %jit3A_574 : i32 to vector<16xi32>
      %broadcast_in_dim3A_577 = vector.broadcast %jit3A_575 : i32 to vector<16xi32>
      %select_n3A_578 = arith.select %lt3A_573, %broadcast_in_dim3A_576, %broadcast_in_dim3A_577 : vector<16xi1>, vector<16xi32>
      %add3A_579 = arith.addi %add3A_491, %select_n3A_578 : vector<16xi32>
      %add3A_580 = arith.constant 127 : i32
      %add3A_581 = vector.broadcast %add3A_580 : i32 to vector<16xi32>
      %add3A_582 = arith.addi %add3A_502, %add3A_581 : vector<16xi32>
      %gather3A_583 = tpu.vector_load_idx %arg7[%add3A_582] : memref<8192xf32, #tpu.memory_space<vmem>>[vector<16xi32>], vector<16xf32>,
      %lt3A_584 = arith.cmpf olt, %gather3A_583, %get3A_51 : vector<16xf32>
      %jit3A_585 = arith.constant 128 : i32
      %jit3A_586 = arith.constant 0 : i32
      %broadcast_in_dim3A_587 = vector.broadcast %jit3A_585 : i32 to vector<16xi32>
      %broadcast_in_dim3A_588 = vector.broadcast %jit3A_586 : i32 to vector<16xi32>
      %select_n3A_589 = arith.select %lt3A_584, %broadcast_in_dim3A_587, %broadcast_in_dim3A_588 : vector<16xi1>, vector<16xi32>
      %add3A_590 = arith.addi %add3A_502, %select_n3A_589 : vector<16xi32>
      %add3A_591 = arith.constant 63 : i32
      %add3A_592 = vector.broadcast %add3A_591 : i32 to vector<16xi32>
      %add3A_593 = arith.addi %add3A_513, %add3A_592 : vector<16xi32>
      %gather3A_594 = tpu.vector_load_idx %arg7[%add3A_593] : memref<8192xf32, #tpu.memory_space<vmem>>[vector<16xi32>], vector<16xf32>,
      %lt3A_595 = arith.cmpf olt, %gather3A_594, %get3A_23 : vector<16xf32>
      %jit3A_596 = arith.constant 64 : i32
      %jit3A_597 = arith.constant 0 : i32
      %broadcast_in_dim3A_598 = vector.broadcast %jit3A_596 : i32 to vector<16xi32>
      %broadcast_in_dim3A_599 = vector.broadcast %jit3A_597 : i32 to vector<16xi32>
      %select_n3A_600 = arith.select %lt3A_595, %broadcast_in_dim3A_598, %broadcast_in_dim3A_599 : vector<16xi1>, vector<16xi32>
      %add3A_601 = arith.addi %add3A_513, %select_n3A_600 : vector<16xi32>
      %add3A_602 = arith.constant 63 : i32
      %add3A_603 = vector.broadcast %add3A_602 : i32 to vector<16xi32>
      %add3A_604 = arith.addi %add3A_524, %add3A_603 : vector<16xi32>
      %gather3A_605 = tpu.vector_load_idx %arg7[%add3A_604] : memref<8192xf32, #tpu.memory_space<vmem>>[vector<16xi32>], vector<16xf32>,
      %lt3A_606 = arith.cmpf olt, %gather3A_605, %get3A_27 : vector<16xf32>
      %jit3A_607 = arith.constant 64 : i32
      %jit3A_608 = arith.constant 0 : i32
      %broadcast_in_dim3A_609 = vector.broadcast %jit3A_607 : i32 to vector<16xi32>
      %broadcast_in_dim3A_610 = vector.broadcast %jit3A_608 : i32 to vector<16xi32>
      %select_n3A_611 = arith.select %lt3A_606, %broadcast_in_dim3A_609, %broadcast_in_dim3A_610 : vector<16xi1>, vector<16xi32>
      %add3A_612 = arith.addi %add3A_524, %select_n3A_611 : vector<16xi32>
      %add3A_613 = arith.constant 63 : i32
      %add3A_614 = vector.broadcast %add3A_613 : i32 to vector<16xi32>
      %add3A_615 = arith.addi %add3A_535, %add3A_614 : vector<16xi32>
      %gather3A_616 = tpu.vector_load_idx %arg7[%add3A_615] : memref<8192xf32, #tpu.memory_space<vmem>>[vector<16xi32>], vector<16xf32>,
      %lt3A_617 = arith.cmpf olt, %gather3A_616, %get3A_31 : vector<16xf32>
      %jit3A_618 = arith.constant 64 : i32
      %jit3A_619 = arith.constant 0 : i32
      %broadcast_in_dim3A_620 = vector.broadcast %jit3A_618 : i32 to vector<16xi32>
      %broadcast_in_dim3A_621 = vector.broadcast %jit3A_619 : i32 to vector<16xi32>
      %select_n3A_622 = arith.select %lt3A_617, %broadcast_in_dim3A_620, %broadcast_in_dim3A_621 : vector<16xi1>, vector<16xi32>
      %add3A_623 = arith.addi %add3A_535, %select_n3A_622 : vector<16xi32>
      %add3A_624 = arith.constant 63 : i32
      %add3A_625 = vector.broadcast %add3A_624 : i32 to vector<16xi32>
      %add3A_626 = arith.addi %add3A_546, %add3A_625 : vector<16xi32>
      %gather3A_627 = tpu.vector_load_idx %arg7[%add3A_626] : memref<8192xf32, #tpu.memory_space<vmem>>[vector<16xi32>], vector<16xf32>,
      %lt3A_628 = arith.cmpf olt, %gather3A_627, %get3A_35 : vector<16xf32>
      %jit3A_629 = arith.constant 64 : i32
      %jit3A_630 = arith.constant 0 : i32
      %broadcast_in_dim3A_631 = vector.broadcast %jit3A_629 : i32 to vector<16xi32>
      %broadcast_in_dim3A_632 = vector.broadcast %jit3A_630 : i32 to vector<16xi32>
      %select_n3A_633 = arith.select %lt3A_628, %broadcast_in_dim3A_631, %broadcast_in_dim3A_632 : vector<16xi1>, vector<16xi32>
      %add3A_634 = arith.addi %add3A_546, %select_n3A_633 : vector<16xi32>
      %add3A_635 = arith.constant 63 : i32
      %add3A_636 = vector.broadcast %add3A_635 : i32 to vector<16xi32>
      %add3A_637 = arith.addi %add3A_557, %add3A_636 : vector<16xi32>
      %gather3A_638 = tpu.vector_load_idx %arg7[%add3A_637] : memref<8192xf32, #tpu.memory_space<vmem>>[vector<16xi32>], vector<16xf32>,
      %lt3A_639 = arith.cmpf olt, %gather3A_638, %get3A_39 : vector<16xf32>
      %jit3A_640 = arith.constant 64 : i32
      %jit3A_641 = arith.constant 0 : i32
      %broadcast_in_dim3A_642 = vector.broadcast %jit3A_640 : i32 to vector<16xi32>
      %broadcast_in_dim3A_643 = vector.broadcast %jit3A_641 : i32 to vector<16xi32>
      %select_n3A_644 = arith.select %lt3A_639, %broadcast_in_dim3A_642, %broadcast_in_dim3A_643 : vector<16xi1>, vector<16xi32>
      %add3A_645 = arith.addi %add3A_557, %select_n3A_644 : vector<16xi32>
      %add3A_646 = arith.constant 63 : i32
      %add3A_647 = vector.broadcast %add3A_646 : i32 to vector<16xi32>
      %add3A_648 = arith.addi %add3A_568, %add3A_647 : vector<16xi32>
      %gather3A_649 = tpu.vector_load_idx %arg7[%add3A_648] : memref<8192xf32, #tpu.memory_space<vmem>>[vector<16xi32>], vector<16xf32>,
      %lt3A_650 = arith.cmpf olt, %gather3A_649, %get3A_43 : vector<16xf32>
      %jit3A_651 = arith.constant 64 : i32
      %jit3A_652 = arith.constant 0 : i32
      %broadcast_in_dim3A_653 = vector.broadcast %jit3A_651 : i32 to vector<16xi32>
      %broadcast_in_dim3A_654 = vector.broadcast %jit3A_652 : i32 to vector<16xi32>
      %select_n3A_655 = arith.select %lt3A_650, %broadcast_in_dim3A_653, %broadcast_in_dim3A_654 : vector<16xi1>, vector<16xi32>
      %add3A_656 = arith.addi %add3A_568, %select_n3A_655 : vector<16xi32>
      %add3A_657 = arith.constant 63 : i32
      %add3A_658 = vector.broadcast %add3A_657 : i32 to vector<16xi32>
      %add3A_659 = arith.addi %add3A_579, %add3A_658 : vector<16xi32>
      %gather3A_660 = tpu.vector_load_idx %arg7[%add3A_659] : memref<8192xf32, #tpu.memory_space<vmem>>[vector<16xi32>], vector<16xf32>,
      %lt3A_661 = arith.cmpf olt, %gather3A_660, %get3A_47 : vector<16xf32>
      %jit3A_662 = arith.constant 64 : i32
      %jit3A_663 = arith.constant 0 : i32
      %broadcast_in_dim3A_664 = vector.broadcast %jit3A_662 : i32 to vector<16xi32>
      %broadcast_in_dim3A_665 = vector.broadcast %jit3A_663 : i32 to vector<16xi32>
      %select_n3A_666 = arith.select %lt3A_661, %broadcast_in_dim3A_664, %broadcast_in_dim3A_665 : vector<16xi1>, vector<16xi32>
      %add3A_667 = arith.addi %add3A_579, %select_n3A_666 : vector<16xi32>
      %add3A_668 = arith.constant 63 : i32
      %add3A_669 = vector.broadcast %add3A_668 : i32 to vector<16xi32>
      %add3A_670 = arith.addi %add3A_590, %add3A_669 : vector<16xi32>
      %gather3A_671 = tpu.vector_load_idx %arg7[%add3A_670] : memref<8192xf32, #tpu.memory_space<vmem>>[vector<16xi32>], vector<16xf32>,
      %lt3A_672 = arith.cmpf olt, %gather3A_671, %get3A_51 : vector<16xf32>
      %jit3A_673 = arith.constant 64 : i32
      %jit3A_674 = arith.constant 0 : i32
      %broadcast_in_dim3A_675 = vector.broadcast %jit3A_673 : i32 to vector<16xi32>
      %broadcast_in_dim3A_676 = vector.broadcast %jit3A_674 : i32 to vector<16xi32>
      %select_n3A_677 = arith.select %lt3A_672, %broadcast_in_dim3A_675, %broadcast_in_dim3A_676 : vector<16xi1>, vector<16xi32>
      %add3A_678 = arith.addi %add3A_590, %select_n3A_677 : vector<16xi32>
      %add3A_679 = arith.constant 31 : i32
      %add3A_680 = vector.broadcast %add3A_679 : i32 to vector<16xi32>
      %add3A_681 = arith.addi %add3A_601, %add3A_680 : vector<16xi32>
      %gather3A_682 = tpu.vector_load_idx %arg7[%add3A_681] : memref<8192xf32, #tpu.memory_space<vmem>>[vector<16xi32>], vector<16xf32>,
      %lt3A_683 = arith.cmpf olt, %gather3A_682, %get3A_23 : vector<16xf32>
      %jit3A_684 = arith.constant 32 : i32
      %jit3A_685 = arith.constant 0 : i32
      %broadcast_in_dim3A_686 = vector.broadcast %jit3A_684 : i32 to vector<16xi32>
      %broadcast_in_dim3A_687 = vector.broadcast %jit3A_685 : i32 to vector<16xi32>
      %select_n3A_688 = arith.select %lt3A_683, %broadcast_in_dim3A_686, %broadcast_in_dim3A_687 : vector<16xi1>, vector<16xi32>
      %add3A_689 = arith.addi %add3A_601, %select_n3A_688 : vector<16xi32>
      %add3A_690 = arith.constant 31 : i32
      %add3A_691 = vector.broadcast %add3A_690 : i32 to vector<16xi32>
      %add3A_692 = arith.addi %add3A_612, %add3A_691 : vector<16xi32>
      %gather3A_693 = tpu.vector_load_idx %arg7[%add3A_692] : memref<8192xf32, #tpu.memory_space<vmem>>[vector<16xi32>], vector<16xf32>,
      %lt3A_694 = arith.cmpf olt, %gather3A_693, %get3A_27 : vector<16xf32>
      %jit3A_695 = arith.constant 32 : i32
      %jit3A_696 = arith.constant 0 : i32
      %broadcast_in_dim3A_697 = vector.broadcast %jit3A_695 : i32 to vector<16xi32>
      %broadcast_in_dim3A_698 = vector.broadcast %jit3A_696 : i32 to vector<16xi32>
      %select_n3A_699 = arith.select %lt3A_694, %broadcast_in_dim3A_697, %broadcast_in_dim3A_698 : vector<16xi1>, vector<16xi32>
      %add3A_700 = arith.addi %add3A_612, %select_n3A_699 : vector<16xi32>
      %add3A_701 = arith.constant 31 : i32
      %add3A_702 = vector.broadcast %add3A_701 : i32 to vector<16xi32>
      %add3A_703 = arith.addi %add3A_623, %add3A_702 : vector<16xi32>
      %gather3A_704 = tpu.vector_load_idx %arg7[%add3A_703] : memref<8192xf32, #tpu.memory_space<vmem>>[vector<16xi32>], vector<16xf32>,
      %lt3A_705 = arith.cmpf olt, %gather3A_704, %get3A_31 : vector<16xf32>
      %jit3A_706 = arith.constant 32 : i32
      %jit3A_707 = arith.constant 0 : i32
      %broadcast_in_dim3A_708 = vector.broadcast %jit3A_706 : i32 to vector<16xi32>
      %broadcast_in_dim3A_709 = vector.broadcast %jit3A_707 : i32 to vector<16xi32>
      %select_n3A_710 = arith.select %lt3A_705, %broadcast_in_dim3A_708, %broadcast_in_dim3A_709 : vector<16xi1>, vector<16xi32>
      %add3A_711 = arith.addi %add3A_623, %select_n3A_710 : vector<16xi32>
      %add3A_712 = arith.constant 31 : i32
      %add3A_713 = vector.broadcast %add3A_712 : i32 to vector<16xi32>
      %add3A_714 = arith.addi %add3A_634, %add3A_713 : vector<16xi32>
      %gather3A_715 = tpu.vector_load_idx %arg7[%add3A_714] : memref<8192xf32, #tpu.memory_space<vmem>>[vector<16xi32>], vector<16xf32>,
      %lt3A_716 = arith.cmpf olt, %gather3A_715, %get3A_35 : vector<16xf32>
      %jit3A_717 = arith.constant 32 : i32
      %jit3A_718 = arith.constant 0 : i32
      %broadcast_in_dim3A_719 = vector.broadcast %jit3A_717 : i32 to vector<16xi32>
      %broadcast_in_dim3A_720 = vector.broadcast %jit3A_718 : i32 to vector<16xi32>
      %select_n3A_721 = arith.select %lt3A_716, %broadcast_in_dim3A_719, %broadcast_in_dim3A_720 : vector<16xi1>, vector<16xi32>
      %add3A_722 = arith.addi %add3A_634, %select_n3A_721 : vector<16xi32>
      %add3A_723 = arith.constant 31 : i32
      %add3A_724 = vector.broadcast %add3A_723 : i32 to vector<16xi32>
      %add3A_725 = arith.addi %add3A_645, %add3A_724 : vector<16xi32>
      %gather3A_726 = tpu.vector_load_idx %arg7[%add3A_725] : memref<8192xf32, #tpu.memory_space<vmem>>[vector<16xi32>], vector<16xf32>,
      %lt3A_727 = arith.cmpf olt, %gather3A_726, %get3A_39 : vector<16xf32>
      %jit3A_728 = arith.constant 32 : i32
      %jit3A_729 = arith.constant 0 : i32
      %broadcast_in_dim3A_730 = vector.broadcast %jit3A_728 : i32 to vector<16xi32>
      %broadcast_in_dim3A_731 = vector.broadcast %jit3A_729 : i32 to vector<16xi32>
      %select_n3A_732 = arith.select %lt3A_727, %broadcast_in_dim3A_730, %broadcast_in_dim3A_731 : vector<16xi1>, vector<16xi32>
      %add3A_733 = arith.addi %add3A_645, %select_n3A_732 : vector<16xi32>
      %add3A_734 = arith.constant 31 : i32
      %add3A_735 = vector.broadcast %add3A_734 : i32 to vector<16xi32>
      %add3A_736 = arith.addi %add3A_656, %add3A_735 : vector<16xi32>
      %gather3A_737 = tpu.vector_load_idx %arg7[%add3A_736] : memref<8192xf32, #tpu.memory_space<vmem>>[vector<16xi32>], vector<16xf32>,
      %lt3A_738 = arith.cmpf olt, %gather3A_737, %get3A_43 : vector<16xf32>
      %jit3A_739 = arith.constant 32 : i32
      %jit3A_740 = arith.constant 0 : i32
      %broadcast_in_dim3A_741 = vector.broadcast %jit3A_739 : i32 to vector<16xi32>
      %broadcast_in_dim3A_742 = vector.broadcast %jit3A_740 : i32 to vector<16xi32>
      %select_n3A_743 = arith.select %lt3A_738, %broadcast_in_dim3A_741, %broadcast_in_dim3A_742 : vector<16xi1>, vector<16xi32>
      %add3A_744 = arith.addi %add3A_656, %select_n3A_743 : vector<16xi32>
      %add3A_745 = arith.constant 31 : i32
      %add3A_746 = vector.broadcast %add3A_745 : i32 to vector<16xi32>
      %add3A_747 = arith.addi %add3A_667, %add3A_746 : vector<16xi32>
      %gather3A_748 = tpu.vector_load_idx %arg7[%add3A_747] : memref<8192xf32, #tpu.memory_space<vmem>>[vector<16xi32>], vector<16xf32>,
      %lt3A_749 = arith.cmpf olt, %gather3A_748, %get3A_47 : vector<16xf32>
      %jit3A_750 = arith.constant 32 : i32
      %jit3A_751 = arith.constant 0 : i32
      %broadcast_in_dim3A_752 = vector.broadcast %jit3A_750 : i32 to vector<16xi32>
      %broadcast_in_dim3A_753 = vector.broadcast %jit3A_751 : i32 to vector<16xi32>
      %select_n3A_754 = arith.select %lt3A_749, %broadcast_in_dim3A_752, %broadcast_in_dim3A_753 : vector<16xi1>, vector<16xi32>
      %add3A_755 = arith.addi %add3A_667, %select_n3A_754 : vector<16xi32>
      %add3A_756 = arith.constant 31 : i32
      %add3A_757 = vector.broadcast %add3A_756 : i32 to vector<16xi32>
      %add3A_758 = arith.addi %add3A_678, %add3A_757 : vector<16xi32>
      %gather3A_759 = tpu.vector_load_idx %arg7[%add3A_758] : memref<8192xf32, #tpu.memory_space<vmem>>[vector<16xi32>], vector<16xf32>,
      %lt3A_760 = arith.cmpf olt, %gather3A_759, %get3A_51 : vector<16xf32>
      %jit3A_761 = arith.constant 32 : i32
      %jit3A_762 = arith.constant 0 : i32
      %broadcast_in_dim3A_763 = vector.broadcast %jit3A_761 : i32 to vector<16xi32>
      %broadcast_in_dim3A_764 = vector.broadcast %jit3A_762 : i32 to vector<16xi32>
      %select_n3A_765 = arith.select %lt3A_760, %broadcast_in_dim3A_763, %broadcast_in_dim3A_764 : vector<16xi1>, vector<16xi32>
      %add3A_766 = arith.addi %add3A_678, %select_n3A_765 : vector<16xi32>
      %add3A_767 = arith.constant 15 : i32
      %add3A_768 = vector.broadcast %add3A_767 : i32 to vector<16xi32>
      %add3A_769 = arith.addi %add3A_689, %add3A_768 : vector<16xi32>
      %gather3A_770 = tpu.vector_load_idx %arg7[%add3A_769] : memref<8192xf32, #tpu.memory_space<vmem>>[vector<16xi32>], vector<16xf32>,
      %lt3A_771 = arith.cmpf olt, %gather3A_770, %get3A_23 : vector<16xf32>
      %jit3A_772 = arith.constant 16 : i32
      %jit3A_773 = arith.constant 0 : i32
      %broadcast_in_dim3A_774 = vector.broadcast %jit3A_772 : i32 to vector<16xi32>
      %broadcast_in_dim3A_775 = vector.broadcast %jit3A_773 : i32 to vector<16xi32>
      %select_n3A_776 = arith.select %lt3A_771, %broadcast_in_dim3A_774, %broadcast_in_dim3A_775 : vector<16xi1>, vector<16xi32>
      %add3A_777 = arith.addi %add3A_689, %select_n3A_776 : vector<16xi32>
      %add3A_778 = arith.constant 15 : i32
      %add3A_779 = vector.broadcast %add3A_778 : i32 to vector<16xi32>
      %add3A_780 = arith.addi %add3A_700, %add3A_779 : vector<16xi32>
      %gather3A_781 = tpu.vector_load_idx %arg7[%add3A_780] : memref<8192xf32, #tpu.memory_space<vmem>>[vector<16xi32>], vector<16xf32>,
      %lt3A_782 = arith.cmpf olt, %gather3A_781, %get3A_27 : vector<16xf32>
      %jit3A_783 = arith.constant 16 : i32
      %jit3A_784 = arith.constant 0 : i32
      %broadcast_in_dim3A_785 = vector.broadcast %jit3A_783 : i32 to vector<16xi32>
      %broadcast_in_dim3A_786 = vector.broadcast %jit3A_784 : i32 to vector<16xi32>
      %select_n3A_787 = arith.select %lt3A_782, %broadcast_in_dim3A_785, %broadcast_in_dim3A_786 : vector<16xi1>, vector<16xi32>
      %add3A_788 = arith.addi %add3A_700, %select_n3A_787 : vector<16xi32>
      %add3A_789 = arith.constant 15 : i32
      %add3A_790 = vector.broadcast %add3A_789 : i32 to vector<16xi32>
      %add3A_791 = arith.addi %add3A_711, %add3A_790 : vector<16xi32>
      %gather3A_792 = tpu.vector_load_idx %arg7[%add3A_791] : memref<8192xf32, #tpu.memory_space<vmem>>[vector<16xi32>], vector<16xf32>,
      %lt3A_793 = arith.cmpf olt, %gather3A_792, %get3A_31 : vector<16xf32>
      %jit3A_794 = arith.constant 16 : i32
      %jit3A_795 = arith.constant 0 : i32
      %broadcast_in_dim3A_796 = vector.broadcast %jit3A_794 : i32 to vector<16xi32>
      %broadcast_in_dim3A_797 = vector.broadcast %jit3A_795 : i32 to vector<16xi32>
      %select_n3A_798 = arith.select %lt3A_793, %broadcast_in_dim3A_796, %broadcast_in_dim3A_797 : vector<16xi1>, vector<16xi32>
      %add3A_799 = arith.addi %add3A_711, %select_n3A_798 : vector<16xi32>
      %add3A_800 = arith.constant 15 : i32
      %add3A_801 = vector.broadcast %add3A_800 : i32 to vector<16xi32>
      %add3A_802 = arith.addi %add3A_722, %add3A_801 : vector<16xi32>
      %gather3A_803 = tpu.vector_load_idx %arg7[%add3A_802] : memref<8192xf32, #tpu.memory_space<vmem>>[vector<16xi32>], vector<16xf32>,
      %lt3A_804 = arith.cmpf olt, %gather3A_803, %get3A_35 : vector<16xf32>
      %jit3A_805 = arith.constant 16 : i32
      %jit3A_806 = arith.constant 0 : i32
      %broadcast_in_dim3A_807 = vector.broadcast %jit3A_805 : i32 to vector<16xi32>
      %broadcast_in_dim3A_808 = vector.broadcast %jit3A_806 : i32 to vector<16xi32>
      %select_n3A_809 = arith.select %lt3A_804, %broadcast_in_dim3A_807, %broadcast_in_dim3A_808 : vector<16xi1>, vector<16xi32>
      %add3A_810 = arith.addi %add3A_722, %select_n3A_809 : vector<16xi32>
      %add3A_811 = arith.constant 15 : i32
      %add3A_812 = vector.broadcast %add3A_811 : i32 to vector<16xi32>
      %add3A_813 = arith.addi %add3A_733, %add3A_812 : vector<16xi32>
      %gather3A_814 = tpu.vector_load_idx %arg7[%add3A_813] : memref<8192xf32, #tpu.memory_space<vmem>>[vector<16xi32>], vector<16xf32>,
      %lt3A_815 = arith.cmpf olt, %gather3A_814, %get3A_39 : vector<16xf32>
      %jit3A_816 = arith.constant 16 : i32
      %jit3A_817 = arith.constant 0 : i32
      %broadcast_in_dim3A_818 = vector.broadcast %jit3A_816 : i32 to vector<16xi32>
      %broadcast_in_dim3A_819 = vector.broadcast %jit3A_817 : i32 to vector<16xi32>
      %select_n3A_820 = arith.select %lt3A_815, %broadcast_in_dim3A_818, %broadcast_in_dim3A_819 : vector<16xi1>, vector<16xi32>
      %add3A_821 = arith.addi %add3A_733, %select_n3A_820 : vector<16xi32>
      %add3A_822 = arith.constant 15 : i32
      %add3A_823 = vector.broadcast %add3A_822 : i32 to vector<16xi32>
      %add3A_824 = arith.addi %add3A_744, %add3A_823 : vector<16xi32>
      %gather3A_825 = tpu.vector_load_idx %arg7[%add3A_824] : memref<8192xf32, #tpu.memory_space<vmem>>[vector<16xi32>], vector<16xf32>,
      %lt3A_826 = arith.cmpf olt, %gather3A_825, %get3A_43 : vector<16xf32>
      %jit3A_827 = arith.constant 16 : i32
      %jit3A_828 = arith.constant 0 : i32
      %broadcast_in_dim3A_829 = vector.broadcast %jit3A_827 : i32 to vector<16xi32>
      %broadcast_in_dim3A_830 = vector.broadcast %jit3A_828 : i32 to vector<16xi32>
      %select_n3A_831 = arith.select %lt3A_826, %broadcast_in_dim3A_829, %broadcast_in_dim3A_830 : vector<16xi1>, vector<16xi32>
      %add3A_832 = arith.addi %add3A_744, %select_n3A_831 : vector<16xi32>
      %add3A_833 = arith.constant 15 : i32
      %add3A_834 = vector.broadcast %add3A_833 : i32 to vector<16xi32>
      %add3A_835 = arith.addi %add3A_755, %add3A_834 : vector<16xi32>
      %gather3A_836 = tpu.vector_load_idx %arg7[%add3A_835] : memref<8192xf32, #tpu.memory_space<vmem>>[vector<16xi32>], vector<16xf32>,
      %lt3A_837 = arith.cmpf olt, %gather3A_836, %get3A_47 : vector<16xf32>
      %jit3A_838 = arith.constant 16 : i32
      %jit3A_839 = arith.constant 0 : i32
      %broadcast_in_dim3A_840 = vector.broadcast %jit3A_838 : i32 to vector<16xi32>
      %broadcast_in_dim3A_841 = vector.broadcast %jit3A_839 : i32 to vector<16xi32>
      %select_n3A_842 = arith.select %lt3A_837, %broadcast_in_dim3A_840, %broadcast_in_dim3A_841 : vector<16xi1>, vector<16xi32>
      %add3A_843 = arith.addi %add3A_755, %select_n3A_842 : vector<16xi32>
      %add3A_844 = arith.constant 15 : i32
      %add3A_845 = vector.broadcast %add3A_844 : i32 to vector<16xi32>
      %add3A_846 = arith.addi %add3A_766, %add3A_845 : vector<16xi32>
      %gather3A_847 = tpu.vector_load_idx %arg7[%add3A_846] : memref<8192xf32, #tpu.memory_space<vmem>>[vector<16xi32>], vector<16xf32>,
      %lt3A_848 = arith.cmpf olt, %gather3A_847, %get3A_51 : vector<16xf32>
      %jit3A_849 = arith.constant 16 : i32
      %jit3A_850 = arith.constant 0 : i32
      %broadcast_in_dim3A_851 = vector.broadcast %jit3A_849 : i32 to vector<16xi32>
      %broadcast_in_dim3A_852 = vector.broadcast %jit3A_850 : i32 to vector<16xi32>
      %select_n3A_853 = arith.select %lt3A_848, %broadcast_in_dim3A_851, %broadcast_in_dim3A_852 : vector<16xi1>, vector<16xi32>
      %add3A_854 = arith.addi %add3A_766, %select_n3A_853 : vector<16xi32>
      %add3A_855 = arith.constant 7 : i32
      %add3A_856 = vector.broadcast %add3A_855 : i32 to vector<16xi32>
      %add3A_857 = arith.addi %add3A_777, %add3A_856 : vector<16xi32>
      %gather3A_858 = tpu.vector_load_idx %arg7[%add3A_857] : memref<8192xf32, #tpu.memory_space<vmem>>[vector<16xi32>], vector<16xf32>,
      %lt3A_859 = arith.cmpf olt, %gather3A_858, %get3A_23 : vector<16xf32>
      %jit3A_860 = arith.constant 8 : i32
      %jit3A_861 = arith.constant 0 : i32
      %broadcast_in_dim3A_862 = vector.broadcast %jit3A_860 : i32 to vector<16xi32>
      %broadcast_in_dim3A_863 = vector.broadcast %jit3A_861 : i32 to vector<16xi32>
      %select_n3A_864 = arith.select %lt3A_859, %broadcast_in_dim3A_862, %broadcast_in_dim3A_863 : vector<16xi1>, vector<16xi32>
      %add3A_865 = arith.addi %add3A_777, %select_n3A_864 : vector<16xi32>
      %add3A_866 = arith.constant 7 : i32
      %add3A_867 = vector.broadcast %add3A_866 : i32 to vector<16xi32>
      %add3A_868 = arith.addi %add3A_788, %add3A_867 : vector<16xi32>
      %gather3A_869 = tpu.vector_load_idx %arg7[%add3A_868] : memref<8192xf32, #tpu.memory_space<vmem>>[vector<16xi32>], vector<16xf32>,
      %lt3A_870 = arith.cmpf olt, %gather3A_869, %get3A_27 : vector<16xf32>
      %jit3A_871 = arith.constant 8 : i32
      %jit3A_872 = arith.constant 0 : i32
      %broadcast_in_dim3A_873 = vector.broadcast %jit3A_871 : i32 to vector<16xi32>
      %broadcast_in_dim3A_874 = vector.broadcast %jit3A_872 : i32 to vector<16xi32>
      %select_n3A_875 = arith.select %lt3A_870, %broadcast_in_dim3A_873, %broadcast_in_dim3A_874 : vector<16xi1>, vector<16xi32>
      %add3A_876 = arith.addi %add3A_788, %select_n3A_875 : vector<16xi32>
      %add3A_877 = arith.constant 7 : i32
      %add3A_878 = vector.broadcast %add3A_877 : i32 to vector<16xi32>
      %add3A_879 = arith.addi %add3A_799, %add3A_878 : vector<16xi32>
      %gather3A_880 = tpu.vector_load_idx %arg7[%add3A_879] : memref<8192xf32, #tpu.memory_space<vmem>>[vector<16xi32>], vector<16xf32>,
      %lt3A_881 = arith.cmpf olt, %gather3A_880, %get3A_31 : vector<16xf32>
      %jit3A_882 = arith.constant 8 : i32
      %jit3A_883 = arith.constant 0 : i32
      %broadcast_in_dim3A_884 = vector.broadcast %jit3A_882 : i32 to vector<16xi32>
      %broadcast_in_dim3A_885 = vector.broadcast %jit3A_883 : i32 to vector<16xi32>
      %select_n3A_886 = arith.select %lt3A_881, %broadcast_in_dim3A_884, %broadcast_in_dim3A_885 : vector<16xi1>, vector<16xi32>
      %add3A_887 = arith.addi %add3A_799, %select_n3A_886 : vector<16xi32>
      %add3A_888 = arith.constant 7 : i32
      %add3A_889 = vector.broadcast %add3A_888 : i32 to vector<16xi32>
      %add3A_890 = arith.addi %add3A_810, %add3A_889 : vector<16xi32>
      %gather3A_891 = tpu.vector_load_idx %arg7[%add3A_890] : memref<8192xf32, #tpu.memory_space<vmem>>[vector<16xi32>], vector<16xf32>,
      %lt3A_892 = arith.cmpf olt, %gather3A_891, %get3A_35 : vector<16xf32>
      %jit3A_893 = arith.constant 8 : i32
      %jit3A_894 = arith.constant 0 : i32
      %broadcast_in_dim3A_895 = vector.broadcast %jit3A_893 : i32 to vector<16xi32>
      %broadcast_in_dim3A_896 = vector.broadcast %jit3A_894 : i32 to vector<16xi32>
      %select_n3A_897 = arith.select %lt3A_892, %broadcast_in_dim3A_895, %broadcast_in_dim3A_896 : vector<16xi1>, vector<16xi32>
      %add3A_898 = arith.addi %add3A_810, %select_n3A_897 : vector<16xi32>
      %add3A_899 = arith.constant 7 : i32
      %add3A_900 = vector.broadcast %add3A_899 : i32 to vector<16xi32>
      %add3A_901 = arith.addi %add3A_821, %add3A_900 : vector<16xi32>
      %gather3A_902 = tpu.vector_load_idx %arg7[%add3A_901] : memref<8192xf32, #tpu.memory_space<vmem>>[vector<16xi32>], vector<16xf32>,
      %lt3A_903 = arith.cmpf olt, %gather3A_902, %get3A_39 : vector<16xf32>
      %jit3A_904 = arith.constant 8 : i32
      %jit3A_905 = arith.constant 0 : i32
      %broadcast_in_dim3A_906 = vector.broadcast %jit3A_904 : i32 to vector<16xi32>
      %broadcast_in_dim3A_907 = vector.broadcast %jit3A_905 : i32 to vector<16xi32>
      %select_n3A_908 = arith.select %lt3A_903, %broadcast_in_dim3A_906, %broadcast_in_dim3A_907 : vector<16xi1>, vector<16xi32>
      %add3A_909 = arith.addi %add3A_821, %select_n3A_908 : vector<16xi32>
      %add3A_910 = arith.constant 7 : i32
      %add3A_911 = vector.broadcast %add3A_910 : i32 to vector<16xi32>
      %add3A_912 = arith.addi %add3A_832, %add3A_911 : vector<16xi32>
      %gather3A_913 = tpu.vector_load_idx %arg7[%add3A_912] : memref<8192xf32, #tpu.memory_space<vmem>>[vector<16xi32>], vector<16xf32>,
      %lt3A_914 = arith.cmpf olt, %gather3A_913, %get3A_43 : vector<16xf32>
      %jit3A_915 = arith.constant 8 : i32
      %jit3A_916 = arith.constant 0 : i32
      %broadcast_in_dim3A_917 = vector.broadcast %jit3A_915 : i32 to vector<16xi32>
      %broadcast_in_dim3A_918 = vector.broadcast %jit3A_916 : i32 to vector<16xi32>
      %select_n3A_919 = arith.select %lt3A_914, %broadcast_in_dim3A_917, %broadcast_in_dim3A_918 : vector<16xi1>, vector<16xi32>
      %add3A_920 = arith.addi %add3A_832, %select_n3A_919 : vector<16xi32>
      %add3A_921 = arith.constant 7 : i32
      %add3A_922 = vector.broadcast %add3A_921 : i32 to vector<16xi32>
      %add3A_923 = arith.addi %add3A_843, %add3A_922 : vector<16xi32>
      %gather3A_924 = tpu.vector_load_idx %arg7[%add3A_923] : memref<8192xf32, #tpu.memory_space<vmem>>[vector<16xi32>], vector<16xf32>,
      %lt3A_925 = arith.cmpf olt, %gather3A_924, %get3A_47 : vector<16xf32>
      %jit3A_926 = arith.constant 8 : i32
      %jit3A_927 = arith.constant 0 : i32
      %broadcast_in_dim3A_928 = vector.broadcast %jit3A_926 : i32 to vector<16xi32>
      %broadcast_in_dim3A_929 = vector.broadcast %jit3A_927 : i32 to vector<16xi32>
      %select_n3A_930 = arith.select %lt3A_925, %broadcast_in_dim3A_928, %broadcast_in_dim3A_929 : vector<16xi1>, vector<16xi32>
      %add3A_931 = arith.addi %add3A_843, %select_n3A_930 : vector<16xi32>
      %add3A_932 = arith.constant 7 : i32
      %add3A_933 = vector.broadcast %add3A_932 : i32 to vector<16xi32>
      %add3A_934 = arith.addi %add3A_854, %add3A_933 : vector<16xi32>
      %gather3A_935 = tpu.vector_load_idx %arg7[%add3A_934] : memref<8192xf32, #tpu.memory_space<vmem>>[vector<16xi32>], vector<16xf32>,
      %lt3A_936 = arith.cmpf olt, %gather3A_935, %get3A_51 : vector<16xf32>
      %jit3A_937 = arith.constant 8 : i32
      %jit3A_938 = arith.constant 0 : i32
      %broadcast_in_dim3A_939 = vector.broadcast %jit3A_937 : i32 to vector<16xi32>
      %broadcast_in_dim3A_940 = vector.broadcast %jit3A_938 : i32 to vector<16xi32>
      %select_n3A_941 = arith.select %lt3A_936, %broadcast_in_dim3A_939, %broadcast_in_dim3A_940 : vector<16xi1>, vector<16xi32>
      %add3A_942 = arith.addi %add3A_854, %select_n3A_941 : vector<16xi32>
      %add3A_943 = arith.constant 3 : i32
      %add3A_944 = vector.broadcast %add3A_943 : i32 to vector<16xi32>
      %add3A_945 = arith.addi %add3A_865, %add3A_944 : vector<16xi32>
      %gather3A_946 = tpu.vector_load_idx %arg7[%add3A_945] : memref<8192xf32, #tpu.memory_space<vmem>>[vector<16xi32>], vector<16xf32>,
      %lt3A_947 = arith.cmpf olt, %gather3A_946, %get3A_23 : vector<16xf32>
      %jit3A_948 = arith.constant 4 : i32
      %jit3A_949 = arith.constant 0 : i32
      %broadcast_in_dim3A_950 = vector.broadcast %jit3A_948 : i32 to vector<16xi32>
      %broadcast_in_dim3A_951 = vector.broadcast %jit3A_949 : i32 to vector<16xi32>
      %select_n3A_952 = arith.select %lt3A_947, %broadcast_in_dim3A_950, %broadcast_in_dim3A_951 : vector<16xi1>, vector<16xi32>
      %add3A_953 = arith.addi %add3A_865, %select_n3A_952 : vector<16xi32>
      %add3A_954 = arith.constant 3 : i32
      %add3A_955 = vector.broadcast %add3A_954 : i32 to vector<16xi32>
      %add3A_956 = arith.addi %add3A_876, %add3A_955 : vector<16xi32>
      %gather3A_957 = tpu.vector_load_idx %arg7[%add3A_956] : memref<8192xf32, #tpu.memory_space<vmem>>[vector<16xi32>], vector<16xf32>,
      %lt3A_958 = arith.cmpf olt, %gather3A_957, %get3A_27 : vector<16xf32>
      %jit3A_959 = arith.constant 4 : i32
      %jit3A_960 = arith.constant 0 : i32
      %broadcast_in_dim3A_961 = vector.broadcast %jit3A_959 : i32 to vector<16xi32>
      %broadcast_in_dim3A_962 = vector.broadcast %jit3A_960 : i32 to vector<16xi32>
      %select_n3A_963 = arith.select %lt3A_958, %broadcast_in_dim3A_961, %broadcast_in_dim3A_962 : vector<16xi1>, vector<16xi32>
      %add3A_964 = arith.addi %add3A_876, %select_n3A_963 : vector<16xi32>
      %add3A_965 = arith.constant 3 : i32
      %add3A_966 = vector.broadcast %add3A_965 : i32 to vector<16xi32>
      %add3A_967 = arith.addi %add3A_887, %add3A_966 : vector<16xi32>
      %gather3A_968 = tpu.vector_load_idx %arg7[%add3A_967] : memref<8192xf32, #tpu.memory_space<vmem>>[vector<16xi32>], vector<16xf32>,
      %lt3A_969 = arith.cmpf olt, %gather3A_968, %get3A_31 : vector<16xf32>
      %jit3A_970 = arith.constant 4 : i32
      %jit3A_971 = arith.constant 0 : i32
      %broadcast_in_dim3A_972 = vector.broadcast %jit3A_970 : i32 to vector<16xi32>
      %broadcast_in_dim3A_973 = vector.broadcast %jit3A_971 : i32 to vector<16xi32>
      %select_n3A_974 = arith.select %lt3A_969, %broadcast_in_dim3A_972, %broadcast_in_dim3A_973 : vector<16xi1>, vector<16xi32>
      %add3A_975 = arith.addi %add3A_887, %select_n3A_974 : vector<16xi32>
      %add3A_976 = arith.constant 3 : i32
      %add3A_977 = vector.broadcast %add3A_976 : i32 to vector<16xi32>
      %add3A_978 = arith.addi %add3A_898, %add3A_977 : vector<16xi32>
      %gather3A_979 = tpu.vector_load_idx %arg7[%add3A_978] : memref<8192xf32, #tpu.memory_space<vmem>>[vector<16xi32>], vector<16xf32>,
      %lt3A_980 = arith.cmpf olt, %gather3A_979, %get3A_35 : vector<16xf32>
      %jit3A_981 = arith.constant 4 : i32
      %jit3A_982 = arith.constant 0 : i32
      %broadcast_in_dim3A_983 = vector.broadcast %jit3A_981 : i32 to vector<16xi32>
      %broadcast_in_dim3A_984 = vector.broadcast %jit3A_982 : i32 to vector<16xi32>
      %select_n3A_985 = arith.select %lt3A_980, %broadcast_in_dim3A_983, %broadcast_in_dim3A_984 : vector<16xi1>, vector<16xi32>
      %add3A_986 = arith.addi %add3A_898, %select_n3A_985 : vector<16xi32>
      %add3A_987 = arith.constant 3 : i32
      %add3A_988 = vector.broadcast %add3A_987 : i32 to vector<16xi32>
      %add3A_989 = arith.addi %add3A_909, %add3A_988 : vector<16xi32>
      %gather3A_990 = tpu.vector_load_idx %arg7[%add3A_989] : memref<8192xf32, #tpu.memory_space<vmem>>[vector<16xi32>], vector<16xf32>,
      %lt3A_991 = arith.cmpf olt, %gather3A_990, %get3A_39 : vector<16xf32>
      %jit3A_992 = arith.constant 4 : i32
      %jit3A_993 = arith.constant 0 : i32
      %broadcast_in_dim3A_994 = vector.broadcast %jit3A_992 : i32 to vector<16xi32>
      %broadcast_in_dim3A_995 = vector.broadcast %jit3A_993 : i32 to vector<16xi32>
      %select_n3A_996 = arith.select %lt3A_991, %broadcast_in_dim3A_994, %broadcast_in_dim3A_995 : vector<16xi1>, vector<16xi32>
      %add3A_997 = arith.addi %add3A_909, %select_n3A_996 : vector<16xi32>
      %add3A_998 = arith.constant 3 : i32
      %add3A_999 = vector.broadcast %add3A_998 : i32 to vector<16xi32>
      %add3A_1000 = arith.addi %add3A_920, %add3A_999 : vector<16xi32>
      %gather3A_1001 = tpu.vector_load_idx %arg7[%add3A_1000] : memref<8192xf32, #tpu.memory_space<vmem>>[vector<16xi32>], vector<16xf32>,
      %lt3A_1002 = arith.cmpf olt, %gather3A_1001, %get3A_43 : vector<16xf32>
      %jit3A_1003 = arith.constant 4 : i32
      %jit3A_1004 = arith.constant 0 : i32
      %broadcast_in_dim3A_1005 = vector.broadcast %jit3A_1003 : i32 to vector<16xi32>
      %broadcast_in_dim3A_1006 = vector.broadcast %jit3A_1004 : i32 to vector<16xi32>
      %select_n3A_1007 = arith.select %lt3A_1002, %broadcast_in_dim3A_1005, %broadcast_in_dim3A_1006 : vector<16xi1>, vector<16xi32>
      %add3A_1008 = arith.addi %add3A_920, %select_n3A_1007 : vector<16xi32>
      %add3A_1009 = arith.constant 3 : i32
      %add3A_1010 = vector.broadcast %add3A_1009 : i32 to vector<16xi32>
      %add3A_1011 = arith.addi %add3A_931, %add3A_1010 : vector<16xi32>
      %gather3A_1012 = tpu.vector_load_idx %arg7[%add3A_1011] : memref<8192xf32, #tpu.memory_space<vmem>>[vector<16xi32>], vector<16xf32>,
      %lt3A_1013 = arith.cmpf olt, %gather3A_1012, %get3A_47 : vector<16xf32>
      %jit3A_1014 = arith.constant 4 : i32
      %jit3A_1015 = arith.constant 0 : i32
      %broadcast_in_dim3A_1016 = vector.broadcast %jit3A_1014 : i32 to vector<16xi32>
      %broadcast_in_dim3A_1017 = vector.broadcast %jit3A_1015 : i32 to vector<16xi32>
      %select_n3A_1018 = arith.select %lt3A_1013, %broadcast_in_dim3A_1016, %broadcast_in_dim3A_1017 : vector<16xi1>, vector<16xi32>
      %add3A_1019 = arith.addi %add3A_931, %select_n3A_1018 : vector<16xi32>
      %add3A_1020 = arith.constant 3 : i32
      %add3A_1021 = vector.broadcast %add3A_1020 : i32 to vector<16xi32>
      %add3A_1022 = arith.addi %add3A_942, %add3A_1021 : vector<16xi32>
      %gather3A_1023 = tpu.vector_load_idx %arg7[%add3A_1022] : memref<8192xf32, #tpu.memory_space<vmem>>[vector<16xi32>], vector<16xf32>,
      %lt3A_1024 = arith.cmpf olt, %gather3A_1023, %get3A_51 : vector<16xf32>
      %jit3A_1025 = arith.constant 4 : i32
      %jit3A_1026 = arith.constant 0 : i32
      %broadcast_in_dim3A_1027 = vector.broadcast %jit3A_1025 : i32 to vector<16xi32>
      %broadcast_in_dim3A_1028 = vector.broadcast %jit3A_1026 : i32 to vector<16xi32>
      %select_n3A_1029 = arith.select %lt3A_1024, %broadcast_in_dim3A_1027, %broadcast_in_dim3A_1028 : vector<16xi1>, vector<16xi32>
      %add3A_1030 = arith.addi %add3A_942, %select_n3A_1029 : vector<16xi32>
      %add3A_1031 = arith.constant 1 : i32
      %add3A_1032 = vector.broadcast %add3A_1031 : i32 to vector<16xi32>
      %add3A_1033 = arith.addi %add3A_953, %add3A_1032 : vector<16xi32>
      %gather3A_1034 = tpu.vector_load_idx %arg7[%add3A_1033] : memref<8192xf32, #tpu.memory_space<vmem>>[vector<16xi32>], vector<16xf32>,
      %lt3A_1035 = arith.cmpf olt, %gather3A_1034, %get3A_23 : vector<16xf32>
      %jit3A_1036 = arith.constant 2 : i32
      %jit3A_1037 = arith.constant 0 : i32
      %broadcast_in_dim3A_1038 = vector.broadcast %jit3A_1036 : i32 to vector<16xi32>
      %broadcast_in_dim3A_1039 = vector.broadcast %jit3A_1037 : i32 to vector<16xi32>
      %select_n3A_1040 = arith.select %lt3A_1035, %broadcast_in_dim3A_1038, %broadcast_in_dim3A_1039 : vector<16xi1>, vector<16xi32>
      %add3A_1041 = arith.addi %add3A_953, %select_n3A_1040 : vector<16xi32>
      %add3A_1042 = arith.constant 1 : i32
      %add3A_1043 = vector.broadcast %add3A_1042 : i32 to vector<16xi32>
      %add3A_1044 = arith.addi %add3A_964, %add3A_1043 : vector<16xi32>
      %gather3A_1045 = tpu.vector_load_idx %arg7[%add3A_1044] : memref<8192xf32, #tpu.memory_space<vmem>>[vector<16xi32>], vector<16xf32>,
      %lt3A_1046 = arith.cmpf olt, %gather3A_1045, %get3A_27 : vector<16xf32>
      %jit3A_1047 = arith.constant 2 : i32
      %jit3A_1048 = arith.constant 0 : i32
      %broadcast_in_dim3A_1049 = vector.broadcast %jit3A_1047 : i32 to vector<16xi32>
      %broadcast_in_dim3A_1050 = vector.broadcast %jit3A_1048 : i32 to vector<16xi32>
      %select_n3A_1051 = arith.select %lt3A_1046, %broadcast_in_dim3A_1049, %broadcast_in_dim3A_1050 : vector<16xi1>, vector<16xi32>
      %add3A_1052 = arith.addi %add3A_964, %select_n3A_1051 : vector<16xi32>
      %add3A_1053 = arith.constant 1 : i32
      %add3A_1054 = vector.broadcast %add3A_1053 : i32 to vector<16xi32>
      %add3A_1055 = arith.addi %add3A_975, %add3A_1054 : vector<16xi32>
      %gather3A_1056 = tpu.vector_load_idx %arg7[%add3A_1055] : memref<8192xf32, #tpu.memory_space<vmem>>[vector<16xi32>], vector<16xf32>,
      %lt3A_1057 = arith.cmpf olt, %gather3A_1056, %get3A_31 : vector<16xf32>
      %jit3A_1058 = arith.constant 2 : i32
      %jit3A_1059 = arith.constant 0 : i32
      %broadcast_in_dim3A_1060 = vector.broadcast %jit3A_1058 : i32 to vector<16xi32>
      %broadcast_in_dim3A_1061 = vector.broadcast %jit3A_1059 : i32 to vector<16xi32>
      %select_n3A_1062 = arith.select %lt3A_1057, %broadcast_in_dim3A_1060, %broadcast_in_dim3A_1061 : vector<16xi1>, vector<16xi32>
      %add3A_1063 = arith.addi %add3A_975, %select_n3A_1062 : vector<16xi32>
      %add3A_1064 = arith.constant 1 : i32
      %add3A_1065 = vector.broadcast %add3A_1064 : i32 to vector<16xi32>
      %add3A_1066 = arith.addi %add3A_986, %add3A_1065 : vector<16xi32>
      %gather3A_1067 = tpu.vector_load_idx %arg7[%add3A_1066] : memref<8192xf32, #tpu.memory_space<vmem>>[vector<16xi32>], vector<16xf32>,
      %lt3A_1068 = arith.cmpf olt, %gather3A_1067, %get3A_35 : vector<16xf32>
      %jit3A_1069 = arith.constant 2 : i32
      %jit3A_1070 = arith.constant 0 : i32
      %broadcast_in_dim3A_1071 = vector.broadcast %jit3A_1069 : i32 to vector<16xi32>
      %broadcast_in_dim3A_1072 = vector.broadcast %jit3A_1070 : i32 to vector<16xi32>
      %select_n3A_1073 = arith.select %lt3A_1068, %broadcast_in_dim3A_1071, %broadcast_in_dim3A_1072 : vector<16xi1>, vector<16xi32>
      %add3A_1074 = arith.addi %add3A_986, %select_n3A_1073 : vector<16xi32>
      %add3A_1075 = arith.constant 1 : i32
      %add3A_1076 = vector.broadcast %add3A_1075 : i32 to vector<16xi32>
      %add3A_1077 = arith.addi %add3A_997, %add3A_1076 : vector<16xi32>
      %gather3A_1078 = tpu.vector_load_idx %arg7[%add3A_1077] : memref<8192xf32, #tpu.memory_space<vmem>>[vector<16xi32>], vector<16xf32>,
      %lt3A_1079 = arith.cmpf olt, %gather3A_1078, %get3A_39 : vector<16xf32>
      %jit3A_1080 = arith.constant 2 : i32
      %jit3A_1081 = arith.constant 0 : i32
      %broadcast_in_dim3A_1082 = vector.broadcast %jit3A_1080 : i32 to vector<16xi32>
      %broadcast_in_dim3A_1083 = vector.broadcast %jit3A_1081 : i32 to vector<16xi32>
      %select_n3A_1084 = arith.select %lt3A_1079, %broadcast_in_dim3A_1082, %broadcast_in_dim3A_1083 : vector<16xi1>, vector<16xi32>
      %add3A_1085 = arith.addi %add3A_997, %select_n3A_1084 : vector<16xi32>
      %add3A_1086 = arith.constant 1 : i32
      %add3A_1087 = vector.broadcast %add3A_1086 : i32 to vector<16xi32>
      %add3A_1088 = arith.addi %add3A_1008, %add3A_1087 : vector<16xi32>
      %gather3A_1089 = tpu.vector_load_idx %arg7[%add3A_1088] : memref<8192xf32, #tpu.memory_space<vmem>>[vector<16xi32>], vector<16xf32>,
      %lt3A_1090 = arith.cmpf olt, %gather3A_1089, %get3A_43 : vector<16xf32>
      %jit3A_1091 = arith.constant 2 : i32
      %jit3A_1092 = arith.constant 0 : i32
      %broadcast_in_dim3A_1093 = vector.broadcast %jit3A_1091 : i32 to vector<16xi32>
      %broadcast_in_dim3A_1094 = vector.broadcast %jit3A_1092 : i32 to vector<16xi32>
      %select_n3A_1095 = arith.select %lt3A_1090, %broadcast_in_dim3A_1093, %broadcast_in_dim3A_1094 : vector<16xi1>, vector<16xi32>
      %add3A_1096 = arith.addi %add3A_1008, %select_n3A_1095 : vector<16xi32>
      %add3A_1097 = arith.constant 1 : i32
      %add3A_1098 = vector.broadcast %add3A_1097 : i32 to vector<16xi32>
      %add3A_1099 = arith.addi %add3A_1019, %add3A_1098 : vector<16xi32>
      %gather3A_1100 = tpu.vector_load_idx %arg7[%add3A_1099] : memref<8192xf32, #tpu.memory_space<vmem>>[vector<16xi32>], vector<16xf32>,
      %lt3A_1101 = arith.cmpf olt, %gather3A_1100, %get3A_47 : vector<16xf32>
      %jit3A_1102 = arith.constant 2 : i32
      %jit3A_1103 = arith.constant 0 : i32
      %broadcast_in_dim3A_1104 = vector.broadcast %jit3A_1102 : i32 to vector<16xi32>
      %broadcast_in_dim3A_1105 = vector.broadcast %jit3A_1103 : i32 to vector<16xi32>
      %select_n3A_1106 = arith.select %lt3A_1101, %broadcast_in_dim3A_1104, %broadcast_in_dim3A_1105 : vector<16xi1>, vector<16xi32>
      %add3A_1107 = arith.addi %add3A_1019, %select_n3A_1106 : vector<16xi32>
      %add3A_1108 = arith.constant 1 : i32
      %add3A_1109 = vector.broadcast %add3A_1108 : i32 to vector<16xi32>
      %add3A_1110 = arith.addi %add3A_1030, %add3A_1109 : vector<16xi32>
      %gather3A_1111 = tpu.vector_load_idx %arg7[%add3A_1110] : memref<8192xf32, #tpu.memory_space<vmem>>[vector<16xi32>], vector<16xf32>,
      %lt3A_1112 = arith.cmpf olt, %gather3A_1111, %get3A_51 : vector<16xf32>
      %jit3A_1113 = arith.constant 2 : i32
      %jit3A_1114 = arith.constant 0 : i32
      %broadcast_in_dim3A_1115 = vector.broadcast %jit3A_1113 : i32 to vector<16xi32>
      %broadcast_in_dim3A_1116 = vector.broadcast %jit3A_1114 : i32 to vector<16xi32>
      %select_n3A_1117 = arith.select %lt3A_1112, %broadcast_in_dim3A_1115, %broadcast_in_dim3A_1116 : vector<16xi1>, vector<16xi32>
      %add3A_1118 = arith.addi %add3A_1030, %select_n3A_1117 : vector<16xi32>
      %add3A_1119 = arith.constant 0 : i32
      %add3A_1120 = vector.broadcast %add3A_1119 : i32 to vector<16xi32>
      %add3A_1121 = arith.addi %add3A_1041, %add3A_1120 : vector<16xi32>
      %gather3A_1122 = tpu.vector_load_idx %arg7[%add3A_1121] : memref<8192xf32, #tpu.memory_space<vmem>>[vector<16xi32>], vector<16xf32>,
      %lt3A_1123 = arith.cmpf olt, %gather3A_1122, %get3A_23 : vector<16xf32>
      %jit3A_1124 = arith.constant 1 : i32
      %jit3A_1125 = arith.constant 0 : i32
      %broadcast_in_dim3A_1126 = vector.broadcast %jit3A_1124 : i32 to vector<16xi32>
      %broadcast_in_dim3A_1127 = vector.broadcast %jit3A_1125 : i32 to vector<16xi32>
      %select_n3A_1128 = arith.select %lt3A_1123, %broadcast_in_dim3A_1126, %broadcast_in_dim3A_1127 : vector<16xi1>, vector<16xi32>
      %add3A_1129 = arith.addi %add3A_1041, %select_n3A_1128 : vector<16xi32>
      %add3A_1130 = arith.constant 0 : i32
      %add3A_1131 = vector.broadcast %add3A_1130 : i32 to vector<16xi32>
      %add3A_1132 = arith.addi %add3A_1052, %add3A_1131 : vector<16xi32>
      %gather3A_1133 = tpu.vector_load_idx %arg7[%add3A_1132] : memref<8192xf32, #tpu.memory_space<vmem>>[vector<16xi32>], vector<16xf32>,
      %lt3A_1134 = arith.cmpf olt, %gather3A_1133, %get3A_27 : vector<16xf32>
      %jit3A_1135 = arith.constant 1 : i32
      %jit3A_1136 = arith.constant 0 : i32
      %broadcast_in_dim3A_1137 = vector.broadcast %jit3A_1135 : i32 to vector<16xi32>
      %broadcast_in_dim3A_1138 = vector.broadcast %jit3A_1136 : i32 to vector<16xi32>
      %select_n3A_1139 = arith.select %lt3A_1134, %broadcast_in_dim3A_1137, %broadcast_in_dim3A_1138 : vector<16xi1>, vector<16xi32>
      %add3A_1140 = arith.addi %add3A_1052, %select_n3A_1139 : vector<16xi32>
      %add3A_1141 = arith.constant 0 : i32
      %add3A_1142 = vector.broadcast %add3A_1141 : i32 to vector<16xi32>
      %add3A_1143 = arith.addi %add3A_1063, %add3A_1142 : vector<16xi32>
      %gather3A_1144 = tpu.vector_load_idx %arg7[%add3A_1143] : memref<8192xf32, #tpu.memory_space<vmem>>[vector<16xi32>], vector<16xf32>,
      %lt3A_1145 = arith.cmpf olt, %gather3A_1144, %get3A_31 : vector<16xf32>
      %jit3A_1146 = arith.constant 1 : i32
      %jit3A_1147 = arith.constant 0 : i32
      %broadcast_in_dim3A_1148 = vector.broadcast %jit3A_1146 : i32 to vector<16xi32>
      %broadcast_in_dim3A_1149 = vector.broadcast %jit3A_1147 : i32 to vector<16xi32>
      %select_n3A_1150 = arith.select %lt3A_1145, %broadcast_in_dim3A_1148, %broadcast_in_dim3A_1149 : vector<16xi1>, vector<16xi32>
      %add3A_1151 = arith.addi %add3A_1063, %select_n3A_1150 : vector<16xi32>
      %add3A_1152 = arith.constant 0 : i32
      %add3A_1153 = vector.broadcast %add3A_1152 : i32 to vector<16xi32>
      %add3A_1154 = arith.addi %add3A_1074, %add3A_1153 : vector<16xi32>
      %gather3A_1155 = tpu.vector_load_idx %arg7[%add3A_1154] : memref<8192xf32, #tpu.memory_space<vmem>>[vector<16xi32>], vector<16xf32>,
      %lt3A_1156 = arith.cmpf olt, %gather3A_1155, %get3A_35 : vector<16xf32>
      %jit3A_1157 = arith.constant 1 : i32
      %jit3A_1158 = arith.constant 0 : i32
      %broadcast_in_dim3A_1159 = vector.broadcast %jit3A_1157 : i32 to vector<16xi32>
      %broadcast_in_dim3A_1160 = vector.broadcast %jit3A_1158 : i32 to vector<16xi32>
      %select_n3A_1161 = arith.select %lt3A_1156, %broadcast_in_dim3A_1159, %broadcast_in_dim3A_1160 : vector<16xi1>, vector<16xi32>
      %add3A_1162 = arith.addi %add3A_1074, %select_n3A_1161 : vector<16xi32>
      %add3A_1163 = arith.constant 0 : i32
      %add3A_1164 = vector.broadcast %add3A_1163 : i32 to vector<16xi32>
      %add3A_1165 = arith.addi %add3A_1085, %add3A_1164 : vector<16xi32>
      %gather3A_1166 = tpu.vector_load_idx %arg7[%add3A_1165] : memref<8192xf32, #tpu.memory_space<vmem>>[vector<16xi32>], vector<16xf32>,
      %lt3A_1167 = arith.cmpf olt, %gather3A_1166, %get3A_39 : vector<16xf32>
      %jit3A_1168 = arith.constant 1 : i32
      %jit3A_1169 = arith.constant 0 : i32
      %broadcast_in_dim3A_1170 = vector.broadcast %jit3A_1168 : i32 to vector<16xi32>
      %broadcast_in_dim3A_1171 = vector.broadcast %jit3A_1169 : i32 to vector<16xi32>
      %select_n3A_1172 = arith.select %lt3A_1167, %broadcast_in_dim3A_1170, %broadcast_in_dim3A_1171 : vector<16xi1>, vector<16xi32>
      %add3A_1173 = arith.addi %add3A_1085, %select_n3A_1172 : vector<16xi32>
      %add3A_1174 = arith.constant 0 : i32
      %add3A_1175 = vector.broadcast %add3A_1174 : i32 to vector<16xi32>
      %add3A_1176 = arith.addi %add3A_1096, %add3A_1175 : vector<16xi32>
      %gather3A_1177 = tpu.vector_load_idx %arg7[%add3A_1176] : memref<8192xf32, #tpu.memory_space<vmem>>[vector<16xi32>], vector<16xf32>,
      %lt3A_1178 = arith.cmpf olt, %gather3A_1177, %get3A_43 : vector<16xf32>
      %jit3A_1179 = arith.constant 1 : i32
      %jit3A_1180 = arith.constant 0 : i32
      %broadcast_in_dim3A_1181 = vector.broadcast %jit3A_1179 : i32 to vector<16xi32>
      %broadcast_in_dim3A_1182 = vector.broadcast %jit3A_1180 : i32 to vector<16xi32>
      %select_n3A_1183 = arith.select %lt3A_1178, %broadcast_in_dim3A_1181, %broadcast_in_dim3A_1182 : vector<16xi1>, vector<16xi32>
      %add3A_1184 = arith.addi %add3A_1096, %select_n3A_1183 : vector<16xi32>
      %add3A_1185 = arith.constant 0 : i32
      %add3A_1186 = vector.broadcast %add3A_1185 : i32 to vector<16xi32>
      %add3A_1187 = arith.addi %add3A_1107, %add3A_1186 : vector<16xi32>
      %gather3A_1188 = tpu.vector_load_idx %arg7[%add3A_1187] : memref<8192xf32, #tpu.memory_space<vmem>>[vector<16xi32>], vector<16xf32>,
      %lt3A_1189 = arith.cmpf olt, %gather3A_1188, %get3A_47 : vector<16xf32>
      %jit3A_1190 = arith.constant 1 : i32
      %jit3A_1191 = arith.constant 0 : i32
      %broadcast_in_dim3A_1192 = vector.broadcast %jit3A_1190 : i32 to vector<16xi32>
      %broadcast_in_dim3A_1193 = vector.broadcast %jit3A_1191 : i32 to vector<16xi32>
      %select_n3A_1194 = arith.select %lt3A_1189, %broadcast_in_dim3A_1192, %broadcast_in_dim3A_1193 : vector<16xi1>, vector<16xi32>
      %add3A_1195 = arith.addi %add3A_1107, %select_n3A_1194 : vector<16xi32>
      %add3A_1196 = arith.constant 0 : i32
      %add3A_1197 = vector.broadcast %add3A_1196 : i32 to vector<16xi32>
      %add3A_1198 = arith.addi %add3A_1118, %add3A_1197 : vector<16xi32>
      %gather3A_1199 = tpu.vector_load_idx %arg7[%add3A_1198] : memref<8192xf32, #tpu.memory_space<vmem>>[vector<16xi32>], vector<16xf32>,
      %lt3A_1200 = arith.cmpf olt, %gather3A_1199, %get3A_51 : vector<16xf32>
      %jit3A_1201 = arith.constant 1 : i32
      %jit3A_1202 = arith.constant 0 : i32
      %broadcast_in_dim3A_1203 = vector.broadcast %jit3A_1201 : i32 to vector<16xi32>
      %broadcast_in_dim3A_1204 = vector.broadcast %jit3A_1202 : i32 to vector<16xi32>
      %select_n3A_1205 = arith.select %lt3A_1200, %broadcast_in_dim3A_1203, %broadcast_in_dim3A_1204 : vector<16xi1>, vector<16xi32>
      %add3A_1206 = arith.addi %add3A_1118, %select_n3A_1205 : vector<16xi32>
      %sub3A = arith.constant 1 : i32
      %sub3A_1207 = vector.broadcast %sub3A : i32 to vector<16xi32>
      %sub3A_1208 = arith.subi %add3A_1129, %sub3A_1207 : vector<16xi32>
      %max3A = arith.constant 0 : i32
      %max3A_1209 = vector.broadcast %max3A : i32 to vector<16xi32>
      %max3A_1210 = arith.maxsi %sub3A_1208, %max3A_1209 : vector<16xi32>
      %gather3A_1211 = tpu.vector_load_idx %arg7[%max3A_1210] : memref<8192xf32, #tpu.memory_space<vmem>>[vector<16xi32>], vector<16xf32>,
      %gather3A_1212 = tpu.vector_load_idx %arg7[%add3A_1129] : memref<8192xf32, #tpu.memory_space<vmem>>[vector<16xi32>], vector<16xf32>,
      %sub3A_1213 = arith.constant 1 : i32
      %sub3A_1214 = vector.broadcast %sub3A_1213 : i32 to vector<16xi32>
      %sub3A_1215 = arith.subi %max3A_1210, %sub3A_1214 : vector<16xi32>
      %max3A_1216 = arith.constant 0 : i32
      %max3A_1217 = vector.broadcast %max3A_1216 : i32 to vector<16xi32>
      %max3A_1218 = arith.maxsi %sub3A_1215, %max3A_1217 : vector<16xi32>
      %gather3A_1219 = tpu.vector_load_idx %arg7[%max3A_1218] : memref<8192xf32, #tpu.memory_space<vmem>>[vector<16xi32>], vector<16xf32>,
      %gt3A = arith.constant 0 : i32
      %gt3A_1220 = vector.broadcast %gt3A : i32 to vector<16xi32>
      %gt3A_1221 = arith.cmpi sgt, %max3A_1210, %gt3A_1220 : vector<16xi32>
      %eq3A = arith.cmpf oeq, %gather3A_1219, %gather3A_1211 : vector<16xf32>
      %and3A = arith.andi %gt3A_1221, %eq3A : vector<16xi1>
      %select_n3A_1222 = arith.select %and3A, %max3A_1218, %max3A_1210 : vector<16xi1>, vector<16xi32>
      %sub3A_1223 = arith.constant 1 : i32
      %sub3A_1224 = vector.broadcast %sub3A_1223 : i32 to vector<16xi32>
      %sub3A_1225 = arith.subi %select_n3A_1222, %sub3A_1224 : vector<16xi32>
      %max3A_1226 = arith.constant 0 : i32
      %max3A_1227 = vector.broadcast %max3A_1226 : i32 to vector<16xi32>
      %max3A_1228 = arith.maxsi %sub3A_1225, %max3A_1227 : vector<16xi32>
      %gather3A_1229 = tpu.vector_load_idx %arg7[%max3A_1228] : memref<8192xf32, #tpu.memory_space<vmem>>[vector<16xi32>], vector<16xf32>,
      %gt3A_1230 = arith.constant 0 : i32
      %gt3A_1231 = vector.broadcast %gt3A_1230 : i32 to vector<16xi32>
      %gt3A_1232 = arith.cmpi sgt, %select_n3A_1222, %gt3A_1231 : vector<16xi32>
      %eq3A_1233 = arith.cmpf oeq, %gather3A_1229, %gather3A_1211 : vector<16xf32>
      %and3A_1234 = arith.andi %gt3A_1232, %eq3A_1233 : vector<16xi1>
      %select_n3A_1235 = arith.select %and3A_1234, %max3A_1228, %select_n3A_1222 : vector<16xi1>, vector<16xi32>
      %sub3A_1236 = arith.constant 1 : i32
      %sub3A_1237 = vector.broadcast %sub3A_1236 : i32 to vector<16xi32>
      %sub3A_1238 = arith.subi %select_n3A_1235, %sub3A_1237 : vector<16xi32>
      %max3A_1239 = arith.constant 0 : i32
      %max3A_1240 = vector.broadcast %max3A_1239 : i32 to vector<16xi32>
      %max3A_1241 = arith.maxsi %sub3A_1238, %max3A_1240 : vector<16xi32>
      %gather3A_1242 = tpu.vector_load_idx %arg7[%max3A_1241] : memref<8192xf32, #tpu.memory_space<vmem>>[vector<16xi32>], vector<16xf32>,
      %gt3A_1243 = arith.constant 0 : i32
      %gt3A_1244 = vector.broadcast %gt3A_1243 : i32 to vector<16xi32>
      %gt3A_1245 = arith.cmpi sgt, %select_n3A_1235, %gt3A_1244 : vector<16xi32>
      %eq3A_1246 = arith.cmpf oeq, %gather3A_1242, %gather3A_1211 : vector<16xf32>
      %and3A_1247 = arith.andi %gt3A_1245, %eq3A_1246 : vector<16xi1>
      %select_n3A_1248 = arith.select %and3A_1247, %max3A_1241, %select_n3A_1235 : vector<16xi1>, vector<16xi32>
      %gather3A_1249 = tpu.vector_load_idx %arg8[%select_n3A_1248] : memref<8192xi32, #tpu.memory_space<vmem>>[vector<16xi32>], vector<16xi32>,
      %sub3A_1250 = arith.constant 1 : i32
      %sub3A_1251 = vector.broadcast %sub3A_1250 : i32 to vector<16xi32>
      %sub3A_1252 = arith.subi %add3A_1129, %sub3A_1251 : vector<16xi32>
      %max3A_1253 = arith.constant 0 : i32
      %max3A_1254 = vector.broadcast %max3A_1253 : i32 to vector<16xi32>
      %max3A_1255 = arith.maxsi %sub3A_1252, %max3A_1254 : vector<16xi32>
      %gather3A_1256 = tpu.vector_load_idx %arg7[%max3A_1255] : memref<8192xf32, #tpu.memory_space<vmem>>[vector<16xi32>], vector<16xf32>,
      %gt3A_1257 = arith.constant 0 : i32
      %gt3A_1258 = vector.broadcast %gt3A_1257 : i32 to vector<16xi32>
      %gt3A_1259 = arith.cmpi sgt, %add3A_1129, %gt3A_1258 : vector<16xi32>
      %eq3A_1260 = arith.cmpf oeq, %gather3A_1256, %gather3A_1212 : vector<16xf32>
      %and3A_1261 = arith.andi %gt3A_1259, %eq3A_1260 : vector<16xi1>
      %select_n3A_1262 = arith.select %and3A_1261, %max3A_1255, %add3A_1129 : vector<16xi1>, vector<16xi32>
      %sub3A_1263 = arith.constant 1 : i32
      %sub3A_1264 = vector.broadcast %sub3A_1263 : i32 to vector<16xi32>
      %sub3A_1265 = arith.subi %select_n3A_1262, %sub3A_1264 : vector<16xi32>
      %max3A_1266 = arith.constant 0 : i32
      %max3A_1267 = vector.broadcast %max3A_1266 : i32 to vector<16xi32>
      %max3A_1268 = arith.maxsi %sub3A_1265, %max3A_1267 : vector<16xi32>
      %gather3A_1269 = tpu.vector_load_idx %arg7[%max3A_1268] : memref<8192xf32, #tpu.memory_space<vmem>>[vector<16xi32>], vector<16xf32>,
      %gt3A_1270 = arith.constant 0 : i32
      %gt3A_1271 = vector.broadcast %gt3A_1270 : i32 to vector<16xi32>
      %gt3A_1272 = arith.cmpi sgt, %select_n3A_1262, %gt3A_1271 : vector<16xi32>
      %eq3A_1273 = arith.cmpf oeq, %gather3A_1269, %gather3A_1212 : vector<16xf32>
      %and3A_1274 = arith.andi %gt3A_1272, %eq3A_1273 : vector<16xi1>
      %select_n3A_1275 = arith.select %and3A_1274, %max3A_1268, %select_n3A_1262 : vector<16xi1>, vector<16xi32>
      %sub3A_1276 = arith.constant 1 : i32
      %sub3A_1277 = vector.broadcast %sub3A_1276 : i32 to vector<16xi32>
      %sub3A_1278 = arith.subi %select_n3A_1275, %sub3A_1277 : vector<16xi32>
      %max3A_1279 = arith.constant 0 : i32
      %max3A_1280 = vector.broadcast %max3A_1279 : i32 to vector<16xi32>
      %max3A_1281 = arith.maxsi %sub3A_1278, %max3A_1280 : vector<16xi32>
      %gather3A_1282 = tpu.vector_load_idx %arg7[%max3A_1281] : memref<8192xf32, #tpu.memory_space<vmem>>[vector<16xi32>], vector<16xf32>,
      %gt3A_1283 = arith.constant 0 : i32
      %gt3A_1284 = vector.broadcast %gt3A_1283 : i32 to vector<16xi32>
      %gt3A_1285 = arith.cmpi sgt, %select_n3A_1275, %gt3A_1284 : vector<16xi32>
      %eq3A_1286 = arith.cmpf oeq, %gather3A_1282, %gather3A_1212 : vector<16xf32>
      %and3A_1287 = arith.andi %gt3A_1285, %eq3A_1286 : vector<16xi1>
      %select_n3A_1288 = arith.select %and3A_1287, %max3A_1281, %select_n3A_1275 : vector<16xi1>, vector<16xi32>
      %gather3A_1289 = tpu.vector_load_idx %arg8[%select_n3A_1288] : memref<8192xi32, #tpu.memory_space<vmem>>[vector<16xi32>], vector<16xi32>,
      %sub3A_1290 = arith.subf %get3A_23, %gather3A_1211 : vector<16xf32>
      %abs3A = math.absf %sub3A_1290 : vector<16xf32>
      %sub3A_1291 = arith.subf %get3A_23, %gather3A_1212 : vector<16xf32>
      %abs3A_1292 = math.absf %sub3A_1291 : vector<16xf32>
      %lt3A_1293 = arith.cmpf olt, %abs3A_1292, %abs3A : vector<16xf32>
      %eq3A_1294 = arith.cmpf oeq, %abs3A_1292, %abs3A : vector<16xf32>
      %lt3A_1295 = arith.cmpi slt, %gather3A_1289, %gather3A_1249 : vector<16xi32>
      %and3A_1296 = arith.andi %eq3A_1294, %lt3A_1295 : vector<16xi1>
      %or3A = arith.ori %lt3A_1293, %and3A_1296 : vector<16xi1>
      %select_n3A_1297 = arith.select %or3A, %gather3A_1289, %gather3A_1249 : vector<16xi1>, vector<16xi32>
      %add3A_1298 = arith.constant 0 : i32
      %add3A_1299 = arith.addi %mul3A_20, %add3A_1298 : i32
      %swap3A = arith.index_cast %add3A_1299 : i32 to index
      %swap3A_1300 = tpu.vector_load %arg10[%swap3A] {strides = array<i32>} : memref<512xi32, #tpu.memory_space<vmem>>, vector<16xi32>,
      tpu.vector_store %arg10[%swap3A], %select_n3A_1297 {strides = array<i32>} : memref<512xi32, #tpu.memory_space<vmem>>, vector<16xi32>,
      %select_n3A_1301 = arith.select %or3A, %abs3A_1292, %abs3A : vector<16xi1>, vector<16xf32>
      %add3A_1302 = arith.constant 0 : i32
      %add3A_1303 = arith.addi %mul3A_20, %add3A_1302 : i32
      %swap3A_1304 = arith.index_cast %add3A_1303 : i32 to index
      %swap3A_1305 = tpu.vector_load %arg11[%swap3A_1304] {strides = array<i32>} : memref<512xf32, #tpu.memory_space<vmem>>, vector<16xf32>,
      tpu.vector_store %arg11[%swap3A_1304], %select_n3A_1301 {strides = array<i32>} : memref<512xf32, #tpu.memory_space<vmem>>, vector<16xf32>,
      %sub3A_1306 = arith.constant 1 : i32
      %sub3A_1307 = vector.broadcast %sub3A_1306 : i32 to vector<16xi32>
      %sub3A_1308 = arith.subi %add3A_1140, %sub3A_1307 : vector<16xi32>
      %max3A_1309 = arith.constant 0 : i32
      %max3A_1310 = vector.broadcast %max3A_1309 : i32 to vector<16xi32>
      %max3A_1311 = arith.maxsi %sub3A_1308, %max3A_1310 : vector<16xi32>
      %gather3A_1312 = tpu.vector_load_idx %arg7[%max3A_1311] : memref<8192xf32, #tpu.memory_space<vmem>>[vector<16xi32>], vector<16xf32>,
      %gather3A_1313 = tpu.vector_load_idx %arg7[%add3A_1140] : memref<8192xf32, #tpu.memory_space<vmem>>[vector<16xi32>], vector<16xf32>,
      %sub3A_1314 = arith.constant 1 : i32
      %sub3A_1315 = vector.broadcast %sub3A_1314 : i32 to vector<16xi32>
      %sub3A_1316 = arith.subi %max3A_1311, %sub3A_1315 : vector<16xi32>
      %max3A_1317 = arith.constant 0 : i32
      %max3A_1318 = vector.broadcast %max3A_1317 : i32 to vector<16xi32>
      %max3A_1319 = arith.maxsi %sub3A_1316, %max3A_1318 : vector<16xi32>
      %gather3A_1320 = tpu.vector_load_idx %arg7[%max3A_1319] : memref<8192xf32, #tpu.memory_space<vmem>>[vector<16xi32>], vector<16xf32>,
      %gt3A_1321 = arith.constant 0 : i32
      %gt3A_1322 = vector.broadcast %gt3A_1321 : i32 to vector<16xi32>
      %gt3A_1323 = arith.cmpi sgt, %max3A_1311, %gt3A_1322 : vector<16xi32>
      %eq3A_1324 = arith.cmpf oeq, %gather3A_1320, %gather3A_1312 : vector<16xf32>
      %and3A_1325 = arith.andi %gt3A_1323, %eq3A_1324 : vector<16xi1>
      %select_n3A_1326 = arith.select %and3A_1325, %max3A_1319, %max3A_1311 : vector<16xi1>, vector<16xi32>
      %sub3A_1327 = arith.constant 1 : i32
      %sub3A_1328 = vector.broadcast %sub3A_1327 : i32 to vector<16xi32>
      %sub3A_1329 = arith.subi %select_n3A_1326, %sub3A_1328 : vector<16xi32>
      %max3A_1330 = arith.constant 0 : i32
      %max3A_1331 = vector.broadcast %max3A_1330 : i32 to vector<16xi32>
      %max3A_1332 = arith.maxsi %sub3A_1329, %max3A_1331 : vector<16xi32>
      %gather3A_1333 = tpu.vector_load_idx %arg7[%max3A_1332] : memref<8192xf32, #tpu.memory_space<vmem>>[vector<16xi32>], vector<16xf32>,
      %gt3A_1334 = arith.constant 0 : i32
      %gt3A_1335 = vector.broadcast %gt3A_1334 : i32 to vector<16xi32>
      %gt3A_1336 = arith.cmpi sgt, %select_n3A_1326, %gt3A_1335 : vector<16xi32>
      %eq3A_1337 = arith.cmpf oeq, %gather3A_1333, %gather3A_1312 : vector<16xf32>
      %and3A_1338 = arith.andi %gt3A_1336, %eq3A_1337 : vector<16xi1>
      %select_n3A_1339 = arith.select %and3A_1338, %max3A_1332, %select_n3A_1326 : vector<16xi1>, vector<16xi32>
      %sub3A_1340 = arith.constant 1 : i32
      %sub3A_1341 = vector.broadcast %sub3A_1340 : i32 to vector<16xi32>
      %sub3A_1342 = arith.subi %select_n3A_1339, %sub3A_1341 : vector<16xi32>
      %max3A_1343 = arith.constant 0 : i32
      %max3A_1344 = vector.broadcast %max3A_1343 : i32 to vector<16xi32>
      %max3A_1345 = arith.maxsi %sub3A_1342, %max3A_1344 : vector<16xi32>
      %gather3A_1346 = tpu.vector_load_idx %arg7[%max3A_1345] : memref<8192xf32, #tpu.memory_space<vmem>>[vector<16xi32>], vector<16xf32>,
      %gt3A_1347 = arith.constant 0 : i32
      %gt3A_1348 = vector.broadcast %gt3A_1347 : i32 to vector<16xi32>
      %gt3A_1349 = arith.cmpi sgt, %select_n3A_1339, %gt3A_1348 : vector<16xi32>
      %eq3A_1350 = arith.cmpf oeq, %gather3A_1346, %gather3A_1312 : vector<16xf32>
      %and3A_1351 = arith.andi %gt3A_1349, %eq3A_1350 : vector<16xi1>
      %select_n3A_1352 = arith.select %and3A_1351, %max3A_1345, %select_n3A_1339 : vector<16xi1>, vector<16xi32>
      %gather3A_1353 = tpu.vector_load_idx %arg8[%select_n3A_1352] : memref<8192xi32, #tpu.memory_space<vmem>>[vector<16xi32>], vector<16xi32>,
      %sub3A_1354 = arith.constant 1 : i32
      %sub3A_1355 = vector.broadcast %sub3A_1354 : i32 to vector<16xi32>
      %sub3A_1356 = arith.subi %add3A_1140, %sub3A_1355 : vector<16xi32>
      %max3A_1357 = arith.constant 0 : i32
      %max3A_1358 = vector.broadcast %max3A_1357 : i32 to vector<16xi32>
      %max3A_1359 = arith.maxsi %sub3A_1356, %max3A_1358 : vector<16xi32>
      %gather3A_1360 = tpu.vector_load_idx %arg7[%max3A_1359] : memref<8192xf32, #tpu.memory_space<vmem>>[vector<16xi32>], vector<16xf32>,
      %gt3A_1361 = arith.constant 0 : i32
      %gt3A_1362 = vector.broadcast %gt3A_1361 : i32 to vector<16xi32>
      %gt3A_1363 = arith.cmpi sgt, %add3A_1140, %gt3A_1362 : vector<16xi32>
      %eq3A_1364 = arith.cmpf oeq, %gather3A_1360, %gather3A_1313 : vector<16xf32>
      %and3A_1365 = arith.andi %gt3A_1363, %eq3A_1364 : vector<16xi1>
      %select_n3A_1366 = arith.select %and3A_1365, %max3A_1359, %add3A_1140 : vector<16xi1>, vector<16xi32>
      %sub3A_1367 = arith.constant 1 : i32
      %sub3A_1368 = vector.broadcast %sub3A_1367 : i32 to vector<16xi32>
      %sub3A_1369 = arith.subi %select_n3A_1366, %sub3A_1368 : vector<16xi32>
      %max3A_1370 = arith.constant 0 : i32
      %max3A_1371 = vector.broadcast %max3A_1370 : i32 to vector<16xi32>
      %max3A_1372 = arith.maxsi %sub3A_1369, %max3A_1371 : vector<16xi32>
      %gather3A_1373 = tpu.vector_load_idx %arg7[%max3A_1372] : memref<8192xf32, #tpu.memory_space<vmem>>[vector<16xi32>], vector<16xf32>,
      %gt3A_1374 = arith.constant 0 : i32
      %gt3A_1375 = vector.broadcast %gt3A_1374 : i32 to vector<16xi32>
      %gt3A_1376 = arith.cmpi sgt, %select_n3A_1366, %gt3A_1375 : vector<16xi32>
      %eq3A_1377 = arith.cmpf oeq, %gather3A_1373, %gather3A_1313 : vector<16xf32>
      %and3A_1378 = arith.andi %gt3A_1376, %eq3A_1377 : vector<16xi1>
      %select_n3A_1379 = arith.select %and3A_1378, %max3A_1372, %select_n3A_1366 : vector<16xi1>, vector<16xi32>
      %sub3A_1380 = arith.constant 1 : i32
      %sub3A_1381 = vector.broadcast %sub3A_1380 : i32 to vector<16xi32>
      %sub3A_1382 = arith.subi %select_n3A_1379, %sub3A_1381 : vector<16xi32>
      %max3A_1383 = arith.constant 0 : i32
      %max3A_1384 = vector.broadcast %max3A_1383 : i32 to vector<16xi32>
      %max3A_1385 = arith.maxsi %sub3A_1382, %max3A_1384 : vector<16xi32>
      %gather3A_1386 = tpu.vector_load_idx %arg7[%max3A_1385] : memref<8192xf32, #tpu.memory_space<vmem>>[vector<16xi32>], vector<16xf32>,
      %gt3A_1387 = arith.constant 0 : i32
      %gt3A_1388 = vector.broadcast %gt3A_1387 : i32 to vector<16xi32>
      %gt3A_1389 = arith.cmpi sgt, %select_n3A_1379, %gt3A_1388 : vector<16xi32>
      %eq3A_1390 = arith.cmpf oeq, %gather3A_1386, %gather3A_1313 : vector<16xf32>
      %and3A_1391 = arith.andi %gt3A_1389, %eq3A_1390 : vector<16xi1>
      %select_n3A_1392 = arith.select %and3A_1391, %max3A_1385, %select_n3A_1379 : vector<16xi1>, vector<16xi32>
      %gather3A_1393 = tpu.vector_load_idx %arg8[%select_n3A_1392] : memref<8192xi32, #tpu.memory_space<vmem>>[vector<16xi32>], vector<16xi32>,
      %sub3A_1394 = arith.subf %get3A_27, %gather3A_1312 : vector<16xf32>
      %abs3A_1395 = math.absf %sub3A_1394 : vector<16xf32>
      %sub3A_1396 = arith.subf %get3A_27, %gather3A_1313 : vector<16xf32>
      %abs3A_1397 = math.absf %sub3A_1396 : vector<16xf32>
      %lt3A_1398 = arith.cmpf olt, %abs3A_1397, %abs3A_1395 : vector<16xf32>
      %eq3A_1399 = arith.cmpf oeq, %abs3A_1397, %abs3A_1395 : vector<16xf32>
      %lt3A_1400 = arith.cmpi slt, %gather3A_1393, %gather3A_1353 : vector<16xi32>
      %and3A_1401 = arith.andi %eq3A_1399, %lt3A_1400 : vector<16xi1>
      %or3A_1402 = arith.ori %lt3A_1398, %and3A_1401 : vector<16xi1>
      %select_n3A_1403 = arith.select %or3A_1402, %gather3A_1393, %gather3A_1353 : vector<16xi1>, vector<16xi32>
      %add3A_1404 = arith.constant 16 : i32
      %add3A_1405 = arith.addi %mul3A_20, %add3A_1404 : i32
      %swap3A_1406 = arith.index_cast %add3A_1405 : i32 to index
      %swap3A_1407 = tpu.vector_load %arg10[%swap3A_1406] {strides = array<i32>} : memref<512xi32, #tpu.memory_space<vmem>>, vector<16xi32>,
      tpu.vector_store %arg10[%swap3A_1406], %select_n3A_1403 {strides = array<i32>} : memref<512xi32, #tpu.memory_space<vmem>>, vector<16xi32>,
      %select_n3A_1408 = arith.select %or3A_1402, %abs3A_1397, %abs3A_1395 : vector<16xi1>, vector<16xf32>
      %add3A_1409 = arith.constant 16 : i32
      %add3A_1410 = arith.addi %mul3A_20, %add3A_1409 : i32
      %swap3A_1411 = arith.index_cast %add3A_1410 : i32 to index
      %swap3A_1412 = tpu.vector_load %arg11[%swap3A_1411] {strides = array<i32>} : memref<512xf32, #tpu.memory_space<vmem>>, vector<16xf32>,
      tpu.vector_store %arg11[%swap3A_1411], %select_n3A_1408 {strides = array<i32>} : memref<512xf32, #tpu.memory_space<vmem>>, vector<16xf32>,
      %sub3A_1413 = arith.constant 1 : i32
      %sub3A_1414 = vector.broadcast %sub3A_1413 : i32 to vector<16xi32>
      %sub3A_1415 = arith.subi %add3A_1151, %sub3A_1414 : vector<16xi32>
      %max3A_1416 = arith.constant 0 : i32
      %max3A_1417 = vector.broadcast %max3A_1416 : i32 to vector<16xi32>
      %max3A_1418 = arith.maxsi %sub3A_1415, %max3A_1417 : vector<16xi32>
      %gather3A_1419 = tpu.vector_load_idx %arg7[%max3A_1418] : memref<8192xf32, #tpu.memory_space<vmem>>[vector<16xi32>], vector<16xf32>,
      %gather3A_1420 = tpu.vector_load_idx %arg7[%add3A_1151] : memref<8192xf32, #tpu.memory_space<vmem>>[vector<16xi32>], vector<16xf32>,
      %sub3A_1421 = arith.constant 1 : i32
      %sub3A_1422 = vector.broadcast %sub3A_1421 : i32 to vector<16xi32>
      %sub3A_1423 = arith.subi %max3A_1418, %sub3A_1422 : vector<16xi32>
      %max3A_1424 = arith.constant 0 : i32
      %max3A_1425 = vector.broadcast %max3A_1424 : i32 to vector<16xi32>
      %max3A_1426 = arith.maxsi %sub3A_1423, %max3A_1425 : vector<16xi32>
      %gather3A_1427 = tpu.vector_load_idx %arg7[%max3A_1426] : memref<8192xf32, #tpu.memory_space<vmem>>[vector<16xi32>], vector<16xf32>,
      %gt3A_1428 = arith.constant 0 : i32
      %gt3A_1429 = vector.broadcast %gt3A_1428 : i32 to vector<16xi32>
      %gt3A_1430 = arith.cmpi sgt, %max3A_1418, %gt3A_1429 : vector<16xi32>
      %eq3A_1431 = arith.cmpf oeq, %gather3A_1427, %gather3A_1419 : vector<16xf32>
      %and3A_1432 = arith.andi %gt3A_1430, %eq3A_1431 : vector<16xi1>
      %select_n3A_1433 = arith.select %and3A_1432, %max3A_1426, %max3A_1418 : vector<16xi1>, vector<16xi32>
      %sub3A_1434 = arith.constant 1 : i32
      %sub3A_1435 = vector.broadcast %sub3A_1434 : i32 to vector<16xi32>
      %sub3A_1436 = arith.subi %select_n3A_1433, %sub3A_1435 : vector<16xi32>
      %max3A_1437 = arith.constant 0 : i32
      %max3A_1438 = vector.broadcast %max3A_1437 : i32 to vector<16xi32>
      %max3A_1439 = arith.maxsi %sub3A_1436, %max3A_1438 : vector<16xi32>
      %gather3A_1440 = tpu.vector_load_idx %arg7[%max3A_1439] : memref<8192xf32, #tpu.memory_space<vmem>>[vector<16xi32>], vector<16xf32>,
      %gt3A_1441 = arith.constant 0 : i32
      %gt3A_1442 = vector.broadcast %gt3A_1441 : i32 to vector<16xi32>
      %gt3A_1443 = arith.cmpi sgt, %select_n3A_1433, %gt3A_1442 : vector<16xi32>
      %eq3A_1444 = arith.cmpf oeq, %gather3A_1440, %gather3A_1419 : vector<16xf32>
      %and3A_1445 = arith.andi %gt3A_1443, %eq3A_1444 : vector<16xi1>
      %select_n3A_1446 = arith.select %and3A_1445, %max3A_1439, %select_n3A_1433 : vector<16xi1>, vector<16xi32>
      %sub3A_1447 = arith.constant 1 : i32
      %sub3A_1448 = vector.broadcast %sub3A_1447 : i32 to vector<16xi32>
      %sub3A_1449 = arith.subi %select_n3A_1446, %sub3A_1448 : vector<16xi32>
      %max3A_1450 = arith.constant 0 : i32
      %max3A_1451 = vector.broadcast %max3A_1450 : i32 to vector<16xi32>
      %max3A_1452 = arith.maxsi %sub3A_1449, %max3A_1451 : vector<16xi32>
      %gather3A_1453 = tpu.vector_load_idx %arg7[%max3A_1452] : memref<8192xf32, #tpu.memory_space<vmem>>[vector<16xi32>], vector<16xf32>,
      %gt3A_1454 = arith.constant 0 : i32
      %gt3A_1455 = vector.broadcast %gt3A_1454 : i32 to vector<16xi32>
      %gt3A_1456 = arith.cmpi sgt, %select_n3A_1446, %gt3A_1455 : vector<16xi32>
      %eq3A_1457 = arith.cmpf oeq, %gather3A_1453, %gather3A_1419 : vector<16xf32>
      %and3A_1458 = arith.andi %gt3A_1456, %eq3A_1457 : vector<16xi1>
      %select_n3A_1459 = arith.select %and3A_1458, %max3A_1452, %select_n3A_1446 : vector<16xi1>, vector<16xi32>
      %gather3A_1460 = tpu.vector_load_idx %arg8[%select_n3A_1459] : memref<8192xi32, #tpu.memory_space<vmem>>[vector<16xi32>], vector<16xi32>,
      %sub3A_1461 = arith.constant 1 : i32
      %sub3A_1462 = vector.broadcast %sub3A_1461 : i32 to vector<16xi32>
      %sub3A_1463 = arith.subi %add3A_1151, %sub3A_1462 : vector<16xi32>
      %max3A_1464 = arith.constant 0 : i32
      %max3A_1465 = vector.broadcast %max3A_1464 : i32 to vector<16xi32>
      %max3A_1466 = arith.maxsi %sub3A_1463, %max3A_1465 : vector<16xi32>
      %gather3A_1467 = tpu.vector_load_idx %arg7[%max3A_1466] : memref<8192xf32, #tpu.memory_space<vmem>>[vector<16xi32>], vector<16xf32>,
      %gt3A_1468 = arith.constant 0 : i32
      %gt3A_1469 = vector.broadcast %gt3A_1468 : i32 to vector<16xi32>
      %gt3A_1470 = arith.cmpi sgt, %add3A_1151, %gt3A_1469 : vector<16xi32>
      %eq3A_1471 = arith.cmpf oeq, %gather3A_1467, %gather3A_1420 : vector<16xf32>
      %and3A_1472 = arith.andi %gt3A_1470, %eq3A_1471 : vector<16xi1>
      %select_n3A_1473 = arith.select %and3A_1472, %max3A_1466, %add3A_1151 : vector<16xi1>, vector<16xi32>
      %sub3A_1474 = arith.constant 1 : i32
      %sub3A_1475 = vector.broadcast %sub3A_1474 : i32 to vector<16xi32>
      %sub3A_1476 = arith.subi %select_n3A_1473, %sub3A_1475 : vector<16xi32>
      %max3A_1477 = arith.constant 0 : i32
      %max3A_1478 = vector.broadcast %max3A_1477 : i32 to vector<16xi32>
      %max3A_1479 = arith.maxsi %sub3A_1476, %max3A_1478 : vector<16xi32>
      %gather3A_1480 = tpu.vector_load_idx %arg7[%max3A_1479] : memref<8192xf32, #tpu.memory_space<vmem>>[vector<16xi32>], vector<16xf32>,
      %gt3A_1481 = arith.constant 0 : i32
      %gt3A_1482 = vector.broadcast %gt3A_1481 : i32 to vector<16xi32>
      %gt3A_1483 = arith.cmpi sgt, %select_n3A_1473, %gt3A_1482 : vector<16xi32>
      %eq3A_1484 = arith.cmpf oeq, %gather3A_1480, %gather3A_1420 : vector<16xf32>
      %and3A_1485 = arith.andi %gt3A_1483, %eq3A_1484 : vector<16xi1>
      %select_n3A_1486 = arith.select %and3A_1485, %max3A_1479, %select_n3A_1473 : vector<16xi1>, vector<16xi32>
      %sub3A_1487 = arith.constant 1 : i32
      %sub3A_1488 = vector.broadcast %sub3A_1487 : i32 to vector<16xi32>
      %sub3A_1489 = arith.subi %select_n3A_1486, %sub3A_1488 : vector<16xi32>
      %max3A_1490 = arith.constant 0 : i32
      %max3A_1491 = vector.broadcast %max3A_1490 : i32 to vector<16xi32>
      %max3A_1492 = arith.maxsi %sub3A_1489, %max3A_1491 : vector<16xi32>
      %gather3A_1493 = tpu.vector_load_idx %arg7[%max3A_1492] : memref<8192xf32, #tpu.memory_space<vmem>>[vector<16xi32>], vector<16xf32>,
      %gt3A_1494 = arith.constant 0 : i32
      %gt3A_1495 = vector.broadcast %gt3A_1494 : i32 to vector<16xi32>
      %gt3A_1496 = arith.cmpi sgt, %select_n3A_1486, %gt3A_1495 : vector<16xi32>
      %eq3A_1497 = arith.cmpf oeq, %gather3A_1493, %gather3A_1420 : vector<16xf32>
      %and3A_1498 = arith.andi %gt3A_1496, %eq3A_1497 : vector<16xi1>
      %select_n3A_1499 = arith.select %and3A_1498, %max3A_1492, %select_n3A_1486 : vector<16xi1>, vector<16xi32>
      %gather3A_1500 = tpu.vector_load_idx %arg8[%select_n3A_1499] : memref<8192xi32, #tpu.memory_space<vmem>>[vector<16xi32>], vector<16xi32>,
      %sub3A_1501 = arith.subf %get3A_31, %gather3A_1419 : vector<16xf32>
      %abs3A_1502 = math.absf %sub3A_1501 : vector<16xf32>
      %sub3A_1503 = arith.subf %get3A_31, %gather3A_1420 : vector<16xf32>
      %abs3A_1504 = math.absf %sub3A_1503 : vector<16xf32>
      %lt3A_1505 = arith.cmpf olt, %abs3A_1504, %abs3A_1502 : vector<16xf32>
      %eq3A_1506 = arith.cmpf oeq, %abs3A_1504, %abs3A_1502 : vector<16xf32>
      %lt3A_1507 = arith.cmpi slt, %gather3A_1500, %gather3A_1460 : vector<16xi32>
      %and3A_1508 = arith.andi %eq3A_1506, %lt3A_1507 : vector<16xi1>
      %or3A_1509 = arith.ori %lt3A_1505, %and3A_1508 : vector<16xi1>
      %select_n3A_1510 = arith.select %or3A_1509, %gather3A_1500, %gather3A_1460 : vector<16xi1>, vector<16xi32>
      %add3A_1511 = arith.constant 32 : i32
      %add3A_1512 = arith.addi %mul3A_20, %add3A_1511 : i32
      %swap3A_1513 = arith.index_cast %add3A_1512 : i32 to index
      %swap3A_1514 = tpu.vector_load %arg10[%swap3A_1513] {strides = array<i32>} : memref<512xi32, #tpu.memory_space<vmem>>, vector<16xi32>,
      tpu.vector_store %arg10[%swap3A_1513], %select_n3A_1510 {strides = array<i32>} : memref<512xi32, #tpu.memory_space<vmem>>, vector<16xi32>,
      %select_n3A_1515 = arith.select %or3A_1509, %abs3A_1504, %abs3A_1502 : vector<16xi1>, vector<16xf32>
      %add3A_1516 = arith.constant 32 : i32
      %add3A_1517 = arith.addi %mul3A_20, %add3A_1516 : i32
      %swap3A_1518 = arith.index_cast %add3A_1517 : i32 to index
      %swap3A_1519 = tpu.vector_load %arg11[%swap3A_1518] {strides = array<i32>} : memref<512xf32, #tpu.memory_space<vmem>>, vector<16xf32>,
      tpu.vector_store %arg11[%swap3A_1518], %select_n3A_1515 {strides = array<i32>} : memref<512xf32, #tpu.memory_space<vmem>>, vector<16xf32>,
      %sub3A_1520 = arith.constant 1 : i32
      %sub3A_1521 = vector.broadcast %sub3A_1520 : i32 to vector<16xi32>
      %sub3A_1522 = arith.subi %add3A_1162, %sub3A_1521 : vector<16xi32>
      %max3A_1523 = arith.constant 0 : i32
      %max3A_1524 = vector.broadcast %max3A_1523 : i32 to vector<16xi32>
      %max3A_1525 = arith.maxsi %sub3A_1522, %max3A_1524 : vector<16xi32>
      %gather3A_1526 = tpu.vector_load_idx %arg7[%max3A_1525] : memref<8192xf32, #tpu.memory_space<vmem>>[vector<16xi32>], vector<16xf32>,
      %gather3A_1527 = tpu.vector_load_idx %arg7[%add3A_1162] : memref<8192xf32, #tpu.memory_space<vmem>>[vector<16xi32>], vector<16xf32>,
      %sub3A_1528 = arith.constant 1 : i32
      %sub3A_1529 = vector.broadcast %sub3A_1528 : i32 to vector<16xi32>
      %sub3A_1530 = arith.subi %max3A_1525, %sub3A_1529 : vector<16xi32>
      %max3A_1531 = arith.constant 0 : i32
      %max3A_1532 = vector.broadcast %max3A_1531 : i32 to vector<16xi32>
      %max3A_1533 = arith.maxsi %sub3A_1530, %max3A_1532 : vector<16xi32>
      %gather3A_1534 = tpu.vector_load_idx %arg7[%max3A_1533] : memref<8192xf32, #tpu.memory_space<vmem>>[vector<16xi32>], vector<16xf32>,
      %gt3A_1535 = arith.constant 0 : i32
      %gt3A_1536 = vector.broadcast %gt3A_1535 : i32 to vector<16xi32>
      %gt3A_1537 = arith.cmpi sgt, %max3A_1525, %gt3A_1536 : vector<16xi32>
      %eq3A_1538 = arith.cmpf oeq, %gather3A_1534, %gather3A_1526 : vector<16xf32>
      %and3A_1539 = arith.andi %gt3A_1537, %eq3A_1538 : vector<16xi1>
      %select_n3A_1540 = arith.select %and3A_1539, %max3A_1533, %max3A_1525 : vector<16xi1>, vector<16xi32>
      %sub3A_1541 = arith.constant 1 : i32
      %sub3A_1542 = vector.broadcast %sub3A_1541 : i32 to vector<16xi32>
      %sub3A_1543 = arith.subi %select_n3A_1540, %sub3A_1542 : vector<16xi32>
      %max3A_1544 = arith.constant 0 : i32
      %max3A_1545 = vector.broadcast %max3A_1544 : i32 to vector<16xi32>
      %max3A_1546 = arith.maxsi %sub3A_1543, %max3A_1545 : vector<16xi32>
      %gather3A_1547 = tpu.vector_load_idx %arg7[%max3A_1546] : memref<8192xf32, #tpu.memory_space<vmem>>[vector<16xi32>], vector<16xf32>,
      %gt3A_1548 = arith.constant 0 : i32
      %gt3A_1549 = vector.broadcast %gt3A_1548 : i32 to vector<16xi32>
      %gt3A_1550 = arith.cmpi sgt, %select_n3A_1540, %gt3A_1549 : vector<16xi32>
      %eq3A_1551 = arith.cmpf oeq, %gather3A_1547, %gather3A_1526 : vector<16xf32>
      %and3A_1552 = arith.andi %gt3A_1550, %eq3A_1551 : vector<16xi1>
      %select_n3A_1553 = arith.select %and3A_1552, %max3A_1546, %select_n3A_1540 : vector<16xi1>, vector<16xi32>
      %sub3A_1554 = arith.constant 1 : i32
      %sub3A_1555 = vector.broadcast %sub3A_1554 : i32 to vector<16xi32>
      %sub3A_1556 = arith.subi %select_n3A_1553, %sub3A_1555 : vector<16xi32>
      %max3A_1557 = arith.constant 0 : i32
      %max3A_1558 = vector.broadcast %max3A_1557 : i32 to vector<16xi32>
      %max3A_1559 = arith.maxsi %sub3A_1556, %max3A_1558 : vector<16xi32>
      %gather3A_1560 = tpu.vector_load_idx %arg7[%max3A_1559] : memref<8192xf32, #tpu.memory_space<vmem>>[vector<16xi32>], vector<16xf32>,
      %gt3A_1561 = arith.constant 0 : i32
      %gt3A_1562 = vector.broadcast %gt3A_1561 : i32 to vector<16xi32>
      %gt3A_1563 = arith.cmpi sgt, %select_n3A_1553, %gt3A_1562 : vector<16xi32>
      %eq3A_1564 = arith.cmpf oeq, %gather3A_1560, %gather3A_1526 : vector<16xf32>
      %and3A_1565 = arith.andi %gt3A_1563, %eq3A_1564 : vector<16xi1>
      %select_n3A_1566 = arith.select %and3A_1565, %max3A_1559, %select_n3A_1553 : vector<16xi1>, vector<16xi32>
      %gather3A_1567 = tpu.vector_load_idx %arg8[%select_n3A_1566] : memref<8192xi32, #tpu.memory_space<vmem>>[vector<16xi32>], vector<16xi32>,
      %sub3A_1568 = arith.constant 1 : i32
      %sub3A_1569 = vector.broadcast %sub3A_1568 : i32 to vector<16xi32>
      %sub3A_1570 = arith.subi %add3A_1162, %sub3A_1569 : vector<16xi32>
      %max3A_1571 = arith.constant 0 : i32
      %max3A_1572 = vector.broadcast %max3A_1571 : i32 to vector<16xi32>
      %max3A_1573 = arith.maxsi %sub3A_1570, %max3A_1572 : vector<16xi32>
      %gather3A_1574 = tpu.vector_load_idx %arg7[%max3A_1573] : memref<8192xf32, #tpu.memory_space<vmem>>[vector<16xi32>], vector<16xf32>,
      %gt3A_1575 = arith.constant 0 : i32
      %gt3A_1576 = vector.broadcast %gt3A_1575 : i32 to vector<16xi32>
      %gt3A_1577 = arith.cmpi sgt, %add3A_1162, %gt3A_1576 : vector<16xi32>
      %eq3A_1578 = arith.cmpf oeq, %gather3A_1574, %gather3A_1527 : vector<16xf32>
      %and3A_1579 = arith.andi %gt3A_1577, %eq3A_1578 : vector<16xi1>
      %select_n3A_1580 = arith.select %and3A_1579, %max3A_1573, %add3A_1162 : vector<16xi1>, vector<16xi32>
      %sub3A_1581 = arith.constant 1 : i32
      %sub3A_1582 = vector.broadcast %sub3A_1581 : i32 to vector<16xi32>
      %sub3A_1583 = arith.subi %select_n3A_1580, %sub3A_1582 : vector<16xi32>
      %max3A_1584 = arith.constant 0 : i32
      %max3A_1585 = vector.broadcast %max3A_1584 : i32 to vector<16xi32>
      %max3A_1586 = arith.maxsi %sub3A_1583, %max3A_1585 : vector<16xi32>
      %gather3A_1587 = tpu.vector_load_idx %arg7[%max3A_1586] : memref<8192xf32, #tpu.memory_space<vmem>>[vector<16xi32>], vector<16xf32>,
      %gt3A_1588 = arith.constant 0 : i32
      %gt3A_1589 = vector.broadcast %gt3A_1588 : i32 to vector<16xi32>
      %gt3A_1590 = arith.cmpi sgt, %select_n3A_1580, %gt3A_1589 : vector<16xi32>
      %eq3A_1591 = arith.cmpf oeq, %gather3A_1587, %gather3A_1527 : vector<16xf32>
      %and3A_1592 = arith.andi %gt3A_1590, %eq3A_1591 : vector<16xi1>
      %select_n3A_1593 = arith.select %and3A_1592, %max3A_1586, %select_n3A_1580 : vector<16xi1>, vector<16xi32>
      %sub3A_1594 = arith.constant 1 : i32
      %sub3A_1595 = vector.broadcast %sub3A_1594 : i32 to vector<16xi32>
      %sub3A_1596 = arith.subi %select_n3A_1593, %sub3A_1595 : vector<16xi32>
      %max3A_1597 = arith.constant 0 : i32
      %max3A_1598 = vector.broadcast %max3A_1597 : i32 to vector<16xi32>
      %max3A_1599 = arith.maxsi %sub3A_1596, %max3A_1598 : vector<16xi32>
      %gather3A_1600 = tpu.vector_load_idx %arg7[%max3A_1599] : memref<8192xf32, #tpu.memory_space<vmem>>[vector<16xi32>], vector<16xf32>,
      %gt3A_1601 = arith.constant 0 : i32
      %gt3A_1602 = vector.broadcast %gt3A_1601 : i32 to vector<16xi32>
      %gt3A_1603 = arith.cmpi sgt, %select_n3A_1593, %gt3A_1602 : vector<16xi32>
      %eq3A_1604 = arith.cmpf oeq, %gather3A_1600, %gather3A_1527 : vector<16xf32>
      %and3A_1605 = arith.andi %gt3A_1603, %eq3A_1604 : vector<16xi1>
      %select_n3A_1606 = arith.select %and3A_1605, %max3A_1599, %select_n3A_1593 : vector<16xi1>, vector<16xi32>
      %gather3A_1607 = tpu.vector_load_idx %arg8[%select_n3A_1606] : memref<8192xi32, #tpu.memory_space<vmem>>[vector<16xi32>], vector<16xi32>,
      %sub3A_1608 = arith.subf %get3A_35, %gather3A_1526 : vector<16xf32>
      %abs3A_1609 = math.absf %sub3A_1608 : vector<16xf32>
      %sub3A_1610 = arith.subf %get3A_35, %gather3A_1527 : vector<16xf32>
      %abs3A_1611 = math.absf %sub3A_1610 : vector<16xf32>
      %lt3A_1612 = arith.cmpf olt, %abs3A_1611, %abs3A_1609 : vector<16xf32>
      %eq3A_1613 = arith.cmpf oeq, %abs3A_1611, %abs3A_1609 : vector<16xf32>
      %lt3A_1614 = arith.cmpi slt, %gather3A_1607, %gather3A_1567 : vector<16xi32>
      %and3A_1615 = arith.andi %eq3A_1613, %lt3A_1614 : vector<16xi1>
      %or3A_1616 = arith.ori %lt3A_1612, %and3A_1615 : vector<16xi1>
      %select_n3A_1617 = arith.select %or3A_1616, %gather3A_1607, %gather3A_1567 : vector<16xi1>, vector<16xi32>
      %add3A_1618 = arith.constant 48 : i32
      %add3A_1619 = arith.addi %mul3A_20, %add3A_1618 : i32
      %swap3A_1620 = arith.index_cast %add3A_1619 : i32 to index
      %swap3A_1621 = tpu.vector_load %arg10[%swap3A_1620] {strides = array<i32>} : memref<512xi32, #tpu.memory_space<vmem>>, vector<16xi32>,
      tpu.vector_store %arg10[%swap3A_1620], %select_n3A_1617 {strides = array<i32>} : memref<512xi32, #tpu.memory_space<vmem>>, vector<16xi32>,
      %select_n3A_1622 = arith.select %or3A_1616, %abs3A_1611, %abs3A_1609 : vector<16xi1>, vector<16xf32>
      %add3A_1623 = arith.constant 48 : i32
      %add3A_1624 = arith.addi %mul3A_20, %add3A_1623 : i32
      %swap3A_1625 = arith.index_cast %add3A_1624 : i32 to index
      %swap3A_1626 = tpu.vector_load %arg11[%swap3A_1625] {strides = array<i32>} : memref<512xf32, #tpu.memory_space<vmem>>, vector<16xf32>,
      tpu.vector_store %arg11[%swap3A_1625], %select_n3A_1622 {strides = array<i32>} : memref<512xf32, #tpu.memory_space<vmem>>, vector<16xf32>,
      %sub3A_1627 = arith.constant 1 : i32
      %sub3A_1628 = vector.broadcast %sub3A_1627 : i32 to vector<16xi32>
      %sub3A_1629 = arith.subi %add3A_1173, %sub3A_1628 : vector<16xi32>
      %max3A_1630 = arith.constant 0 : i32
      %max3A_1631 = vector.broadcast %max3A_1630 : i32 to vector<16xi32>
      %max3A_1632 = arith.maxsi %sub3A_1629, %max3A_1631 : vector<16xi32>
      %gather3A_1633 = tpu.vector_load_idx %arg7[%max3A_1632] : memref<8192xf32, #tpu.memory_space<vmem>>[vector<16xi32>], vector<16xf32>,
      %gather3A_1634 = tpu.vector_load_idx %arg7[%add3A_1173] : memref<8192xf32, #tpu.memory_space<vmem>>[vector<16xi32>], vector<16xf32>,
      %sub3A_1635 = arith.constant 1 : i32
      %sub3A_1636 = vector.broadcast %sub3A_1635 : i32 to vector<16xi32>
      %sub3A_1637 = arith.subi %max3A_1632, %sub3A_1636 : vector<16xi32>
      %max3A_1638 = arith.constant 0 : i32
      %max3A_1639 = vector.broadcast %max3A_1638 : i32 to vector<16xi32>
      %max3A_1640 = arith.maxsi %sub3A_1637, %max3A_1639 : vector<16xi32>
      %gather3A_1641 = tpu.vector_load_idx %arg7[%max3A_1640] : memref<8192xf32, #tpu.memory_space<vmem>>[vector<16xi32>], vector<16xf32>,
      %gt3A_1642 = arith.constant 0 : i32
      %gt3A_1643 = vector.broadcast %gt3A_1642 : i32 to vector<16xi32>
      %gt3A_1644 = arith.cmpi sgt, %max3A_1632, %gt3A_1643 : vector<16xi32>
      %eq3A_1645 = arith.cmpf oeq, %gather3A_1641, %gather3A_1633 : vector<16xf32>
      %and3A_1646 = arith.andi %gt3A_1644, %eq3A_1645 : vector<16xi1>
      %select_n3A_1647 = arith.select %and3A_1646, %max3A_1640, %max3A_1632 : vector<16xi1>, vector<16xi32>
      %sub3A_1648 = arith.constant 1 : i32
      %sub3A_1649 = vector.broadcast %sub3A_1648 : i32 to vector<16xi32>
      %sub3A_1650 = arith.subi %select_n3A_1647, %sub3A_1649 : vector<16xi32>
      %max3A_1651 = arith.constant 0 : i32
      %max3A_1652 = vector.broadcast %max3A_1651 : i32 to vector<16xi32>
      %max3A_1653 = arith.maxsi %sub3A_1650, %max3A_1652 : vector<16xi32>
      %gather3A_1654 = tpu.vector_load_idx %arg7[%max3A_1653] : memref<8192xf32, #tpu.memory_space<vmem>>[vector<16xi32>], vector<16xf32>,
      %gt3A_1655 = arith.constant 0 : i32
      %gt3A_1656 = vector.broadcast %gt3A_1655 : i32 to vector<16xi32>
      %gt3A_1657 = arith.cmpi sgt, %select_n3A_1647, %gt3A_1656 : vector<16xi32>
      %eq3A_1658 = arith.cmpf oeq, %gather3A_1654, %gather3A_1633 : vector<16xf32>
      %and3A_1659 = arith.andi %gt3A_1657, %eq3A_1658 : vector<16xi1>
      %select_n3A_1660 = arith.select %and3A_1659, %max3A_1653, %select_n3A_1647 : vector<16xi1>, vector<16xi32>
      %sub3A_1661 = arith.constant 1 : i32
      %sub3A_1662 = vector.broadcast %sub3A_1661 : i32 to vector<16xi32>
      %sub3A_1663 = arith.subi %select_n3A_1660, %sub3A_1662 : vector<16xi32>
      %max3A_1664 = arith.constant 0 : i32
      %max3A_1665 = vector.broadcast %max3A_1664 : i32 to vector<16xi32>
      %max3A_1666 = arith.maxsi %sub3A_1663, %max3A_1665 : vector<16xi32>
      %gather3A_1667 = tpu.vector_load_idx %arg7[%max3A_1666] : memref<8192xf32, #tpu.memory_space<vmem>>[vector<16xi32>], vector<16xf32>,
      %gt3A_1668 = arith.constant 0 : i32
      %gt3A_1669 = vector.broadcast %gt3A_1668 : i32 to vector<16xi32>
      %gt3A_1670 = arith.cmpi sgt, %select_n3A_1660, %gt3A_1669 : vector<16xi32>
      %eq3A_1671 = arith.cmpf oeq, %gather3A_1667, %gather3A_1633 : vector<16xf32>
      %and3A_1672 = arith.andi %gt3A_1670, %eq3A_1671 : vector<16xi1>
      %select_n3A_1673 = arith.select %and3A_1672, %max3A_1666, %select_n3A_1660 : vector<16xi1>, vector<16xi32>
      %gather3A_1674 = tpu.vector_load_idx %arg8[%select_n3A_1673] : memref<8192xi32, #tpu.memory_space<vmem>>[vector<16xi32>], vector<16xi32>,
      %sub3A_1675 = arith.constant 1 : i32
      %sub3A_1676 = vector.broadcast %sub3A_1675 : i32 to vector<16xi32>
      %sub3A_1677 = arith.subi %add3A_1173, %sub3A_1676 : vector<16xi32>
      %max3A_1678 = arith.constant 0 : i32
      %max3A_1679 = vector.broadcast %max3A_1678 : i32 to vector<16xi32>
      %max3A_1680 = arith.maxsi %sub3A_1677, %max3A_1679 : vector<16xi32>
      %gather3A_1681 = tpu.vector_load_idx %arg7[%max3A_1680] : memref<8192xf32, #tpu.memory_space<vmem>>[vector<16xi32>], vector<16xf32>,
      %gt3A_1682 = arith.constant 0 : i32
      %gt3A_1683 = vector.broadcast %gt3A_1682 : i32 to vector<16xi32>
      %gt3A_1684 = arith.cmpi sgt, %add3A_1173, %gt3A_1683 : vector<16xi32>
      %eq3A_1685 = arith.cmpf oeq, %gather3A_1681, %gather3A_1634 : vector<16xf32>
      %and3A_1686 = arith.andi %gt3A_1684, %eq3A_1685 : vector<16xi1>
      %select_n3A_1687 = arith.select %and3A_1686, %max3A_1680, %add3A_1173 : vector<16xi1>, vector<16xi32>
      %sub3A_1688 = arith.constant 1 : i32
      %sub3A_1689 = vector.broadcast %sub3A_1688 : i32 to vector<16xi32>
      %sub3A_1690 = arith.subi %select_n3A_1687, %sub3A_1689 : vector<16xi32>
      %max3A_1691 = arith.constant 0 : i32
      %max3A_1692 = vector.broadcast %max3A_1691 : i32 to vector<16xi32>
      %max3A_1693 = arith.maxsi %sub3A_1690, %max3A_1692 : vector<16xi32>
      %gather3A_1694 = tpu.vector_load_idx %arg7[%max3A_1693] : memref<8192xf32, #tpu.memory_space<vmem>>[vector<16xi32>], vector<16xf32>,
      %gt3A_1695 = arith.constant 0 : i32
      %gt3A_1696 = vector.broadcast %gt3A_1695 : i32 to vector<16xi32>
      %gt3A_1697 = arith.cmpi sgt, %select_n3A_1687, %gt3A_1696 : vector<16xi32>
      %eq3A_1698 = arith.cmpf oeq, %gather3A_1694, %gather3A_1634 : vector<16xf32>
      %and3A_1699 = arith.andi %gt3A_1697, %eq3A_1698 : vector<16xi1>
      %select_n3A_1700 = arith.select %and3A_1699, %max3A_1693, %select_n3A_1687 : vector<16xi1>, vector<16xi32>
      %sub3A_1701 = arith.constant 1 : i32
      %sub3A_1702 = vector.broadcast %sub3A_1701 : i32 to vector<16xi32>
      %sub3A_1703 = arith.subi %select_n3A_1700, %sub3A_1702 : vector<16xi32>
      %max3A_1704 = arith.constant 0 : i32
      %max3A_1705 = vector.broadcast %max3A_1704 : i32 to vector<16xi32>
      %max3A_1706 = arith.maxsi %sub3A_1703, %max3A_1705 : vector<16xi32>
      %gather3A_1707 = tpu.vector_load_idx %arg7[%max3A_1706] : memref<8192xf32, #tpu.memory_space<vmem>>[vector<16xi32>], vector<16xf32>,
      %gt3A_1708 = arith.constant 0 : i32
      %gt3A_1709 = vector.broadcast %gt3A_1708 : i32 to vector<16xi32>
      %gt3A_1710 = arith.cmpi sgt, %select_n3A_1700, %gt3A_1709 : vector<16xi32>
      %eq3A_1711 = arith.cmpf oeq, %gather3A_1707, %gather3A_1634 : vector<16xf32>
      %and3A_1712 = arith.andi %gt3A_1710, %eq3A_1711 : vector<16xi1>
      %select_n3A_1713 = arith.select %and3A_1712, %max3A_1706, %select_n3A_1700 : vector<16xi1>, vector<16xi32>
      %gather3A_1714 = tpu.vector_load_idx %arg8[%select_n3A_1713] : memref<8192xi32, #tpu.memory_space<vmem>>[vector<16xi32>], vector<16xi32>,
      %sub3A_1715 = arith.subf %get3A_39, %gather3A_1633 : vector<16xf32>
      %abs3A_1716 = math.absf %sub3A_1715 : vector<16xf32>
      %sub3A_1717 = arith.subf %get3A_39, %gather3A_1634 : vector<16xf32>
      %abs3A_1718 = math.absf %sub3A_1717 : vector<16xf32>
      %lt3A_1719 = arith.cmpf olt, %abs3A_1718, %abs3A_1716 : vector<16xf32>
      %eq3A_1720 = arith.cmpf oeq, %abs3A_1718, %abs3A_1716 : vector<16xf32>
      %lt3A_1721 = arith.cmpi slt, %gather3A_1714, %gather3A_1674 : vector<16xi32>
      %and3A_1722 = arith.andi %eq3A_1720, %lt3A_1721 : vector<16xi1>
      %or3A_1723 = arith.ori %lt3A_1719, %and3A_1722 : vector<16xi1>
      %select_n3A_1724 = arith.select %or3A_1723, %gather3A_1714, %gather3A_1674 : vector<16xi1>, vector<16xi32>
      %add3A_1725 = arith.constant 64 : i32
      %add3A_1726 = arith.addi %mul3A_20, %add3A_1725 : i32
      %swap3A_1727 = arith.index_cast %add3A_1726 : i32 to index
      %swap3A_1728 = tpu.vector_load %arg10[%swap3A_1727] {strides = array<i32>} : memref<512xi32, #tpu.memory_space<vmem>>, vector<16xi32>,
      tpu.vector_store %arg10[%swap3A_1727], %select_n3A_1724 {strides = array<i32>} : memref<512xi32, #tpu.memory_space<vmem>>, vector<16xi32>,
      %select_n3A_1729 = arith.select %or3A_1723, %abs3A_1718, %abs3A_1716 : vector<16xi1>, vector<16xf32>
      %add3A_1730 = arith.constant 64 : i32
      %add3A_1731 = arith.addi %mul3A_20, %add3A_1730 : i32
      %swap3A_1732 = arith.index_cast %add3A_1731 : i32 to index
      %swap3A_1733 = tpu.vector_load %arg11[%swap3A_1732] {strides = array<i32>} : memref<512xf32, #tpu.memory_space<vmem>>, vector<16xf32>,
      tpu.vector_store %arg11[%swap3A_1732], %select_n3A_1729 {strides = array<i32>} : memref<512xf32, #tpu.memory_space<vmem>>, vector<16xf32>,
      %sub3A_1734 = arith.constant 1 : i32
      %sub3A_1735 = vector.broadcast %sub3A_1734 : i32 to vector<16xi32>
      %sub3A_1736 = arith.subi %add3A_1184, %sub3A_1735 : vector<16xi32>
      %max3A_1737 = arith.constant 0 : i32
      %max3A_1738 = vector.broadcast %max3A_1737 : i32 to vector<16xi32>
      %max3A_1739 = arith.maxsi %sub3A_1736, %max3A_1738 : vector<16xi32>
      %gather3A_1740 = tpu.vector_load_idx %arg7[%max3A_1739] : memref<8192xf32, #tpu.memory_space<vmem>>[vector<16xi32>], vector<16xf32>,
      %gather3A_1741 = tpu.vector_load_idx %arg7[%add3A_1184] : memref<8192xf32, #tpu.memory_space<vmem>>[vector<16xi32>], vector<16xf32>,
      %sub3A_1742 = arith.constant 1 : i32
      %sub3A_1743 = vector.broadcast %sub3A_1742 : i32 to vector<16xi32>
      %sub3A_1744 = arith.subi %max3A_1739, %sub3A_1743 : vector<16xi32>
      %max3A_1745 = arith.constant 0 : i32
      %max3A_1746 = vector.broadcast %max3A_1745 : i32 to vector<16xi32>
      %max3A_1747 = arith.maxsi %sub3A_1744, %max3A_1746 : vector<16xi32>
      %gather3A_1748 = tpu.vector_load_idx %arg7[%max3A_1747] : memref<8192xf32, #tpu.memory_space<vmem>>[vector<16xi32>], vector<16xf32>,
      %gt3A_1749 = arith.constant 0 : i32
      %gt3A_1750 = vector.broadcast %gt3A_1749 : i32 to vector<16xi32>
      %gt3A_1751 = arith.cmpi sgt, %max3A_1739, %gt3A_1750 : vector<16xi32>
      %eq3A_1752 = arith.cmpf oeq, %gather3A_1748, %gather3A_1740 : vector<16xf32>
      %and3A_1753 = arith.andi %gt3A_1751, %eq3A_1752 : vector<16xi1>
      %select_n3A_1754 = arith.select %and3A_1753, %max3A_1747, %max3A_1739 : vector<16xi1>, vector<16xi32>
      %sub3A_1755 = arith.constant 1 : i32
      %sub3A_1756 = vector.broadcast %sub3A_1755 : i32 to vector<16xi32>
      %sub3A_1757 = arith.subi %select_n3A_1754, %sub3A_1756 : vector<16xi32>
      %max3A_1758 = arith.constant 0 : i32
      %max3A_1759 = vector.broadcast %max3A_1758 : i32 to vector<16xi32>
      %max3A_1760 = arith.maxsi %sub3A_1757, %max3A_1759 : vector<16xi32>
      %gather3A_1761 = tpu.vector_load_idx %arg7[%max3A_1760] : memref<8192xf32, #tpu.memory_space<vmem>>[vector<16xi32>], vector<16xf32>,
      %gt3A_1762 = arith.constant 0 : i32
      %gt3A_1763 = vector.broadcast %gt3A_1762 : i32 to vector<16xi32>
      %gt3A_1764 = arith.cmpi sgt, %select_n3A_1754, %gt3A_1763 : vector<16xi32>
      %eq3A_1765 = arith.cmpf oeq, %gather3A_1761, %gather3A_1740 : vector<16xf32>
      %and3A_1766 = arith.andi %gt3A_1764, %eq3A_1765 : vector<16xi1>
      %select_n3A_1767 = arith.select %and3A_1766, %max3A_1760, %select_n3A_1754 : vector<16xi1>, vector<16xi32>
      %sub3A_1768 = arith.constant 1 : i32
      %sub3A_1769 = vector.broadcast %sub3A_1768 : i32 to vector<16xi32>
      %sub3A_1770 = arith.subi %select_n3A_1767, %sub3A_1769 : vector<16xi32>
      %max3A_1771 = arith.constant 0 : i32
      %max3A_1772 = vector.broadcast %max3A_1771 : i32 to vector<16xi32>
      %max3A_1773 = arith.maxsi %sub3A_1770, %max3A_1772 : vector<16xi32>
      %gather3A_1774 = tpu.vector_load_idx %arg7[%max3A_1773] : memref<8192xf32, #tpu.memory_space<vmem>>[vector<16xi32>], vector<16xf32>,
      %gt3A_1775 = arith.constant 0 : i32
      %gt3A_1776 = vector.broadcast %gt3A_1775 : i32 to vector<16xi32>
      %gt3A_1777 = arith.cmpi sgt, %select_n3A_1767, %gt3A_1776 : vector<16xi32>
      %eq3A_1778 = arith.cmpf oeq, %gather3A_1774, %gather3A_1740 : vector<16xf32>
      %and3A_1779 = arith.andi %gt3A_1777, %eq3A_1778 : vector<16xi1>
      %select_n3A_1780 = arith.select %and3A_1779, %max3A_1773, %select_n3A_1767 : vector<16xi1>, vector<16xi32>
      %gather3A_1781 = tpu.vector_load_idx %arg8[%select_n3A_1780] : memref<8192xi32, #tpu.memory_space<vmem>>[vector<16xi32>], vector<16xi32>,
      %sub3A_1782 = arith.constant 1 : i32
      %sub3A_1783 = vector.broadcast %sub3A_1782 : i32 to vector<16xi32>
      %sub3A_1784 = arith.subi %add3A_1184, %sub3A_1783 : vector<16xi32>
      %max3A_1785 = arith.constant 0 : i32
      %max3A_1786 = vector.broadcast %max3A_1785 : i32 to vector<16xi32>
      %max3A_1787 = arith.maxsi %sub3A_1784, %max3A_1786 : vector<16xi32>
      %gather3A_1788 = tpu.vector_load_idx %arg7[%max3A_1787] : memref<8192xf32, #tpu.memory_space<vmem>>[vector<16xi32>], vector<16xf32>,
      %gt3A_1789 = arith.constant 0 : i32
      %gt3A_1790 = vector.broadcast %gt3A_1789 : i32 to vector<16xi32>
      %gt3A_1791 = arith.cmpi sgt, %add3A_1184, %gt3A_1790 : vector<16xi32>
      %eq3A_1792 = arith.cmpf oeq, %gather3A_1788, %gather3A_1741 : vector<16xf32>
      %and3A_1793 = arith.andi %gt3A_1791, %eq3A_1792 : vector<16xi1>
      %select_n3A_1794 = arith.select %and3A_1793, %max3A_1787, %add3A_1184 : vector<16xi1>, vector<16xi32>
      %sub3A_1795 = arith.constant 1 : i32
      %sub3A_1796 = vector.broadcast %sub3A_1795 : i32 to vector<16xi32>
      %sub3A_1797 = arith.subi %select_n3A_1794, %sub3A_1796 : vector<16xi32>
      %max3A_1798 = arith.constant 0 : i32
      %max3A_1799 = vector.broadcast %max3A_1798 : i32 to vector<16xi32>
      %max3A_1800 = arith.maxsi %sub3A_1797, %max3A_1799 : vector<16xi32>
      %gather3A_1801 = tpu.vector_load_idx %arg7[%max3A_1800] : memref<8192xf32, #tpu.memory_space<vmem>>[vector<16xi32>], vector<16xf32>,
      %gt3A_1802 = arith.constant 0 : i32
      %gt3A_1803 = vector.broadcast %gt3A_1802 : i32 to vector<16xi32>
      %gt3A_1804 = arith.cmpi sgt, %select_n3A_1794, %gt3A_1803 : vector<16xi32>
      %eq3A_1805 = arith.cmpf oeq, %gather3A_1801, %gather3A_1741 : vector<16xf32>
      %and3A_1806 = arith.andi %gt3A_1804, %eq3A_1805 : vector<16xi1>
      %select_n3A_1807 = arith.select %and3A_1806, %max3A_1800, %select_n3A_1794 : vector<16xi1>, vector<16xi32>
      %sub3A_1808 = arith.constant 1 : i32
      %sub3A_1809 = vector.broadcast %sub3A_1808 : i32 to vector<16xi32>
      %sub3A_1810 = arith.subi %select_n3A_1807, %sub3A_1809 : vector<16xi32>
      %max3A_1811 = arith.constant 0 : i32
      %max3A_1812 = vector.broadcast %max3A_1811 : i32 to vector<16xi32>
      %max3A_1813 = arith.maxsi %sub3A_1810, %max3A_1812 : vector<16xi32>
      %gather3A_1814 = tpu.vector_load_idx %arg7[%max3A_1813] : memref<8192xf32, #tpu.memory_space<vmem>>[vector<16xi32>], vector<16xf32>,
      %gt3A_1815 = arith.constant 0 : i32
      %gt3A_1816 = vector.broadcast %gt3A_1815 : i32 to vector<16xi32>
      %gt3A_1817 = arith.cmpi sgt, %select_n3A_1807, %gt3A_1816 : vector<16xi32>
      %eq3A_1818 = arith.cmpf oeq, %gather3A_1814, %gather3A_1741 : vector<16xf32>
      %and3A_1819 = arith.andi %gt3A_1817, %eq3A_1818 : vector<16xi1>
      %select_n3A_1820 = arith.select %and3A_1819, %max3A_1813, %select_n3A_1807 : vector<16xi1>, vector<16xi32>
      %gather3A_1821 = tpu.vector_load_idx %arg8[%select_n3A_1820] : memref<8192xi32, #tpu.memory_space<vmem>>[vector<16xi32>], vector<16xi32>,
      %sub3A_1822 = arith.subf %get3A_43, %gather3A_1740 : vector<16xf32>
      %abs3A_1823 = math.absf %sub3A_1822 : vector<16xf32>
      %sub3A_1824 = arith.subf %get3A_43, %gather3A_1741 : vector<16xf32>
      %abs3A_1825 = math.absf %sub3A_1824 : vector<16xf32>
      %lt3A_1826 = arith.cmpf olt, %abs3A_1825, %abs3A_1823 : vector<16xf32>
      %eq3A_1827 = arith.cmpf oeq, %abs3A_1825, %abs3A_1823 : vector<16xf32>
      %lt3A_1828 = arith.cmpi slt, %gather3A_1821, %gather3A_1781 : vector<16xi32>
      %and3A_1829 = arith.andi %eq3A_1827, %lt3A_1828 : vector<16xi1>
      %or3A_1830 = arith.ori %lt3A_1826, %and3A_1829 : vector<16xi1>
      %select_n3A_1831 = arith.select %or3A_1830, %gather3A_1821, %gather3A_1781 : vector<16xi1>, vector<16xi32>
      %add3A_1832 = arith.constant 80 : i32
      %add3A_1833 = arith.addi %mul3A_20, %add3A_1832 : i32
      %swap3A_1834 = arith.index_cast %add3A_1833 : i32 to index
      %swap3A_1835 = tpu.vector_load %arg10[%swap3A_1834] {strides = array<i32>} : memref<512xi32, #tpu.memory_space<vmem>>, vector<16xi32>,
      tpu.vector_store %arg10[%swap3A_1834], %select_n3A_1831 {strides = array<i32>} : memref<512xi32, #tpu.memory_space<vmem>>, vector<16xi32>,
      %select_n3A_1836 = arith.select %or3A_1830, %abs3A_1825, %abs3A_1823 : vector<16xi1>, vector<16xf32>
      %add3A_1837 = arith.constant 80 : i32
      %add3A_1838 = arith.addi %mul3A_20, %add3A_1837 : i32
      %swap3A_1839 = arith.index_cast %add3A_1838 : i32 to index
      %swap3A_1840 = tpu.vector_load %arg11[%swap3A_1839] {strides = array<i32>} : memref<512xf32, #tpu.memory_space<vmem>>, vector<16xf32>,
      tpu.vector_store %arg11[%swap3A_1839], %select_n3A_1836 {strides = array<i32>} : memref<512xf32, #tpu.memory_space<vmem>>, vector<16xf32>,
      %sub3A_1841 = arith.constant 1 : i32
      %sub3A_1842 = vector.broadcast %sub3A_1841 : i32 to vector<16xi32>
      %sub3A_1843 = arith.subi %add3A_1195, %sub3A_1842 : vector<16xi32>
      %max3A_1844 = arith.constant 0 : i32
      %max3A_1845 = vector.broadcast %max3A_1844 : i32 to vector<16xi32>
      %max3A_1846 = arith.maxsi %sub3A_1843, %max3A_1845 : vector<16xi32>
      %gather3A_1847 = tpu.vector_load_idx %arg7[%max3A_1846] : memref<8192xf32, #tpu.memory_space<vmem>>[vector<16xi32>], vector<16xf32>,
      %gather3A_1848 = tpu.vector_load_idx %arg7[%add3A_1195] : memref<8192xf32, #tpu.memory_space<vmem>>[vector<16xi32>], vector<16xf32>,
      %sub3A_1849 = arith.constant 1 : i32
      %sub3A_1850 = vector.broadcast %sub3A_1849 : i32 to vector<16xi32>
      %sub3A_1851 = arith.subi %max3A_1846, %sub3A_1850 : vector<16xi32>
      %max3A_1852 = arith.constant 0 : i32
      %max3A_1853 = vector.broadcast %max3A_1852 : i32 to vector<16xi32>
      %max3A_1854 = arith.maxsi %sub3A_1851, %max3A_1853 : vector<16xi32>
      %gather3A_1855 = tpu.vector_load_idx %arg7[%max3A_1854] : memref<8192xf32, #tpu.memory_space<vmem>>[vector<16xi32>], vector<16xf32>,
      %gt3A_1856 = arith.constant 0 : i32
      %gt3A_1857 = vector.broadcast %gt3A_1856 : i32 to vector<16xi32>
      %gt3A_1858 = arith.cmpi sgt, %max3A_1846, %gt3A_1857 : vector<16xi32>
      %eq3A_1859 = arith.cmpf oeq, %gather3A_1855, %gather3A_1847 : vector<16xf32>
      %and3A_1860 = arith.andi %gt3A_1858, %eq3A_1859 : vector<16xi1>
      %select_n3A_1861 = arith.select %and3A_1860, %max3A_1854, %max3A_1846 : vector<16xi1>, vector<16xi32>
      %sub3A_1862 = arith.constant 1 : i32
      %sub3A_1863 = vector.broadcast %sub3A_1862 : i32 to vector<16xi32>
      %sub3A_1864 = arith.subi %select_n3A_1861, %sub3A_1863 : vector<16xi32>
      %max3A_1865 = arith.constant 0 : i32
      %max3A_1866 = vector.broadcast %max3A_1865 : i32 to vector<16xi32>
      %max3A_1867 = arith.maxsi %sub3A_1864, %max3A_1866 : vector<16xi32>
      %gather3A_1868 = tpu.vector_load_idx %arg7[%max3A_1867] : memref<8192xf32, #tpu.memory_space<vmem>>[vector<16xi32>], vector<16xf32>,
      %gt3A_1869 = arith.constant 0 : i32
      %gt3A_1870 = vector.broadcast %gt3A_1869 : i32 to vector<16xi32>
      %gt3A_1871 = arith.cmpi sgt, %select_n3A_1861, %gt3A_1870 : vector<16xi32>
      %eq3A_1872 = arith.cmpf oeq, %gather3A_1868, %gather3A_1847 : vector<16xf32>
      %and3A_1873 = arith.andi %gt3A_1871, %eq3A_1872 : vector<16xi1>
      %select_n3A_1874 = arith.select %and3A_1873, %max3A_1867, %select_n3A_1861 : vector<16xi1>, vector<16xi32>
      %sub3A_1875 = arith.constant 1 : i32
      %sub3A_1876 = vector.broadcast %sub3A_1875 : i32 to vector<16xi32>
      %sub3A_1877 = arith.subi %select_n3A_1874, %sub3A_1876 : vector<16xi32>
      %max3A_1878 = arith.constant 0 : i32
      %max3A_1879 = vector.broadcast %max3A_1878 : i32 to vector<16xi32>
      %max3A_1880 = arith.maxsi %sub3A_1877, %max3A_1879 : vector<16xi32>
      %gather3A_1881 = tpu.vector_load_idx %arg7[%max3A_1880] : memref<8192xf32, #tpu.memory_space<vmem>>[vector<16xi32>], vector<16xf32>,
      %gt3A_1882 = arith.constant 0 : i32
      %gt3A_1883 = vector.broadcast %gt3A_1882 : i32 to vector<16xi32>
      %gt3A_1884 = arith.cmpi sgt, %select_n3A_1874, %gt3A_1883 : vector<16xi32>
      %eq3A_1885 = arith.cmpf oeq, %gather3A_1881, %gather3A_1847 : vector<16xf32>
      %and3A_1886 = arith.andi %gt3A_1884, %eq3A_1885 : vector<16xi1>
      %select_n3A_1887 = arith.select %and3A_1886, %max3A_1880, %select_n3A_1874 : vector<16xi1>, vector<16xi32>
      %gather3A_1888 = tpu.vector_load_idx %arg8[%select_n3A_1887] : memref<8192xi32, #tpu.memory_space<vmem>>[vector<16xi32>], vector<16xi32>,
      %sub3A_1889 = arith.constant 1 : i32
      %sub3A_1890 = vector.broadcast %sub3A_1889 : i32 to vector<16xi32>
      %sub3A_1891 = arith.subi %add3A_1195, %sub3A_1890 : vector<16xi32>
      %max3A_1892 = arith.constant 0 : i32
      %max3A_1893 = vector.broadcast %max3A_1892 : i32 to vector<16xi32>
      %max3A_1894 = arith.maxsi %sub3A_1891, %max3A_1893 : vector<16xi32>
      %gather3A_1895 = tpu.vector_load_idx %arg7[%max3A_1894] : memref<8192xf32, #tpu.memory_space<vmem>>[vector<16xi32>], vector<16xf32>,
      %gt3A_1896 = arith.constant 0 : i32
      %gt3A_1897 = vector.broadcast %gt3A_1896 : i32 to vector<16xi32>
      %gt3A_1898 = arith.cmpi sgt, %add3A_1195, %gt3A_1897 : vector<16xi32>
      %eq3A_1899 = arith.cmpf oeq, %gather3A_1895, %gather3A_1848 : vector<16xf32>
      %and3A_1900 = arith.andi %gt3A_1898, %eq3A_1899 : vector<16xi1>
      %select_n3A_1901 = arith.select %and3A_1900, %max3A_1894, %add3A_1195 : vector<16xi1>, vector<16xi32>
      %sub3A_1902 = arith.constant 1 : i32
      %sub3A_1903 = vector.broadcast %sub3A_1902 : i32 to vector<16xi32>
      %sub3A_1904 = arith.subi %select_n3A_1901, %sub3A_1903 : vector<16xi32>
      %max3A_1905 = arith.constant 0 : i32
      %max3A_1906 = vector.broadcast %max3A_1905 : i32 to vector<16xi32>
      %max3A_1907 = arith.maxsi %sub3A_1904, %max3A_1906 : vector<16xi32>
      %gather3A_1908 = tpu.vector_load_idx %arg7[%max3A_1907] : memref<8192xf32, #tpu.memory_space<vmem>>[vector<16xi32>], vector<16xf32>,
      %gt3A_1909 = arith.constant 0 : i32
      %gt3A_1910 = vector.broadcast %gt3A_1909 : i32 to vector<16xi32>
      %gt3A_1911 = arith.cmpi sgt, %select_n3A_1901, %gt3A_1910 : vector<16xi32>
      %eq3A_1912 = arith.cmpf oeq, %gather3A_1908, %gather3A_1848 : vector<16xf32>
      %and3A_1913 = arith.andi %gt3A_1911, %eq3A_1912 : vector<16xi1>
      %select_n3A_1914 = arith.select %and3A_1913, %max3A_1907, %select_n3A_1901 : vector<16xi1>, vector<16xi32>
      %sub3A_1915 = arith.constant 1 : i32
      %sub3A_1916 = vector.broadcast %sub3A_1915 : i32 to vector<16xi32>
      %sub3A_1917 = arith.subi %select_n3A_1914, %sub3A_1916 : vector<16xi32>
      %max3A_1918 = arith.constant 0 : i32
      %max3A_1919 = vector.broadcast %max3A_1918 : i32 to vector<16xi32>
      %max3A_1920 = arith.maxsi %sub3A_1917, %max3A_1919 : vector<16xi32>
      %gather3A_1921 = tpu.vector_load_idx %arg7[%max3A_1920] : memref<8192xf32, #tpu.memory_space<vmem>>[vector<16xi32>], vector<16xf32>,
      %gt3A_1922 = arith.constant 0 : i32
      %gt3A_1923 = vector.broadcast %gt3A_1922 : i32 to vector<16xi32>
      %gt3A_1924 = arith.cmpi sgt, %select_n3A_1914, %gt3A_1923 : vector<16xi32>
      %eq3A_1925 = arith.cmpf oeq, %gather3A_1921, %gather3A_1848 : vector<16xf32>
      %and3A_1926 = arith.andi %gt3A_1924, %eq3A_1925 : vector<16xi1>
      %select_n3A_1927 = arith.select %and3A_1926, %max3A_1920, %select_n3A_1914 : vector<16xi1>, vector<16xi32>
      %gather3A_1928 = tpu.vector_load_idx %arg8[%select_n3A_1927] : memref<8192xi32, #tpu.memory_space<vmem>>[vector<16xi32>], vector<16xi32>,
      %sub3A_1929 = arith.subf %get3A_47, %gather3A_1847 : vector<16xf32>
      %abs3A_1930 = math.absf %sub3A_1929 : vector<16xf32>
      %sub3A_1931 = arith.subf %get3A_47, %gather3A_1848 : vector<16xf32>
      %abs3A_1932 = math.absf %sub3A_1931 : vector<16xf32>
      %lt3A_1933 = arith.cmpf olt, %abs3A_1932, %abs3A_1930 : vector<16xf32>
      %eq3A_1934 = arith.cmpf oeq, %abs3A_1932, %abs3A_1930 : vector<16xf32>
      %lt3A_1935 = arith.cmpi slt, %gather3A_1928, %gather3A_1888 : vector<16xi32>
      %and3A_1936 = arith.andi %eq3A_1934, %lt3A_1935 : vector<16xi1>
      %or3A_1937 = arith.ori %lt3A_1933, %and3A_1936 : vector<16xi1>
      %select_n3A_1938 = arith.select %or3A_1937, %gather3A_1928, %gather3A_1888 : vector<16xi1>, vector<16xi32>
      %add3A_1939 = arith.constant 96 : i32
      %add3A_1940 = arith.addi %mul3A_20, %add3A_1939 : i32
      %swap3A_1941 = arith.index_cast %add3A_1940 : i32 to index
      %swap3A_1942 = tpu.vector_load %arg10[%swap3A_1941] {strides = array<i32>} : memref<512xi32, #tpu.memory_space<vmem>>, vector<16xi32>,
      tpu.vector_store %arg10[%swap3A_1941], %select_n3A_1938 {strides = array<i32>} : memref<512xi32, #tpu.memory_space<vmem>>, vector<16xi32>,
      %select_n3A_1943 = arith.select %or3A_1937, %abs3A_1932, %abs3A_1930 : vector<16xi1>, vector<16xf32>
      %add3A_1944 = arith.constant 96 : i32
      %add3A_1945 = arith.addi %mul3A_20, %add3A_1944 : i32
      %swap3A_1946 = arith.index_cast %add3A_1945 : i32 to index
      %swap3A_1947 = tpu.vector_load %arg11[%swap3A_1946] {strides = array<i32>} : memref<512xf32, #tpu.memory_space<vmem>>, vector<16xf32>,
      tpu.vector_store %arg11[%swap3A_1946], %select_n3A_1943 {strides = array<i32>} : memref<512xf32, #tpu.memory_space<vmem>>, vector<16xf32>,
      %sub3A_1948 = arith.constant 1 : i32
      %sub3A_1949 = vector.broadcast %sub3A_1948 : i32 to vector<16xi32>
      %sub3A_1950 = arith.subi %add3A_1206, %sub3A_1949 : vector<16xi32>
      %max3A_1951 = arith.constant 0 : i32
      %max3A_1952 = vector.broadcast %max3A_1951 : i32 to vector<16xi32>
      %max3A_1953 = arith.maxsi %sub3A_1950, %max3A_1952 : vector<16xi32>
      %gather3A_1954 = tpu.vector_load_idx %arg7[%max3A_1953] : memref<8192xf32, #tpu.memory_space<vmem>>[vector<16xi32>], vector<16xf32>,
      %gather3A_1955 = tpu.vector_load_idx %arg7[%add3A_1206] : memref<8192xf32, #tpu.memory_space<vmem>>[vector<16xi32>], vector<16xf32>,
      %sub3A_1956 = arith.constant 1 : i32
      %sub3A_1957 = vector.broadcast %sub3A_1956 : i32 to vector<16xi32>
      %sub3A_1958 = arith.subi %max3A_1953, %sub3A_1957 : vector<16xi32>
      %max3A_1959 = arith.constant 0 : i32
      %max3A_1960 = vector.broadcast %max3A_1959 : i32 to vector<16xi32>
      %max3A_1961 = arith.maxsi %sub3A_1958, %max3A_1960 : vector<16xi32>
      %gather3A_1962 = tpu.vector_load_idx %arg7[%max3A_1961] : memref<8192xf32, #tpu.memory_space<vmem>>[vector<16xi32>], vector<16xf32>,
      %gt3A_1963 = arith.constant 0 : i32
      %gt3A_1964 = vector.broadcast %gt3A_1963 : i32 to vector<16xi32>
      %gt3A_1965 = arith.cmpi sgt, %max3A_1953, %gt3A_1964 : vector<16xi32>
      %eq3A_1966 = arith.cmpf oeq, %gather3A_1962, %gather3A_1954 : vector<16xf32>
      %and3A_1967 = arith.andi %gt3A_1965, %eq3A_1966 : vector<16xi1>
      %select_n3A_1968 = arith.select %and3A_1967, %max3A_1961, %max3A_1953 : vector<16xi1>, vector<16xi32>
      %sub3A_1969 = arith.constant 1 : i32
      %sub3A_1970 = vector.broadcast %sub3A_1969 : i32 to vector<16xi32>
      %sub3A_1971 = arith.subi %select_n3A_1968, %sub3A_1970 : vector<16xi32>
      %max3A_1972 = arith.constant 0 : i32
      %max3A_1973 = vector.broadcast %max3A_1972 : i32 to vector<16xi32>
      %max3A_1974 = arith.maxsi %sub3A_1971, %max3A_1973 : vector<16xi32>
      %gather3A_1975 = tpu.vector_load_idx %arg7[%max3A_1974] : memref<8192xf32, #tpu.memory_space<vmem>>[vector<16xi32>], vector<16xf32>,
      %gt3A_1976 = arith.constant 0 : i32
      %gt3A_1977 = vector.broadcast %gt3A_1976 : i32 to vector<16xi32>
      %gt3A_1978 = arith.cmpi sgt, %select_n3A_1968, %gt3A_1977 : vector<16xi32>
      %eq3A_1979 = arith.cmpf oeq, %gather3A_1975, %gather3A_1954 : vector<16xf32>
      %and3A_1980 = arith.andi %gt3A_1978, %eq3A_1979 : vector<16xi1>
      %select_n3A_1981 = arith.select %and3A_1980, %max3A_1974, %select_n3A_1968 : vector<16xi1>, vector<16xi32>
      %sub3A_1982 = arith.constant 1 : i32
      %sub3A_1983 = vector.broadcast %sub3A_1982 : i32 to vector<16xi32>
      %sub3A_1984 = arith.subi %select_n3A_1981, %sub3A_1983 : vector<16xi32>
      %max3A_1985 = arith.constant 0 : i32
      %max3A_1986 = vector.broadcast %max3A_1985 : i32 to vector<16xi32>
      %max3A_1987 = arith.maxsi %sub3A_1984, %max3A_1986 : vector<16xi32>
      %gather3A_1988 = tpu.vector_load_idx %arg7[%max3A_1987] : memref<8192xf32, #tpu.memory_space<vmem>>[vector<16xi32>], vector<16xf32>,
      %gt3A_1989 = arith.constant 0 : i32
      %gt3A_1990 = vector.broadcast %gt3A_1989 : i32 to vector<16xi32>
      %gt3A_1991 = arith.cmpi sgt, %select_n3A_1981, %gt3A_1990 : vector<16xi32>
      %eq3A_1992 = arith.cmpf oeq, %gather3A_1988, %gather3A_1954 : vector<16xf32>
      %and3A_1993 = arith.andi %gt3A_1991, %eq3A_1992 : vector<16xi1>
      %select_n3A_1994 = arith.select %and3A_1993, %max3A_1987, %select_n3A_1981 : vector<16xi1>, vector<16xi32>
      %gather3A_1995 = tpu.vector_load_idx %arg8[%select_n3A_1994] : memref<8192xi32, #tpu.memory_space<vmem>>[vector<16xi32>], vector<16xi32>,
      %sub3A_1996 = arith.constant 1 : i32
      %sub3A_1997 = vector.broadcast %sub3A_1996 : i32 to vector<16xi32>
      %sub3A_1998 = arith.subi %add3A_1206, %sub3A_1997 : vector<16xi32>
      %max3A_1999 = arith.constant 0 : i32
      %max3A_2000 = vector.broadcast %max3A_1999 : i32 to vector<16xi32>
      %max3A_2001 = arith.maxsi %sub3A_1998, %max3A_2000 : vector<16xi32>
      %gather3A_2002 = tpu.vector_load_idx %arg7[%max3A_2001] : memref<8192xf32, #tpu.memory_space<vmem>>[vector<16xi32>], vector<16xf32>,
      %gt3A_2003 = arith.constant 0 : i32
      %gt3A_2004 = vector.broadcast %gt3A_2003 : i32 to vector<16xi32>
      %gt3A_2005 = arith.cmpi sgt, %add3A_1206, %gt3A_2004 : vector<16xi32>
      %eq3A_2006 = arith.cmpf oeq, %gather3A_2002, %gather3A_1955 : vector<16xf32>
      %and3A_2007 = arith.andi %gt3A_2005, %eq3A_2006 : vector<16xi1>
      %select_n3A_2008 = arith.select %and3A_2007, %max3A_2001, %add3A_1206 : vector<16xi1>, vector<16xi32>
      %sub3A_2009 = arith.constant 1 : i32
      %sub3A_2010 = vector.broadcast %sub3A_2009 : i32 to vector<16xi32>
      %sub3A_2011 = arith.subi %select_n3A_2008, %sub3A_2010 : vector<16xi32>
      %max3A_2012 = arith.constant 0 : i32
      %max3A_2013 = vector.broadcast %max3A_2012 : i32 to vector<16xi32>
      %max3A_2014 = arith.maxsi %sub3A_2011, %max3A_2013 : vector<16xi32>
      %gather3A_2015 = tpu.vector_load_idx %arg7[%max3A_2014] : memref<8192xf32, #tpu.memory_space<vmem>>[vector<16xi32>], vector<16xf32>,
      %gt3A_2016 = arith.constant 0 : i32
      %gt3A_2017 = vector.broadcast %gt3A_2016 : i32 to vector<16xi32>
      %gt3A_2018 = arith.cmpi sgt, %select_n3A_2008, %gt3A_2017 : vector<16xi32>
      %eq3A_2019 = arith.cmpf oeq, %gather3A_2015, %gather3A_1955 : vector<16xf32>
      %and3A_2020 = arith.andi %gt3A_2018, %eq3A_2019 : vector<16xi1>
      %select_n3A_2021 = arith.select %and3A_2020, %max3A_2014, %select_n3A_2008 : vector<16xi1>, vector<16xi32>
      %sub3A_2022 = arith.constant 1 : i32
      %sub3A_2023 = vector.broadcast %sub3A_2022 : i32 to vector<16xi32>
      %sub3A_2024 = arith.subi %select_n3A_2021, %sub3A_2023 : vector<16xi32>
      %max3A_2025 = arith.constant 0 : i32
      %max3A_2026 = vector.broadcast %max3A_2025 : i32 to vector<16xi32>
      %max3A_2027 = arith.maxsi %sub3A_2024, %max3A_2026 : vector<16xi32>
      %gather3A_2028 = tpu.vector_load_idx %arg7[%max3A_2027] : memref<8192xf32, #tpu.memory_space<vmem>>[vector<16xi32>], vector<16xf32>,
      %gt3A_2029 = arith.constant 0 : i32
      %gt3A_2030 = vector.broadcast %gt3A_2029 : i32 to vector<16xi32>
      %gt3A_2031 = arith.cmpi sgt, %select_n3A_2021, %gt3A_2030 : vector<16xi32>
      %eq3A_2032 = arith.cmpf oeq, %gather3A_2028, %gather3A_1955 : vector<16xf32>
      %and3A_2033 = arith.andi %gt3A_2031, %eq3A_2032 : vector<16xi1>
      %select_n3A_2034 = arith.select %and3A_2033, %max3A_2027, %select_n3A_2021 : vector<16xi1>, vector<16xi32>
      %gather3A_2035 = tpu.vector_load_idx %arg8[%select_n3A_2034] : memref<8192xi32, #tpu.memory_space<vmem>>[vector<16xi32>], vector<16xi32>,
      %sub3A_2036 = arith.subf %get3A_51, %gather3A_1954 : vector<16xf32>
      %abs3A_2037 = math.absf %sub3A_2036 : vector<16xf32>
      %sub3A_2038 = arith.subf %get3A_51, %gather3A_1955 : vector<16xf32>
      %abs3A_2039 = math.absf %sub3A_2038 : vector<16xf32>
      %lt3A_2040 = arith.cmpf olt, %abs3A_2039, %abs3A_2037 : vector<16xf32>
      %eq3A_2041 = arith.cmpf oeq, %abs3A_2039, %abs3A_2037 : vector<16xf32>
      %lt3A_2042 = arith.cmpi slt, %gather3A_2035, %gather3A_1995 : vector<16xi32>
      %and3A_2043 = arith.andi %eq3A_2041, %lt3A_2042 : vector<16xi1>
      %or3A_2044 = arith.ori %lt3A_2040, %and3A_2043 : vector<16xi1>
      %select_n3A_2045 = arith.select %or3A_2044, %gather3A_2035, %gather3A_1995 : vector<16xi1>, vector<16xi32>
      %add3A_2046 = arith.constant 112 : i32
      %add3A_2047 = arith.addi %mul3A_20, %add3A_2046 : i32
      %swap3A_2048 = arith.index_cast %add3A_2047 : i32 to index
      %swap3A_2049 = tpu.vector_load %arg10[%swap3A_2048] {strides = array<i32>} : memref<512xi32, #tpu.memory_space<vmem>>, vector<16xi32>,
      tpu.vector_store %arg10[%swap3A_2048], %select_n3A_2045 {strides = array<i32>} : memref<512xi32, #tpu.memory_space<vmem>>, vector<16xi32>,
      %select_n3A_2050 = arith.select %or3A_2044, %abs3A_2039, %abs3A_2037 : vector<16xi1>, vector<16xf32>
      %add3A_2051 = arith.constant 112 : i32
      %add3A_2052 = arith.addi %mul3A_20, %add3A_2051 : i32
      %swap3A_2053 = arith.index_cast %add3A_2052 : i32 to index
      %swap3A_2054 = tpu.vector_load %arg11[%swap3A_2053] {strides = array<i32>} : memref<512xf32, #tpu.memory_space<vmem>>, vector<16xf32>,
      tpu.vector_store %arg11[%swap3A_2053], %select_n3A_2050 {strides = array<i32>} : memref<512xf32, #tpu.memory_space<vmem>>, vector<16xf32>,
    }
    %scan3A_9 = arith.constant 4 : i32
    %dma_start3A_10 = tpu.memref_slice %arg5[%mul3A_2] : memref<16384xi32, #tpu.memory_space<hbm>> -> memref<512xi32, #tpu.memory_space<hbm>>
    %dma_start3A_11 = tpu.memref_slice %arg5[%mul3A_2] : memref<16384xi32, #tpu.memory_space<hbm>> -> memref<512xi32, #tpu.memory_space<hbm>>
    tpu.enqueue_dma source(%arg10 : memref<512xi32, #tpu.memory_space<vmem>>) target(%dma_start3A_11 : memref<512xi32, #tpu.memory_space<hbm>>) target_semaphore(%arg12 : memref<!tpu.dma_semaphore, #tpu.memory_space<semaphore_mem>>)
    %dma_start3A_12 = tpu.memref_slice %arg6[%mul3A_2] : memref<16384xf32, #tpu.memory_space<hbm>> -> memref<512xf32, #tpu.memory_space<hbm>>
    %dma_start3A_13 = tpu.memref_slice %arg6[%mul3A_2] : memref<16384xf32, #tpu.memory_space<hbm>> -> memref<512xf32, #tpu.memory_space<hbm>>
    tpu.enqueue_dma source(%arg11 : memref<512xf32, #tpu.memory_space<vmem>>) target(%dma_start3A_13 : memref<512xf32, #tpu.memory_space<hbm>>) target_semaphore(%arg13 : memref<!tpu.dma_semaphore, #tpu.memory_space<semaphore_mem>>)
    %dma_wait3A_14 = tpu.memref_slice %arg5[%mul3A_2] : memref<16384xi32, #tpu.memory_space<hbm>> -> memref<512xi32, #tpu.memory_space<hbm>>
    %dma_wait3A_15 = tpu.memref_slice %arg5[%mul3A_2] : memref<16384xi32, #tpu.memory_space<hbm>> -> memref<512xi32, #tpu.memory_space<hbm>>
    tpu.wait_dma2 semaphore(%arg12 : memref<!tpu.dma_semaphore, #tpu.memory_space<semaphore_mem>>) src(%arg10 : memref<512xi32, #tpu.memory_space<vmem>>) dst(%dma_wait3A_15 : memref<512xi32, #tpu.memory_space<hbm>>)
    %dma_wait3A_16 = tpu.memref_slice %arg6[%mul3A_2] : memref<16384xf32, #tpu.memory_space<hbm>> -> memref<512xf32, #tpu.memory_space<hbm>>
    %dma_wait3A_17 = tpu.memref_slice %arg6[%mul3A_2] : memref<16384xf32, #tpu.memory_space<hbm>> -> memref<512xf32, #tpu.memory_space<hbm>>
    tpu.wait_dma2 semaphore(%arg13 : memref<!tpu.dma_semaphore, #tpu.memory_space<semaphore_mem>>) src(%arg11 : memref<512xf32, #tpu.memory_space<vmem>>) dst(%dma_wait3A_17 : memref<512xf32, #tpu.memory_space<hbm>>)
    return
  }
}

</mosaic_0001>

<sc_bundles>
// kernel: kernel.3.cloned.1.call-start
scs
__scs_entry_jumppad:
0x0: {  	(pc) =	sbr.rel $0x88, $3  }
0x1: {  	(tag) =	ssettag $0x0;
	lr =	simm.s32 $0x1  }
0x2: {  	[smem:$0x3F9F] =	sst lr;
	_ =	strace $0xD0000000  }
0x3: {  	_ = 	snop  }
0x4: {  	_ = 	snop  }
0x5: {  	_ = 	snop  }
0x6: {  	_ = 	snop  }
0x7: {  	_ = 	snop  }
__scs_overlays_trampoline_lowered:
0x8: {  	[smem:$0x3FAE] =	sst s0  }
0x9: {  	[smem:$0x3FAF] =	sst s1  }
0xa: {  	[smem:$0x3FB0] =	sst s2  }
0xb: {  	[smem:$0x3FB1] =	sst s3  }
0xc: {  	[smem:$0x3FB2] =	sst s4  }
0xd: {  	[smem:$0x3FB3] =	sst s5  }
0xe: {  	[smem:$0x3FB4] =	sst s6  }
0xf: {  	[smem:$0x3FB5] =	sst s7  }
0x10: {  	[smem:$0x3FB6] =	sst s8  }
0x11: {  	[smem:$0x3FB7] =	sst s9;
	s0 =	simm.s32 @!p0 $0x0  }
0x12: {  	s1 =	sld [smem:$0x3F9D];
	s0 =	simm.s32 @p0 $0x1  }
0x13: {  	[smem:$0x3FB8] =	sst s0;
	s0 =	simm.s32 @!p1 $0x0  }
0x14: {  	s2 =	sld [smem:$0x3F9C];
	s0 =	simm.s32 @p1 $0x1  }
0x15: {  	[smem:$0x3FB9] =	sst s0;
	s0 =	simm.s32 @!p2 $0x0  }
0x16: {  	s3 =	sld [smem:$0x3FDB];
	s0 =	simm.s32 @p2 $0x1  }
0x17: {  	s4 =	simm.s32 $0x1BF5;
	[smem:$0x3FBB] =	sst s0  }
0x18: {  	s0 =	sld [smem:$0x3F9E];
	_ =	swait.ge [sflag:s4], $0x0  }
0x19: {  	s7 =	sld [smem:$0x3F9F]  }
0x1a: {  	s8 =	sadd.s32 $0xFFFFE003, lr  }
0x1b: {  	s9 =	sadd.s32 $0xFFFFFEF7, lr;
	s5 =	simm.s32 $0xFFFFFFFF;
	p2 =	slt.u32 s8, $0xFFFFF086  }
0x1c: {  	p1 =	slt.u32 s9, $0xF7A;
	s5 =	simm.s32 @!p2 $0x0  }
0x1d: {  	s5 =	simm.s32 @p1 $0x1;
	p0 =	seq.s32 s7, s2  }
0x1e: {  	s7 =	smul.u32 @!p0 $0xF7A, s2;
	p2 =	seq.s32 @!p0 s5, $0x0  }
0x1f: {  	s9 =	smul.u32 $0xF7A, s1;
	s8 =	simm.s32 @!p0 $0x1BF5;
	p2 =	por !p2, p0  }
0x20: {  	[sflag:s8] =	ssyncset.s32 @!p0 $0xFFFFF086;
	s6 =	sadd.s32 @!p0 s3, s7;
	s7 =	simm.s32 @!p0 $0x108  }
0x21: {  	s3 =	sadd.s32 s3, s9;
	s6 =	sadd.s32 @!p0 $0x88, s6;
	s7 =	simm.s32 @p2 $0x1082  }
0x22: {  	[simem:s7], [sflag:s8] =	dma.local @!p0 [hbm:s6], $0xF7A  }
0x23: {  	s9 =	sor.u32 $0xD0000000, s2;
	s6 =	simm.s32 $0x108;
	_ =	swait.ge @!p0 [sflag:s8], $0x0  }
0x24: {  	s3 =	sadd.s32 $0x88, s3;
	s6 =	simm.s32 @!p1 $0x1082;
	[sflag:s4] =	ssyncset.s32 $0xFFFFF086  }
0x25: {  	[simem:s6], [sflag:s4] =	dma.local [hbm:s3], $0xF7A  }
0x26: {  	[smem:$0x3F9F] =	sst s1;
	(tag) =	ssettag s2;
	_ =	strace s9  }
0x27: {  	s1 =	sld [smem:$0x3FAF]  }
0x28: {  	s2 =	sld [smem:$0x3FB0]  }
0x29: {  	s4 =	sld [smem:$0x3FB2]  }
0x2a: {  	p0 =	seq.s32 s5, $0x0;
	s5 =	sld [smem:$0x3FB3]  }
0x2b: {  	s6 =	sld [smem:$0x3FB4]  }
0x2c: {  	s7 =	sld [smem:$0x3FB5]  }
0x2d: {  	s3 =	simm.s32 $0x108;
	s8 =	sld [smem:$0x3FB6]  }
0x2e: {  	s3 =	simm.s32 @!p0 $0x1082;
	s9 =	sld [smem:$0x3FB7]  }
0x2f: {  	lr =	sadd.s32 s0, s3;
	s0 =	sld [smem:$0x3FAE]  }
0x30: {  	s3 =	sld [smem:$0x3FB1]  }
0x31: {  	[smem:$0x3FBA] =	sst s10  }
0x32: {  	s10 =	sld [smem:$0x3FB8];
	_ =	sdelay $0x3  }
0x33: {  	p0 =	seq.s32 s10, $0x1;
	s10 =	sld [smem:$0x3FBA];
	_ =	sdelay $0x3  }
0x34: {  	[smem:$0x3FBA] =	sst s10  }
0x35: {  	s10 =	sld [smem:$0x3FB9];
	_ =	sdelay $0x3  }
0x36: {  	p1 =	seq.s32 s10, $0x1;
	s10 =	sld [smem:$0x3FBA];
	_ =	sdelay $0x3  }
0x37: {  	[smem:$0x3FBA] =	sst s10  }
0x38: {  	s10 =	sld [smem:$0x3FBB]  }
0x39: {  	_ = 	snop;
	(pc) =	sbr.ind lr, $3  }
0x3a: {  	_ = 	snop  }
0x3b: {  	_ = 	snop  }
0x3c: {  	p2 =	seq.s32 s10, $0x1;
	s10 =	sld [smem:$0x3FBA]  }
0x3d: {  	_ =	shalt  }
0x3e: {  	_ =	shalt  }
0x3f: {  	_ =	shalt  }
0x40: {  	_ =	shalt  }
0x41: {  	_ =	shalt  }
0x42: {  	_ =	shalt  }
0x43: {  	_ =	shalt  }
0x44: {  	_ =	shalt  }
0x45: {  	_ =	shalt  }
0x46: {  	_ =	shalt  }
0x47: {  	_ =	shalt  }
0x48: {  	_ =	shalt  }
0x49: {  	_ =	shalt  }
0x4a: {  	_ =	shalt  }
0x4b: {  	_ =	shalt  }
0x4c: {  	_ =	shalt  }
0x4d: {  	_ =	shalt  }
0x4e: {  	_ =	shalt  }
0x4f: {  	_ =	shalt  }
0x50: {  	_ =	shalt  }
0x51: {  	_ =	shalt  }
0x52: {  	_ =	shalt  }
0x53: {  	_ =	shalt  }
0x54: {  	_ =	shalt  }
0x55: {  	_ =	shalt  }
0x56: {  	_ =	shalt  }
0x57: {  	_ =	shalt  }
0x58: {  	_ =	shalt  }
0x59: {  	_ =	shalt  }
0x5a: {  	_ =	shalt  }
0x5b: {  	_ =	shalt  }
0x5c: {  	_ =	shalt  }
0x5d: {  	_ =	shalt  }
0x5e: {  	_ =	shalt  }
0x5f: {  	_ =	shalt  }
0x60: {  	_ =	shalt  }
0x61: {  	_ =	shalt  }
0x62: {  	_ =	shalt  }
0x63: {  	_ =	shalt  }
0x64: {  	_ =	shalt  }
0x65: {  	_ =	shalt  }
0x66: {  	_ =	shalt  }
0x67: {  	_ =	shalt  }
0x68: {  	_ =	shalt  }
0x69: {  	_ =	shalt  }
0x6a: {  	_ =	shalt  }
0x6b: {  	_ =	shalt  }
0x6c: {  	_ =	shalt  }
0x6d: {  	_ =	shalt  }
0x6e: {  	_ =	shalt  }
0x6f: {  	_ =	shalt  }
0x70: {  	_ =	shalt  }
0x71: {  	_ =	shalt  }
0x72: {  	_ =	shalt  }
0x73: {  	_ =	shalt  }
0x74: {  	_ =	shalt  }
0x75: {  	_ =	shalt  }
0x76: {  	_ =	shalt  }
0x77: {  	_ =	shalt  }
0x78: {  	_ =	shalt  }
0x79: {  	_ =	shalt  }
0x7a: {  	_ =	shalt  }
0x7b: {  	_ =	shalt  }
0x7c: {  	_ =	shalt  }
0x7d: {  	_ =	shalt  }
0x7e: {  	_ =	shalt  }
0x7f: {  	_ =	shalt  }
0x80: {  	_ =	shalt  }
0x81: {  	_ =	shalt  }
0x82: {  	_ =	shalt  }
0x83: {  	_ =	shalt  }
0x84: {  	_ =	shalt  }
0x85: {  	_ =	shalt  }
0x86: {  	_ =	shalt  }
0x87: {  	_ =	shalt  }
.Lfunc_end0:
.L_simem_size_0:
called_computation_lowered:
.L_overlay_start_0:
0x88: {  	s2 =	sld [smem:$0x3FD9]  }
0x89: {  	s3 =	sld [smem:$0x3FFE];
	_ =	sdelay $0x1  }
0x8a: {  	s1 =	srdreg.scid  }
0x8b: {  	s0 =	sand.u32 $0x1, s1  }
0x8c: {  	s14 =	sshll.u32 s0, $0xA;
	s2 =	sadd.s32 s3, s2  }
0x8d: {  	s2 =	sadd.s32 s2, s14  }
0x8e: {  	[smem:$0x3FC6] =	sst s2  }
0x8f: {  	_ = 	snop  }
0x90: {  	s2 =	sld [smem:$0x3FD0];
	_ =	sdelay $0x2  }
0x91: {  	s4 =	simm.s32 $0xA;
	s5 =	simm.s32 $0x10;
	s15 =	sld [smem:$0x3FC9]  }
0x92: {  	[smem:s5], [sflag:s4] =	dma.local [hbm:s2], $0x1  }
0x93: {  	_ =	swait.eq [sflag:s4], $0x1  }
0x94: {  	[sflag:s4] =	ssyncset.done $0x0  }
0x95: {  	s16 =	sld [smem:$0x10];
	[sflag:s4] =	ssyncadd.s32 $0xFFFFFFFF  }
0x96: {  	s17 =	sld [smem:$0x11];
	(tm) =	ssettm $0x1  }
0x97: {  	s18 =	sld [smem:$0x3FFB];
	_ =	sdelay $0x3  }
0x98: {  	_ =	strace s18  }
0x99: {  	s5 =	sld [smem:$0x3FFC];
	_ =	sdelay $0x3  }
0x9a: {  	_ =	strace s5  }
0x9b: {  	s5 =	sld [smem:$0x3FFD];
	_ =	sdelay $0x3  }
0x9c: {  	_ =	strace s5  }
0x9d: {  	_ =	strace $0x8FFFFFFF  }
0x9e: {  	s19 =	sld [smem:$0x3FDB];
	_ =	sdelay $0x1  }
0x9f: {  	s6 =	simm.s32 $_scs_section_size  }
0xa0: {  	s7 =	simm.s32 $_size__tile_overlayer_lowered;
	s8 =	simm.s32 $_tile_overlayer_lowered  }
0xa1: {  	s22 =	simm.s32 $0x1BFF;
	s21 =	sshll.u32 s8, $0x1;
	s5 =	sadd.s32 s6, s19  }
0xa2: {  	s9 =	simm.s32 $0x0;
	s20 =	sshll.u32 s7, $0x1;
	s7 =	sadd.s32 s21, s5  }
0xa3: {  	[timem:s9], [sflag:s22] =	dma.local [hbm:s7], s20  }
0xa4: {  	_ =	swait.ge [sflag:s22], s20  }
0xa5: {  	s6 =	ssub.s32 $0x0, s20;
	[sflag:s22] =	ssyncset.done $0x0  }
0xa6: {  	[sflag:s22] =	ssyncadd.s32 s6;
	_ =	sdelay $0x1  }
0xa7: {  	s23 =	simm.s32 $0x1B8B  }
0xa8: {  	_ =	swait.ge [sflag:s23], $0x1  }
0xa9: {  	[sflag:s23] =	ssyncset.done $0x0  }
0xaa: {  	s25 =	simm.s32 $0x1B8E;
	s24 =	sld [smem:$0x3FFE];
	[sflag:s23] =	ssyncadd.s32 $0xFFFFFFFF  }
0xab: {  	s26 =	simm.s32 $execute0_lowered;
	[smem:$0x3FD2] =	sst s25  }
0xac: {  	s7 =	sshll.u32 s26, $0x1;
	_ =	strace $0x80000046;
	[dreg:$0x1] =	wrdreg $0xFFFFFFFF  }
0xad: {  	s28 =	simm.s32 $_size_execute0_lowered;
	s5 =	sadd.s32 s5, s7;
	[dreg:$0x0] =	wrdreg $0x0  }
0xae: {  	s7 =	sshll.u32 s28, $0x1;
	[dreg:$0x2] =	wrdreg s5  }
0xaf: {  	[dreg:$0x3] =	wrdreg s7  }
0xb0: {  	[dreg:$0x4] =	wrdreg $0xC0  }
0xb1: {  	_ =	task [dreg:s9], $0x5FFFF  }
0xb2: {  	[dreg:$0x1] =	wrdreg $0xFFFFFFFF  }
0xb3: {  	[dreg:$0x0] =	wrdreg $0x60  }
0xb4: {  	[dreg:$0x2] =	wrdreg s15  }
0xb5: {  	[dreg:$0x3] =	wrdreg s24  }
0xb6: {  	[dreg:$0x4] =	wrdreg s16  }
0xb7: {  	[dreg:$0x5] =	wrdreg s17  }
0xb8: {  	[dreg:$0x6] =	wrdreg $0x9  }
0xb9: {  	_ =	task.clear_ibuf [dreg:s9], $0x7FFFF;
	_ =	strace $0x90000046  }
0xba: {  	s29 =	simm.s32 $0x9;
	_ =	strace $0x80000048  }
0xbb: {  	_ =	swait.ge [sflag:s29], $0x1  }
0xbc: {  	[sflag:s29] =	ssyncadd.s32 $0xFFFFFFFF  }
0xbd: {  	_ =	strace $0x90000048  }
0xbe: {  	_ =	sfence  }
0xbf: {  	s30 =	sld [smem:$0x0];
	_ =	sdelay $0x2  }
0xc0: {  	s31 =	sshll.u32 s1, $0xD;
	s1 =	sshrl.u32 s1, $0x2  }
0xc1: {  	s3 =	sand.u32 $0x4000, s31;
	s1 =	sadd.s32 s1, s30  }
0xc2: {  	s0 =	sor.u32 s3, s0;
	s1 =	sshll.u32 s1, $0x11  }
0xc3: {  	s0 =	sor.u32 s1, s0  }
0xc4: {  	s0 =	sadd.s32 $0x8F2B, s0  }
0xc5: {  	[sflag:s0] =	ssyncadd.remote.s32 $0x1  }
0xc6: {  	_ =	sfence.sel $0xFFFF  }
0xc7: {  	[dreg:$0x0] =	wrdreg $0xFFFFFFFF;
	(pc) =	sbr.abs _section_cstart, $3  }
0xc8: {  	[dreg:$0x1] =	wrdreg $0xFFFFFFFF  }
0xc9: {  	_ =	task.clear_ibuf [dreg:s9], $0x2FFFF;
	_ =	strace $0x9FFFFFFF  }
0xca: {  	(tm) =	ssettm $0x7FFFFFFF  }
0xcb: {  	_ =	shalt  }
tec
execute0_lowered:
.L_overlay_start_1:
0x0: {  	(tag) =	ssettag $0x1  }
0x1: {  	s5 =	rddreg [dreg:$0x0]  }
0x2: {  	s1 =	rddreg [dreg:$0x1]  }
0x3: {  	s6 =	rddreg [dreg:$0x2]  }
0x4: {  	s7 =	rddreg [dreg:$0x3]  }
0x5: {  	s0 =	rddreg [dreg:$0x4];
	s2 =	simm.s32 $0x0  }
0x6: {  	s3 =	srdreg.scid;
	s12 =	simm.s32 $0x2;
	s13 =	simm.s32 $0x3  }
0x7: {  	s14 =	simm.s32 $0x4200;
	s15 =	simm.s32 $0x4400;
	s16 =	simm.s32 $0x0  }
0x8: {  	[smem:$0x7FF] =	sst s2;
	s4 =	sand.u32 $0x1, s3;
	s3 =	stileid.u32  }
0x9: {  	v0 =	vimm.s32 $0xFFF;
	_ =	strace $0x80000047;
	s8 =	ssub.s32 $0x2, s4;
	s10 =	sshll.u32 s3, $0x7  }
0xa: {  	s11 =	sshll.u32 s4, $0x6;
	s4 =	sadd.s32 $0x400, s1;
	s9 =	sshrl.u32 s8, $0x1  }
0xb: {  	s31 =	sor.u32 s11, s10;
	s10 =	simm.s32 $0x4000;
	s11 =	simm.s32 $0x1  }
0xc: {  	s8 =	ssub.s32 s8, s9;
	s5 =	sadd.s32 s5, s31;
	s6 =	sadd.s32 s6, s31  }
0xd: {  	v1 =	vimm.s32 $0x0;
	v2 =	vimm.s32 $0x1;
	s7 =	sadd.s32 s7, s31;
	s9 =	simm.s32 $0x2000;
	s8 =	smax.u32 s8, $0x1  }
.LBB2_1:
0xe: {  	[tilespmem:s2], [sflag:$0x1] =	stream.linear.gather [hbm4b:s1+s2], $0x2000, $0x38;
	[tilespmem:$0x4600] =	vst v63  }
0xf: {  	_ = 	snop  }
0x10: {  	[tilespmem:s9], [sflag:$0x2] =	stream.linear.gather [hbm4b:s4+s2], $0x2000, $0x38;
	[tilespmem:$0x4600] =	vst v63  }
0x11: {  	_ = 	snop  }
0x12: {  	[tilespmem:s10], [sflag:$0x3] =	stream.linear.gather [hbm4b:s5+s2], $0x200, $0x38;
	[tilespmem:$0x4600] =	vst v63  }
0x13: {  	_ =	swait.ge [sflag:s11], $0x2000  }
0x14: {  	[sflag:s11] =	ssyncset.done $0x0  }
0x15: {  	[sflag:s11] =	ssyncadd.s32 $0xFFFFE000  }
0x16: {  	_ =	swait.ge [sflag:s12], $0x2000  }
0x17: {  	[sflag:s12] =	ssyncset.done $0x0  }
0x18: {  	[sflag:s12] =	ssyncadd.s32 $0xFFFFE000  }
0x19: {  	_ =	swait.ge [sflag:s13], $0x200  }
0x1a: {  	[sflag:s13] =	ssyncset.done $0x0  }
0x1b: {  	s17 =	simm.s32 $0x0;
	[sflag:s13] =	ssyncadd.s32 $0xFFFFFE00  }
.LBB2_2:
0x1c: {  	s18 =	sshra.s32 s17, $0x2;
	v11 =	vld.idx.msk [tilespmem:v0+s2+$0x0], $0xffff  }
0x1d: {  	v10 =	vld [tilespmem:s18+$0x4000];
	_ =	sdelay $0x4  }
0x1e: {  	vm0 =	vlt.f32 v11, v10  }
0x1f: {  	v3 =	vsel vm0, $0x1000, v1  }
0x20: {  	v4 =	vor.u32 $0x7FF, v3;
	_ =	sdelay $0x4  }
0x21: {  	v4 =	vld.idx.msk [tilespmem:v4+s2+$0x0], $0xffff;
	_ =	sdelay $0x4  }
0x22: {  	vm10 =	vlt.f32 v4, v10  }
0x23: {  	v4 =	vsel vm10, $0x800, v1  }
0x24: {  	v3 =	vor.u32 v3, v4  }
0x25: {  	v4 =	vor.u32 $0x3FF, v3;
	_ =	sdelay $0x4  }
0x26: {  	v4 =	vld.idx.msk [tilespmem:v4+s2+$0x0], $0xffff;
	_ =	sdelay $0x4  }
0x27: {  	vm11 =	vlt.f32 v4, v10  }
0x28: {  	v4 =	vsel vm11, $0x400, v1  }
0x29: {  	v3 =	vor.u32 v3, v4  }
0x2a: {  	v9 =	vld [tilespmem:s18+$0x4010];
	v4 =	vor.u32 $0x1FF, v3;
	_ =	sdelay $0x4  }
0x2b: {  	vm13 =	vlt.f32 v11, v9;
	v4 =	vld.idx.msk [tilespmem:v4+s2+$0x0], $0xffff  }
0x2c: {  	v12 =	vsel vm13, $0x1000, v1  }
0x2d: {  	v13 =	vor.u32 $0x7FF, v12;
	_ =	sdelay $0x2  }
0x2e: {  	vm12 =	vlt.f32 v4, v10  }
0x2f: {  	v8 =	vld [tilespmem:s18+$0x4020];
	v4 =	vsel vm12, $0x200, v1  }
0x30: {  	v13 =	vld.idx.msk [tilespmem:v13+s2+$0x0], $0xffff;
	v3 =	vor.u32 v3, v4  }
0x31: {  	v4 =	vor.u32 $0xFF, v3  }
0x32: {  	v7 =	vld [tilespmem:s18+$0x4030];
	_ =	sdelay $0x2  }
0x33: {  	vm14 =	vlt.f32 v11, v8;
	vm8 =	vlt.f32 v13, v9  }
0x34: {  	v14 =	vsel vm14, $0x1000, v1;
	v13 =	vsel vm8, $0x800, v1;
	v4 =	vld.idx.msk [tilespmem:v4+s2+$0x0], $0xffff  }
0x35: {  	vm15 =	vlt.f32 v11, v7;
	v16 =	vor.u32 $0x7FF, v14;
	v12 =	vor.u32 v12, v13  }
0x36: {  	v15 =	vsel vm15, $0x1000, v1;
	v32 =	vor.u32 $0x3FF, v12  }
0x37: {  	v18 =	vor.u32 $0x7FF, v15  }
0x38: {  	v6 =	vld [tilespmem:s18+$0x4040]  }
0x39: {  	v5 =	vld [tilespmem:s18+$0x4050];
	vm1 =	vlt.f32 v4, v10  }
0x3a: {  	v16 =	vld.idx.msk [tilespmem:v16+s2+$0x0], $0xffff;
	v17 =	vsel vm1, $0x100, v1  }
0x3b: {  	v35 =	vld.idx.msk [tilespmem:v32+s2+$0x0], $0xffff;
	v17 =	vor.u32 v3, v17  }
0x3c: {  	v18 =	vld.idx.msk [tilespmem:v18+s2+$0x0], $0xffff;
	v19 =	vor.u32 $0x7F, v17;
	_ =	sdelay $0x1  }
0x3d: {  	vm4 =	vlt.f32 v11, v6;
	vm5 =	vlt.f32 v11, v5;
	v4 =	vld [tilespmem:s18+$0x4060]  }
0x3e: {  	v20 =	vsel vm4, $0x1000, v1;
	v21 =	vsel vm5, $0x1000, v1  }
0x3f: {  	v22 =	vor.u32 $0x7FF, v20;
	v23 =	vor.u32 $0x7FF, v21;
	vm4 =	vlt.f32 v35, v9;
	v3 =	vld [tilespmem:s18+$0x4070]  }
0x40: {  	vm9 =	vlt.f32 v16, v8;
	vm10 =	vlt.f32 v18, v7;
	v18 =	vsel vm4, $0x400, v1;
	v19 =	vld.idx.msk [tilespmem:v19+s2+$0x0], $0xffff  }
0x41: {  	v16 =	vsel vm9, $0x800, v1;
	v12 =	vor.u32 v12, v18  }
0x42: {  	v14 =	vor.u32 v14, v16;
	v46 =	vor.u32 $0x1FF, v12;
	vm6 =	vlt.f32 v11, v4  }
0x43: {  	v34 =	vor.u32 $0x3FF, v14;
	v24 =	vsel vm6, $0x1000, v1  }
0x44: {  	v31 =	vld.idx.msk [tilespmem:v22+s2+$0x0], $0xffff;
	vm7 =	vlt.f32 v11, v3;
	v25 =	vor.u32 $0x7FF, v24  }
0x45: {  	v23 =	vld.idx.msk [tilespmem:v23+s2+$0x0], $0xffff;
	v11 =	vsel vm7, $0x1000, v1;
	vm11 =	vlt.f32 v19, v10  }
0x46: {  	v30 =	vor.u32 $0x7FF, v11;
	v19 =	vsel vm11, $0x80, v1  }
0x47: {  	v50 =	vld.idx.msk [tilespmem:v46+s2+$0x0], $0xffff;
	v17 =	vor.u32 v17, v19  }
0x48: {  	v16 =	vld.idx.msk [tilespmem:v34+s2+$0x0], $0xffff;
	v19 =	vor.u32 $0x3F, v17  }
0x49: {  	v33 =	vsel vm10, $0x800, v1;
	vm12 =	vlt.f32 v31, v6;
	v25 =	vld.idx.msk [tilespmem:v25+s2+$0x0], $0xffff  }
0x4a: {  	vm13 =	vlt.f32 v23, v5;
	v15 =	vor.u32 v15, v33;
	v36 =	vsel vm12, $0x800, v1  }
0x4b: {  	v37 =	vsel vm13, $0x800, v1;
	v26 =	vor.u32 $0x3FF, v15;
	v20 =	vor.u32 v20, v36;
	v13 =	vld.idx.msk [tilespmem:v30+s2+$0x0], $0xffff  }
0x4c: {  	v21 =	vor.u32 v21, v37;
	vm12 =	vlt.f32 v50, v9;
	v39 =	vor.u32 $0x3FF, v20  }
0x4d: {  	v40 =	vor.u32 $0x3FF, v21;
	vm5 =	vlt.f32 v16, v8;
	v22 =	vsel vm12, $0x200, v1;
	v19 =	vld.idx.msk [tilespmem:v19+s2+$0x0], $0xffff  }
0x4e: {  	v44 =	vsel vm5, $0x400, v1;
	v12 =	vor.u32 v12, v22;
	vm14 =	vlt.f32 v25, v4  }
0x4f: {  	v14 =	vor.u32 v14, v44;
	v61 =	vor.u32 $0xFF, v12;
	v25 =	vsel vm14, $0x800, v1  }
0x50: {  	v38 =	vld.idx.msk [tilespmem:v26+s2+$0x0], $0xffff;
	v48 =	vor.u32 $0x1FF, v14;
	vm15 =	vlt.f32 v13, v3;
	v24 =	vor.u32 v24, v25  }
0x51: {  	v45 =	vld.idx.msk [tilespmem:v39+s2+$0x0], $0xffff;
	v41 =	vsel vm15, $0x800, v1;
	v42 =	vor.u32 $0x3FF, v24  }
0x52: {  	v13 =	vld.idx.msk [tilespmem:v40+s2+$0x0], $0xffff;
	v11 =	vor.u32 v11, v41;
	vm7 =	vlt.f32 v19, v10  }
0x53: {  	v43 =	vor.u32 $0x3FF, v11;
	v19 =	vsel vm7, $0x40, v1  }
0x54: {  	v30 =	vld.idx.msk [tilespmem:v61+s2+$0x0], $0xffff;
	v17 =	vor.u32 v17, v19  }
0x55: {  	v18 =	vld.idx.msk [tilespmem:v48+s2+$0x0], $0xffff;
	vm6 =	vlt.f32 v38, v7;
	v19 =	vadd.s32 $0x1F, v17  }
0x56: {  	vm8 =	vlt.f32 v45, v6;
	v47 =	vsel vm6, $0x400, v1;
	v25 =	vld.idx.msk [tilespmem:v42+s2+$0x0], $0xffff  }
0x57: {  	v51 =	vsel vm8, $0x400, v1;
	v15 =	vor.u32 v15, v47;
	vm9 =	vlt.f32 v13, v5  }
0x58: {  	v52 =	vor.u32 v20, v51;
	v49 =	vor.u32 $0x1FF, v15;
	v53 =	vsel vm9, $0x400, v1;
	v16 =	vld.idx.msk [tilespmem:v43+s2+$0x0], $0xffff  }
0x59: {  	v23 =	vor.u32 $0x1FF, v52;
	vm8 =	vlt.f32 v30, v9;
	v20 =	vor.u32 v21, v53  }
0x5a: {  	vm13 =	vlt.f32 v18, v8;
	v21 =	vsel vm8, $0x100, v1;
	v55 =	vor.u32 $0x1FF, v20;
	v19 =	vld.idx.msk [tilespmem:v19+s2+$0x0], $0xffff  }
0x5b: {  	v59 =	vsel vm13, $0x200, v1;
	v12 =	vor.u32 v12, v21;
	vm10 =	vlt.f32 v25, v4  }
0x5c: {  	v14 =	vor.u32 v14, v59;
	v39 =	vor.u32 $0x7F, v12;
	v25 =	vsel vm10, $0x400, v1  }
0x5d: {  	v63 =	vor.u32 $0xFF, v14;
	v54 =	vld.idx.msk [tilespmem:v49+s2+$0x0], $0xffff;
	vm11 =	vlt.f32 v16, v3;
	v24 =	vor.u32 v24, v25  }
0x5e: {  	v60 =	vld.idx.msk [tilespmem:v23+s2+$0x0], $0xffff;
	v56 =	vsel vm11, $0x400, v1;
	v57 =	vor.u32 $0x1FF, v24  }
0x5f: {  	v16 =	vld.idx.msk [tilespmem:v55+s2+$0x0], $0xffff;
	v11 =	vor.u32 v11, v56;
	vm15 =	vlt.f32 v19, v10  }
0x60: {  	v58 =	vor.u32 $0x1FF, v11;
	v28 =	vsel vm15, $0x20, v1  }
0x61: {  	v43 =	vld.idx.msk [tilespmem:v39+s2+$0x0], $0xffff;
	v17 =	vadd.s32 v17, v28  }
0x62: {  	vm14 =	vlt.f32 v54, v7;
	v19 =	vld.idx.msk [tilespmem:v63+s2+$0x0], $0xffff;
	v22 =	vadd.s32 $0xF, v17  }
0x63: {  	vm4 =	vlt.f32 v60, v6;
	v62 =	vsel vm14, $0x200, v1;
	v25 =	vld.idx.msk [tilespmem:v57+s2+$0x0], $0xffff  }
0x64: {  	v31 =	vsel vm4, $0x200, v1;
	v15 =	vor.u32 v15, v62;
	vm5 =	vlt.f32 v16, v5  }
0x65: {  	v29 =	vor.u32 $0xFF, v15;
	v13 =	vor.u32 v52, v31;
	v16 =	vsel vm5, $0x200, v1;
	v18 =	vld.idx.msk [tilespmem:v58+s2+$0x0], $0xffff  }
0x66: {  	v23 =	vor.u32 $0xFF, v13;
	vm4 =	vlt.f32 v43, v9;
	v16 =	vor.u32 v20, v16  }
0x67: {  	v20 =	vsel vm4, $0x80, v1;
	v33 =	vor.u32 $0xFF, v16;
	vm9 =	vlt.f32 v19, v8;
	v22 =	vld.idx.msk [tilespmem:v22+s2+$0x0], $0xffff  }
0x68: {  	v12 =	vor.u32 v12, v20;
	vm6 =	vlt.f32 v25, v4;
	v37 =	vsel vm9, $0x100, v1  }
0x69: {  	v51 =	vor.u32 $0x3F, v12;
	v25 =	vsel vm6, $0x200, v1;
	v14 =	vor.u32 v14, v37  }
0x6a: {  	v32 =	vld.idx.msk [tilespmem:v29+s2+$0x0], $0xffff;
	vm7 =	vlt.f32 v18, v3;
	v24 =	vor.u32 v24, v25;
	v41 =	vor.u32 $0x7F, v14  }
0x6b: {  	v38 =	vld.idx.msk [tilespmem:v23+s2+$0x0], $0xffff;
	v34 =	vsel vm7, $0x200, v1;
	v35 =	vor.u32 $0xFF, v24  }
0x6c: {  	v18 =	vld.idx.msk [tilespmem:v33+s2+$0x0], $0xffff;
	v11 =	vor.u32 v11, v34;
	vm11 =	vlt.f32 v22, v10  }
0x6d: {  	v36 =	vor.u32 $0xFF, v11;
	v22 =	vsel vm11, $0x10, v1  }
0x6e: {  	v55 =	vld.idx.msk [tilespmem:v51+s2+$0x0], $0xffff;
	v17 =	vadd.s32 v17, v22  }
0x6f: {  	vm10 =	vlt.f32 v32, v7;
	v21 =	vld.idx.msk [tilespmem:v41+s2+$0x0], $0xffff;
	v22 =	vadd.s32 $0x7, v17  }
0x70: {  	v40 =	vsel vm10, $0x100, v1;
	vm12 =	vlt.f32 v38, v6;
	v25 =	vld.idx.msk [tilespmem:v35+s2+$0x0], $0xffff  }
0x71: {  	v15 =	vor.u32 v15, v40;
	v44 =	vsel vm12, $0x100, v1;
	vm13 =	vlt.f32 v18, v5  }
0x72: {  	v42 =	vor.u32 $0x7F, v15;
	v13 =	vor.u32 v13, v44;
	v18 =	vsel vm13, $0x100, v1;
	v19 =	vld.idx.msk [tilespmem:v36+s2+$0x0], $0xffff  }
0x73: {  	v23 =	vor.u32 $0x7F, v13;
	vm12 =	vlt.f32 v55, v9;
	v16 =	vor.u32 v16, v18  }
0x74: {  	v18 =	vsel vm12, $0x40, v1;
	v46 =	vor.u32 $0x7F, v16;
	vm5 =	vlt.f32 v21, v8;
	v22 =	vld.idx.msk [tilespmem:v22+s2+$0x0], $0xffff  }
0x75: {  	v12 =	vor.u32 v12, v18;
	vm14 =	vlt.f32 v25, v4;
	v21 =	vsel vm5, $0x80, v1  }
0x76: {  	v63 =	vadd.s32 $0x1F, v12;
	v25 =	vsel vm14, $0x100, v1;
	v14 =	vor.u32 v14, v21  }
0x77: {  	v45 =	vld.idx.msk [tilespmem:v42+s2+$0x0], $0xffff;
	vm15 =	vlt.f32 v19, v3;
	v24 =	vor.u32 v24, v25;
	v53 =	vor.u32 $0x3F, v14  }
0x78: {  	v50 =	vld.idx.msk [tilespmem:v23+s2+$0x0], $0xffff;
	v47 =	vsel vm15, $0x100, v1;
	v48 =	vor.u32 $0x7F, v24  }
0x79: {  	v19 =	vld.idx.msk [tilespmem:v46+s2+$0x0], $0xffff;
	v11 =	vor.u32 v11, v47;
	vm7 =	vlt.f32 v22, v10  }
0x7a: {  	v49 =	vor.u32 $0x7F, v11;
	v22 =	vsel vm7, $0x8, v1  }
0x7b: {  	v30 =	vld.idx.msk [tilespmem:v63+s2+$0x0], $0xffff;
	v17 =	vadd.s32 v17, v22  }
0x7c: {  	vm6 =	vlt.f32 v45, v7;
	v21 =	vld.idx.msk [tilespmem:v53+s2+$0x0], $0xffff;
	v22 =	vadd.s32 $0x3, v17  }
0x7d: {  	v52 =	vsel vm6, $0x80, v1;
	vm8 =	vlt.f32 v50, v6;
	v25 =	vld.idx.msk [tilespmem:v48+s2+$0x0], $0xffff  }
0x7e: {  	v15 =	vor.u32 v15, v52;
	v56 =	vsel vm8, $0x80, v1;
	vm9 =	vlt.f32 v19, v5  }
0x7f: {  	v54 =	vor.u32 $0x3F, v15;
	v13 =	vor.u32 v13, v56;
	v19 =	vsel vm9, $0x80, v1;
	v20 =	vld.idx.msk [tilespmem:v49+s2+$0x0], $0xffff  }
0x80: {  	v23 =	vor.u32 $0x3F, v13;
	vm8 =	vlt.f32 v30, v9;
	v16 =	vor.u32 v16, v19  }
0x81: {  	v19 =	vsel vm8, $0x20, v1;
	v58 =	vor.u32 $0x3F, v16;
	vm13 =	vlt.f32 v21, v8;
	v22 =	vld.idx.msk [tilespmem:v22+s2+$0x0], $0xffff  }
0x82: {  	v12 =	vadd.s32 v12, v19;
	vm10 =	vlt.f32 v25, v4;
	v21 =	vsel vm13, $0x40, v1  }
0x83: {  	v37 =	vadd.s32 $0xF, v12;
	v25 =	vsel vm10, $0x80, v1;
	v14 =	vor.u32 v14, v21  }
0x84: {  	v57 =	vld.idx.msk [tilespmem:v54+s2+$0x0], $0xffff;
	vm11 =	vlt.f32 v20, v3;
	v24 =	vor.u32 v24, v25;
	v28 =	vadd.s32 $0x1F, v14  }
0x85: {  	v62 =	vld.idx.msk [tilespmem:v23+s2+$0x0], $0xffff;
	v59 =	vsel vm11, $0x80, v1;
	v60 =	vor.u32 $0x3F, v24  }
0x86: {  	v11 =	vor.u32 v11, v59;
	vm15 =	vlt.f32 v22, v10  }
0x87: {  	v20 =	vld.idx.msk [tilespmem:v58+s2+$0x0], $0xffff;
	v61 =	vor.u32 $0x3F, v11;
	v22 =	vsel vm15, $0x4, v1  }
0x88: {  	v40 =	vld.idx.msk [tilespmem:v37+s2+$0x0], $0xffff;
	v17 =	vadd.s32 v17, v22  }
0x89: {  	v21 =	vld.idx.msk [tilespmem:v28+s2+$0x0], $0xffff;
	v22 =	vadd.s32 $0x1, v17  }
0x8a: {  	vm14 =	vlt.f32 v57, v7;
	vm4 =	vlt.f32 v62, v6;
	v25 =	vld.idx.msk [tilespmem:v60+s2+$0x0], $0xffff  }
0x8b: {  	v27 =	vsel vm14, $0x40, v1;
	v31 =	vsel vm4, $0x40, v1  }
0x8c: {  	v15 =	vor.u32 v15, v27;
	v13 =	vor.u32 v13, v31;
	vm5 =	vlt.f32 v20, v5;
	v18 =	vld.idx.msk [tilespmem:v61+s2+$0x0], $0xffff  }
0x8d: {  	v29 =	vadd.s32 $0x1F, v15;
	v23 =	vadd.s32 $0x1F, v13;
	v20 =	vsel vm5, $0x40, v1  }
0x8e: {  	vm4 =	vlt.f32 v40, v9;
	v16 =	vor.u32 v16, v20;
	vm9 =	vlt.f32 v21, v8;
	v22 =	vld.idx.msk [tilespmem:v22+s2+$0x0], $0xffff  }
0x8f: {  	v33 =	vadd.s32 $0x1F, v16;
	vm6 =	vlt.f32 v25, v4;
	v21 =	vsel vm9, $0x20, v1  }
0x90: {  	v48 =	vsel vm4, $0x10, v1;
	v25 =	vsel vm6, $0x40, v1;
	v14 =	vadd.s32 v14, v21  }
0x91: {  	vm7 =	vlt.f32 v18, v3;
	v24 =	vor.u32 v24, v25;
	v21 =	vadd.s32 $0xF, v14  }
0x92: {  	v23 =	vld.idx.msk [tilespmem:v23+s2+$0x0], $0xffff;
	v12 =	vadd.s32 v12, v48;
	v34 =	vsel vm7, $0x40, v1;
	v35 =	vadd.s32 $0x1F, v24  }
0x93: {  	v32 =	vld.idx.msk [tilespmem:v29+s2+$0x0], $0xffff;
	v55 =	vadd.s32 $0x7, v12;
	v11 =	vor.u32 v11, v34;
	vm11 =	vlt.f32 v22, v10  }
0x94: {  	v18 =	vld.idx.msk [tilespmem:v33+s2+$0x0], $0xffff;
	v36 =	vadd.s32 $0x1F, v11;
	v22 =	vsel vm11, $0x2, v1  }
0x95: {  	v17 =	vadd.s32 v17, v22  }
0x96: {  	v21 =	vld.idx.msk [tilespmem:v21+s2+$0x0], $0xffff  }
0x97: {  	vm12 =	vlt.f32 v23, v6;
	v38 =	vld.idx.msk [tilespmem:v35+s2+$0x0], $0xffff  }
0x98: {  	vm10 =	vlt.f32 v32, v7;
	v41 =	vsel vm12, $0x20, v1;
	v59 =	vld.idx.msk [tilespmem:v55+s2+$0x0], $0xffff  }
0x99: {  	v13 =	vadd.s32 v13, v41;
	v20 =	vsel vm10, $0x20, v1;
	vm13 =	vlt.f32 v18, v5;
	v19 =	vld.idx.msk [tilespmem:v36+s2+$0x0], $0xffff  }
0x9a: {  	v45 =	vadd.s32 $0xF, v13;
	v15 =	vadd.s32 v15, v20;
	v42 =	vsel vm13, $0x20, v1;
	v43 =	vld.idx.msk [tilespmem:v17+s2+$0x0], $0xffff  }
0x9b: {  	v39 =	vadd.s32 $0xF, v15;
	v16 =	vadd.s32 v16, v42;
	vm5 =	vlt.f32 v21, v8  }
0x9c: {  	v47 =	vadd.s32 $0xF, v16;
	vm14 =	vlt.f32 v38, v4;
	v21 =	vsel vm5, $0x10, v1  }
0x9d: {  	v20 =	vsel vm14, $0x20, v1;
	vm14 =	vlt.f32 v59, v9;
	v14 =	vadd.s32 v14, v21  }
0x9e: {  	vm15 =	vlt.f32 v19, v3;
	v20 =	vadd.s32 v24, v20;
	v56 =	vadd.s32 $0x7, v14  }
0x9f: {  	v46 =	vsel vm15, $0x20, v1;
	v49 =	vadd.s32 $0xF, v20;
	vm6 =	vlt.f32 v43, v10  }
0xa0: {  	v44 =	vld.idx.msk [tilespmem:v39+s2+$0x0], $0xffff;
	v35 =	vsel vm14, $0x8, v1;
	v23 =	vadd.s32 v11, v46;
	v52 =	vsel vm6, $0x1, v1  }
0xa1: {  	v51 =	vld.idx.msk [tilespmem:v45+s2+$0x0], $0xffff;
	v12 =	vadd.s32 v12, v35;
	v50 =	vadd.s32 $0xF, v23;
	v17 =	vadd.s32 v52, v17  }
0xa2: {  	v54 =	vld.idx.msk [tilespmem:v47+s2+$0x0], $0xffff;
	v25 =	vadd.s32 $0x3, v12;
	v57 =	vadd.s32 $0xFFFFFFFF, v17  }
0xa3: {  	v19 =	vld.idx.msk [tilespmem:v56+s2+$0x0], $0xffff;
	vm8 =	vgt.s32 v57, $0x0;
	vm9 =	vgt.s32 v57, $0x1  }
0xa4: {  	v11 =	vld.idx.msk [tilespmem:v49+s2+$0x0], $0xffff;
	v27 =	vnsel vm8, $0x0, v57;
	v21 =	vnsel vm9, $0x1, v57  }
0xa5: {  	vm7 =	vlt.f32 v44, v7;
	v21 =	vadd.s32 $0xFFFFFFFF, v21  }
0xa6: {  	vm10 =	vlt.f32 v51, v6;
	v53 =	vsel vm7, $0x10, v1;
	v24 =	vld.idx.msk [tilespmem:v50+s2+$0x0], $0xffff  }
0xa7: {  	v60 =	vsel vm10, $0x10, v1;
	v15 =	vadd.s32 v15, v53;
	vm11 =	vlt.f32 v54, v5;
	v46 =	vld.idx.msk [tilespmem:v25+s2+$0x0], $0xffff  }
0xa8: {  	v58 =	vadd.s32 $0x7, v15;
	v61 =	vsel vm11, $0x10, v1;
	vm15 =	vlt.f32 v19, v8;
	v19 =	vld.idx.msk [tilespmem:v17+s2+$0x0], $0xffff  }
0xa9: {  	v13 =	vadd.s32 v13, v60;
	v16 =	vadd.s32 v16, v61;
	vm12 =	vlt.f32 v11, v4;
	v11 =	vld.idx.msk [tilespmem:v27+s2+$0x0], $0xffff  }
0xaa: {  	v63 =	vadd.s32 $0x7, v13;
	v28 =	vadd.s32 $0x7, v16;
	v29 =	vld.idx.msk [tilespmem:v21+s2+$0x0], $0xffff  }
0xab: {  	vm5 =	vgt.u32 v17, $0x1;
	v32 =	vsel vm12, $0x10, v1;
	vm13 =	vlt.f32 v24, v3  }
0xac: {  	vm12 =	vlt.f32 v46, v9;
	v20 =	vadd.s32 v20, v32;
	v33 =	vsel vm13, $0x10, v1  }
0xad: {  	v62 =	vld.idx.msk [tilespmem:v58+s2+$0x0], $0xffff;
	v36 =	vsel vm15, $0x8, v1;
	v34 =	vadd.s32 $0x7, v20;
	v23 =	vadd.s32 v23, v33  }
0xae: {  	v57 =	vsel vm12, $0x4, v1;
	v14 =	vadd.s32 v14, v36;
	v30 =	vadd.s32 $0x7, v23  }
0xaf: {  	v37 =	vld.idx.msk [tilespmem:v63+s2+$0x0], $0xffff;
	v12 =	vadd.s32 v12, v57;
	vm7 =	veq.f32 v11, v19;
	vm2 =	veq.f32 v29, v11  }
0xb0: {  	v38 =	vld.idx.msk [tilespmem:v28+s2+$0x0], $0xffff;
	v40 =	vadd.s32 $0x3, v14;
	v17 =	vsel vm7, v27, v17;
	vm6 =	vmand vm5, vm2  }
0xb1: {  	v59 =	vadd.s32 $0x1, v12;
	v21 =	vsel vm6, v21, v27;
	v27 =	vmax.u32 v17, $0x1  }
0xb2: {  	vm4 =	vlt.f32 v62, v7;
	v18 =	vld.idx.msk [tilespmem:v34+s2+$0x0], $0xffff;
	v43 =	vmax.u32 v21, $0x1;
	v47 =	vsub.s32 v27, v2  }
0xb3: {  	v39 =	vsel vm4, $0x8, v1;
	v41 =	vld.idx.msk [tilespmem:v30+s2+$0x0], $0xffff;
	v44 =	vsub.s32 v43, v2  }
0xb4: {  	v15 =	vadd.s32 v15, v39;
	vm8 =	vlt.f32 v37, v6  }
0xb5: {  	v42 =	vadd.s32 $0x3, v15;
	v45 =	vsel vm8, $0x8, v1;
	vm9 =	vlt.f32 v38, v5;
	v28 =	vld.idx.msk [tilespmem:v40+s2+$0x0], $0xffff  }
0xb6: {  	v13 =	vadd.s32 v13, v45;
	v48 =	vsel vm9, $0x8, v1;
	v26 =	vld.idx.msk [tilespmem:v59+s2+$0x0], $0xffff  }
0xb7: {  	v49 =	vadd.s32 $0x3, v13;
	v16 =	vadd.s32 v16, v48;
	vm10 =	vlt.f32 v18, v4;
	v31 =	vld.idx.msk [tilespmem:v47+s2+$0x0], $0xffff  }
0xb8: {  	v52 =	vadd.s32 $0x3, v16;
	v50 =	vsel vm10, $0x8, v1;
	vm11 =	vlt.f32 v41, v3;
	v54 =	vld.idx.msk [tilespmem:v44+s2+$0x0], $0xffff  }
0xb9: {  	v20 =	vadd.s32 v20, v50;
	v53 =	vsel vm11, $0x8, v1  }
0xba: {  	v51 =	vld.idx.msk [tilespmem:v42+s2+$0x0], $0xffff;
	v55 =	vadd.s32 $0x3, v20;
	v23 =	vadd.s32 v23, v53  }
0xbb: {  	vm13 =	vlt.f32 v28, v8;
	vm9 =	vlt.f32 v26, v9;
	v56 =	vadd.s32 $0x3, v23  }
0xbc: {  	v18 =	vld.idx.msk [tilespmem:v49+s2+$0x0], $0xffff;
	v32 =	vsel vm13, $0x4, v1;
	v46 =	vsel vm9, $0x2, v1;
	vm4 =	veq.f32 v31, v19  }
0xbd: {  	v58 =	vld.idx.msk [tilespmem:v52+s2+$0x0], $0xffff;
	v14 =	vadd.s32 v14, v32;
	vm15 =	veq.f32 v54, v11;
	v17 =	vsel vm4, v47, v17  }
0xbe: {  	v32 =	vadd.s32 v12, v46;
	v21 =	vsel vm15, v44, v21;
	v33 =	vmax.u32 v17, $0x1  }
0xbf: {  	vm14 =	vlt.f32 v51, v7;
	v27 =	vld.idx.msk [tilespmem:v55+s2+$0x0], $0xffff;
	v62 =	vmax.u32 v21, $0x1;
	v24 =	vsub.s32 v33, v2  }
0xc0: {  	v60 =	vsel vm14, $0x4, v1;
	v61 =	vld.idx.msk [tilespmem:v56+s2+$0x0], $0xffff;
	v63 =	vsub.s32 v62, v2  }
0xc1: {  	v15 =	vadd.s32 v15, v60;
	vm5 =	vlt.f32 v18, v6  }
0xc2: {  	v37 =	vadd.s32 $0x1, v15;
	v34 =	vsel vm5, $0x4, v1;
	vm6 =	vlt.f32 v58, v5  }
0xc3: {  	v36 =	vadd.s32 $0x1, v14;
	v13 =	vadd.s32 v13, v34;
	v35 =	vsel vm6, $0x4, v1;
	v50 =	vld.idx.msk [tilespmem:v32+s2+$0x0], $0xffff  }
0xc4: {  	v38 =	vadd.s32 $0x1, v13;
	v25 =	vadd.s32 v16, v35;
	vm7 =	vlt.f32 v27, v4;
	v43 =	vld.idx.msk [tilespmem:v24+s2+$0x0], $0xffff  }
0xc5: {  	v40 =	vadd.s32 $0x1, v25;
	v27 =	vsel vm7, $0x4, v1;
	vm8 =	vlt.f32 v61, v3;
	v41 =	vld.idx.msk [tilespmem:v63+s2+$0x0], $0xffff  }
0xc6: {  	v20 =	vadd.s32 v20, v27;
	v39 =	vsel vm8, $0x4, v1  }
0xc7: {  	v16 =	vld.idx.msk [tilespmem:v37+s2+$0x0], $0xffff;
	v42 =	vadd.s32 $0x1, v20;
	v23 =	vadd.s32 v23, v39  }
0xc8: {  	v44 =	vld.idx.msk [tilespmem:v36+s2+$0x0], $0xffff;
	v45 =	vadd.s32 $0x1, v23  }
0xc9: {  	v47 =	vld.idx.msk [tilespmem:v38+s2+$0x0], $0xffff;
	vm11 =	veq.f32 v43, v19  }
0xca: {  	vm6 =	vlt.f32 v50, v9;
	v48 =	vld.idx.msk [tilespmem:v40+s2+$0x0], $0xffff;
	vm10 =	veq.f32 v41, v11;
	v17 =	vsel vm11, v24, v17  }
0xcb: {  	v59 =	vsel vm6, $0x1, v1;
	v21 =	vsel vm10, v63, v21  }
0xcc: {  	vm13 =	vlt.f32 v16, v7;
	v60 =	vadd.s32 v59, v32;
	v27 =	vld.idx.msk [tilespmem:v42+s2+$0x0], $0xffff  }
0xcd: {  	v58 =	vsub.f32 v10, v19;
	v52 =	vsel vm13, $0x2, v1;
	v33 =	vadd.s32 $0xFFFFFFFF, v60;
	v28 =	vld.idx.msk [tilespmem:v45+s2+$0x0], $0xffff  }
0xce: {  	v18 =	vadd.s32 v15, v52;
	vm9 =	vgt.s32 v33, $0x0;
	vm12 =	vlt.f32 v44, v8  }
0xcf: {  	vm14 =	vlt.f32 v47, v6;
	v49 =	vsel vm12, $0x2, v1;
	vm15 =	vlt.f32 v48, v5;
	v55 =	vld.idx.msk [tilespmem:v17+s9+$0x0], $0xffff  }
0xd0: {  	v53 =	vsel vm14, $0x2, v1;
	v51 =	vadd.s32 v14, v49;
	v54 =	vsel vm15, $0x2, v1;
	v21 =	vld.idx.msk [tilespmem:v21+s9+$0x0], $0xffff  }
0xd1: {  	v16 =	vadd.s32 v13, v53;
	v14 =	vadd.s32 v25, v54;
	vm4 =	vlt.f32 v27, v4  }
0xd2: {  	v11 =	vsub.f32 v10, v11;
	v56 =	vsel vm4, $0x2, v1;
	vm5 =	vlt.f32 v28, v3  }
0xd3: {  	v35 =	vnsel vm9, $0x0, v33;
	v12 =	vadd.s32 v20, v56;
	v57 =	vsel vm5, $0x2, v1  }
0xd4: {  	v32 =	vld.idx.msk [tilespmem:v18+s2+$0x0], $0xffff;
	v63 =	vand.u32 $0x7FFFFFFF, v58;
	v62 =	vand.u32 $0x7FFFFFFF, v11;
	v10 =	vadd.s32 v23, v57  }
0xd5: {  	v61 =	vld.idx.msk [tilespmem:v51+s2+$0x0], $0xffff;
	vm10 =	vgt.s32 v33, $0x1;
	vm7 =	veq.f32 v63, v62;
	vm8 =	vlt.s32 v55, v21  }
0xd6: {  	v34 =	vld.idx.msk [tilespmem:v16+s2+$0x0], $0xffff;
	v11 =	vnsel vm10, $0x1, v33;
	vm11 =	vlt.f32 v63, v62;
	vm0 =	vmand vm7, vm8  }
0xd7: {  	v15 =	vld.idx.msk [tilespmem:v14+s2+$0x0], $0xffff;
	v36 =	vadd.s32 $0xFFFFFFFF, v11;
	vm0 =	vmor vm11, vm0  }
0xd8: {  	v13 =	vld.idx.msk [tilespmem:v12+s2+$0x0], $0xffff;
	v21 =	vsel vm0, v55, v21  }
0xd9: {  	v11 =	vld.idx.msk [tilespmem:v10+s2+$0x0], $0xffff;
	v37 =	vsel vm0, v63, v62;
	[tilespmem:s18+$0x4200] =	vst v21  }
0xda: {  	[tilespmem:s18+$0x4400] =	vst v37  }
0xdb: {  	v21 =	vld.idx.msk [tilespmem:v35+s2+$0x0], $0xffff  }
0xdc: {  	v38 =	vld.idx.msk [tilespmem:v36+s2+$0x0], $0xffff  }
0xdd: {  	v39 =	vld.idx.msk [tilespmem:v60+s2+$0x0], $0xffff;
	_ =	sdelay $0x4  }
0xde: {  	vm12 =	vgt.u32 v60, $0x1;
	vm13 =	veq.f32 v38, v21;
	vm14 =	veq.f32 v21, v39  }
0xdf: {  	vm0 =	vmand vm12, vm13;
	v19 =	vsel vm14, v35, v60  }
0xe0: {  	v40 =	vsel vm0, v36, v35;
	v27 =	vmax.u32 v19, $0x1  }
0xe1: {  	v41 =	vmax.u32 v40, $0x1;
	v27 =	vsub.s32 v27, v2  }
0xe2: {  	v25 =	vsub.s32 v41, v2;
	_ =	sdelay $0x3  }
0xe3: {  	v43 =	vld.idx.msk [tilespmem:v27+s2+$0x0], $0xffff  }
0xe4: {  	v42 =	vld.idx.msk [tilespmem:v25+s2+$0x0], $0xffff;
	_ =	sdelay $0x3  }
0xe5: {  	vm4 =	veq.f32 v43, v39  }
0xe6: {  	vm15 =	veq.f32 v42, v21;
	v19 =	vsel vm4, v27, v19  }
0xe7: {  	v22 =	vsel vm15, v25, v40;
	v27 =	vmax.u32 v19, $0x1  }
0xe8: {  	v25 =	vmax.u32 v22, $0x1;
	v27 =	vsub.s32 v27, v2  }
0xe9: {  	v25 =	vsub.s32 v25, v2;
	_ =	sdelay $0x3  }
0xea: {  	v45 =	vld.idx.msk [tilespmem:v27+s2+$0x0], $0xffff  }
0xeb: {  	v44 =	vld.idx.msk [tilespmem:v25+s2+$0x0], $0xffff;
	_ =	sdelay $0x3  }
0xec: {  	vm6 =	veq.f32 v45, v39  }
0xed: {  	vm5 =	veq.f32 v44, v21;
	v19 =	vsel vm6, v27, v19  }
0xee: {  	v22 =	vsel vm5, v25, v22;
	_ =	sdelay $0x3  }
0xef: {  	v19 =	vld.idx.msk [tilespmem:v19+s9+$0x0], $0xffff  }
0xf0: {  	v22 =	vld.idx.msk [tilespmem:v22+s9+$0x0], $0xffff  }
0xf1: {  	vm7 =	vlt.f32 v61, v8;
	v46 =	vsub.f32 v9, v21;
	v9 =	vsub.f32 v9, v39  }
0xf2: {  	v47 =	vsel vm7, $0x1, v1  }
0xf3: {  	v20 =	vand.u32 $0x7FFFFFFF, v46;
	v9 =	vand.u32 $0x7FFFFFFF, v9;
	v21 =	vadd.s32 v47, v51  }
0xf4: {  	vm8 =	veq.f32 v9, v20;
	vm12 =	vlt.f32 v9, v20;
	v48 =	vadd.s32 $0xFFFFFFFF, v21  }
0xf5: {  	vm10 =	vgt.s32 v48, $0x0;
	vm11 =	vgt.s32 v48, $0x1;
	vm9 =	vlt.s32 v19, v22  }
0xf6: {  	v49 =	vnsel vm10, $0x0, v48;
	v23 =	vnsel vm11, $0x1, v48;
	vm0 =	vmand vm8, vm9  }
0xf7: {  	v23 =	vadd.s32 $0xFFFFFFFF, v23;
	vm0 =	vmor vm12, vm0  }
0xf8: {  	v19 =	vsel vm0, v19, v22  }
0xf9: {  	v9 =	vsel vm0, v9, v20;
	[tilespmem:s18+$0x4210] =	vst v19  }
0xfa: {  	[tilespmem:s18+$0x4410] =	vst v9  }
0xfb: {  	v9 =	vld.idx.msk [tilespmem:v49+s2+$0x0], $0xffff  }
0xfc: {  	v19 =	vld.idx.msk [tilespmem:v23+s2+$0x0], $0xffff  }
0xfd: {  	v50 =	vld.idx.msk [tilespmem:v21+s2+$0x0], $0xffff;
	_ =	sdelay $0x4  }
0xfe: {  	vm13 =	vgt.u32 v21, $0x1;
	vm14 =	veq.f32 v19, v9;
	vm15 =	veq.f32 v9, v50  }
0xff: {  	vm0 =	vmand vm13, vm14;
	v21 =	vsel vm15, v49, v21  }
0x100: {  	v51 =	vsel vm0, v23, v49;
	v53 =	vmax.u32 v21, $0x1  }
0x101: {  	v52 =	vmax.u32 v51, $0x1;
	v23 =	vsub.s32 v53, v2  }
0x102: {  	v22 =	vsub.s32 v52, v2;
	_ =	sdelay $0x3  }
0x103: {  	v55 =	vld.idx.msk [tilespmem:v23+s2+$0x0], $0xffff  }
0x104: {  	v54 =	vld.idx.msk [tilespmem:v22+s2+$0x0], $0xffff;
	_ =	sdelay $0x3  }
0x105: {  	vm5 =	veq.f32 v55, v50  }
0x106: {  	vm4 =	veq.f32 v54, v9;
	v21 =	vsel vm5, v23, v21  }
0x107: {  	v19 =	vsel vm4, v22, v51;
	v23 =	vmax.u32 v21, $0x1  }
0x108: {  	v22 =	vmax.u32 v19, $0x1;
	v23 =	vsub.s32 v23, v2  }
0x109: {  	v22 =	vsub.s32 v22, v2;
	_ =	sdelay $0x3  }
0x10a: {  	v57 =	vld.idx.msk [tilespmem:v23+s2+$0x0], $0xffff  }
0x10b: {  	v56 =	vld.idx.msk [tilespmem:v22+s2+$0x0], $0xffff;
	_ =	sdelay $0x3  }
0x10c: {  	vm7 =	veq.f32 v57, v50  }
0x10d: {  	vm6 =	veq.f32 v56, v9;
	v21 =	vsel vm7, v23, v21  }
0x10e: {  	v19 =	vsel vm6, v22, v19;
	_ =	sdelay $0x3  }
0x10f: {  	vm8 =	vlt.f32 v32, v7;
	v21 =	vld.idx.msk [tilespmem:v21+s9+$0x0], $0xffff  }
0x110: {  	v58 =	vsel vm8, $0x1, v1;
	v19 =	vld.idx.msk [tilespmem:v19+s9+$0x0], $0xffff  }
0x111: {  	v18 =	vadd.s32 v58, v18  }
0x112: {  	v20 =	vadd.s32 $0xFFFFFFFF, v18;
	v9 =	vsub.f32 v8, v9;
	v8 =	vsub.f32 v8, v50  }
0x113: {  	vm11 =	vgt.s32 v20, $0x0  }
0x114: {  	vm12 =	vgt.s32 v20, $0x1;
	v9 =	vand.u32 $0x7FFFFFFF, v9;
	v8 =	vand.u32 $0x7FFFFFFF, v8  }
0x115: {  	v59 =	vnsel vm11, $0x0, v20;
	vm9 =	veq.f32 v8, v9;
	vm10 =	vlt.s32 v21, v19  }
0x116: {  	v20 =	vnsel vm12, $0x1, v20;
	vm13 =	vlt.f32 v8, v9;
	vm0 =	vmand vm9, vm10  }
0x117: {  	v20 =	vadd.s32 $0xFFFFFFFF, v20;
	vm0 =	vmor vm13, vm0  }
0x118: {  	v19 =	vsel vm0, v21, v19  }
0x119: {  	v8 =	vsel vm0, v8, v9;
	[tilespmem:s18+$0x4220] =	vst v19  }
0x11a: {  	[tilespmem:s18+$0x4420] =	vst v8  }
0x11b: {  	v8 =	vld.idx.msk [tilespmem:v59+s2+$0x0], $0xffff  }
0x11c: {  	v60 =	vld.idx.msk [tilespmem:v20+s2+$0x0], $0xffff  }
0x11d: {  	v19 =	vld.idx.msk [tilespmem:v18+s2+$0x0], $0xffff;
	_ =	sdelay $0x4  }
0x11e: {  	vm14 =	vgt.u32 v18, $0x1;
	vm15 =	veq.f32 v60, v8;
	vm4 =	veq.f32 v8, v19  }
0x11f: {  	vm0 =	vmand vm14, vm15;
	v18 =	vsel vm4, v59, v18  }
0x120: {  	v61 =	vsel vm0, v20, v59;
	v62 =	vmax.u32 v18, $0x1  }
0x121: {  	v20 =	vmax.u32 v61, $0x1;
	v21 =	vsub.s32 v62, v2  }
0x122: {  	v20 =	vsub.s32 v20, v2;
	_ =	sdelay $0x3  }
0x123: {  	v24 =	vld.idx.msk [tilespmem:v21+s2+$0x0], $0xffff  }
0x124: {  	v63 =	vld.idx.msk [tilespmem:v20+s2+$0x0], $0xffff;
	_ =	sdelay $0x3  }
0x125: {  	vm6 =	veq.f32 v24, v19  }
0x126: {  	vm5 =	veq.f32 v63, v8;
	v18 =	vsel vm6, v21, v18  }
0x127: {  	v9 =	vsel vm5, v20, v61;
	v21 =	vmax.u32 v18, $0x1  }
0x128: {  	v20 =	vmax.u32 v9, $0x1;
	v21 =	vsub.s32 v21, v2  }
0x129: {  	v20 =	vsub.s32 v20, v2;
	_ =	sdelay $0x3  }
0x12a: {  	v26 =	vld.idx.msk [tilespmem:v21+s2+$0x0], $0xffff  }
0x12b: {  	v25 =	vld.idx.msk [tilespmem:v20+s2+$0x0], $0xffff;
	_ =	sdelay $0x3  }
0x12c: {  	vm8 =	veq.f32 v26, v19  }
0x12d: {  	vm7 =	veq.f32 v25, v8;
	v18 =	vsel vm8, v21, v18  }
0x12e: {  	v9 =	vsel vm7, v20, v9;
	_ =	sdelay $0x3  }
0x12f: {  	vm9 =	vlt.f32 v34, v6;
	v18 =	vld.idx.msk [tilespmem:v18+s9+$0x0], $0xffff  }
0x130: {  	v17 =	vsel vm9, $0x1, v1;
	v9 =	vld.idx.msk [tilespmem:v9+s9+$0x0], $0xffff  }
0x131: {  	v16 =	vadd.s32 v17, v16  }
0x132: {  	v17 =	vadd.s32 $0xFFFFFFFF, v16;
	v8 =	vsub.f32 v7, v8;
	v7 =	vsub.f32 v7, v19  }
0x133: {  	vm12 =	vgt.s32 v17, $0x0  }
0x134: {  	vm13 =	vgt.s32 v17, $0x1;
	v8 =	vand.u32 $0x7FFFFFFF, v8;
	v7 =	vand.u32 $0x7FFFFFFF, v7  }
0x135: {  	v27 =	vnsel vm12, $0x0, v17;
	vm10 =	veq.f32 v7, v8;
	vm11 =	vlt.s32 v18, v9  }
0x136: {  	v17 =	vnsel vm13, $0x1, v17;
	vm14 =	vlt.f32 v7, v8;
	vm0 =	vmand vm10, vm11  }
0x137: {  	v17 =	vadd.s32 $0xFFFFFFFF, v17;
	vm0 =	vmor vm14, vm0  }
0x138: {  	v9 =	vsel vm0, v18, v9  }
0x139: {  	v7 =	vsel vm0, v7, v8;
	[tilespmem:s18+$0x4230] =	vst v9  }
0x13a: {  	[tilespmem:s18+$0x4430] =	vst v7  }
0x13b: {  	v7 =	vld.idx.msk [tilespmem:v27+s2+$0x0], $0xffff  }
0x13c: {  	v28 =	vld.idx.msk [tilespmem:v17+s2+$0x0], $0xffff  }
0x13d: {  	v9 =	vld.idx.msk [tilespmem:v16+s2+$0x0], $0xffff;
	_ =	sdelay $0x4  }
0x13e: {  	vm15 =	vgt.u32 v16, $0x1;
	vm4 =	veq.f32 v28, v7;
	vm5 =	veq.f32 v7, v9  }
0x13f: {  	vm0 =	vmand vm15, vm4;
	v16 =	vsel vm5, v27, v16  }
0x140: {  	v29 =	vsel vm0, v17, v27;
	v30 =	vmax.u32 v16, $0x1  }
0x141: {  	v17 =	vmax.u32 v29, $0x1;
	v18 =	vsub.s32 v30, v2  }
0x142: {  	v17 =	vsub.s32 v17, v2;
	_ =	sdelay $0x3  }
0x143: {  	v32 =	vld.idx.msk [tilespmem:v18+s2+$0x0], $0xffff  }
0x144: {  	v31 =	vld.idx.msk [tilespmem:v17+s2+$0x0], $0xffff;
	_ =	sdelay $0x3  }
0x145: {  	vm7 =	veq.f32 v32, v9  }
0x146: {  	vm6 =	veq.f32 v31, v7;
	v16 =	vsel vm7, v18, v16  }
0x147: {  	v8 =	vsel vm6, v17, v29;
	v18 =	vmax.u32 v16, $0x1  }
0x148: {  	v17 =	vmax.u32 v8, $0x1;
	v18 =	vsub.s32 v18, v2  }
0x149: {  	v17 =	vsub.s32 v17, v2;
	_ =	sdelay $0x3  }
0x14a: {  	v34 =	vld.idx.msk [tilespmem:v18+s2+$0x0], $0xffff  }
0x14b: {  	v33 =	vld.idx.msk [tilespmem:v17+s2+$0x0], $0xffff;
	_ =	sdelay $0x3  }
0x14c: {  	vm9 =	veq.f32 v34, v9  }
0x14d: {  	vm8 =	veq.f32 v33, v7;
	v16 =	vsel vm9, v18, v16  }
0x14e: {  	v8 =	vsel vm8, v17, v8;
	_ =	sdelay $0x3  }
0x14f: {  	v16 =	vld.idx.msk [tilespmem:v16+s9+$0x0], $0xffff  }
0x150: {  	vm10 =	vlt.f32 v15, v5;
	v8 =	vld.idx.msk [tilespmem:v8+s9+$0x0], $0xffff  }
0x151: {  	v35 =	vsel vm10, $0x1, v1;
	v7 =	vsub.f32 v6, v7  }
0x152: {  	v6 =	vsub.f32 v6, v9;
	v9 =	vadd.s32 v35, v14  }
0x153: {  	v14 =	vadd.s32 $0xFFFFFFFF, v9;
	v7 =	vand.u32 $0x7FFFFFFF, v7  }
0x154: {  	v6 =	vand.u32 $0x7FFFFFFF, v6;
	vm13 =	vgt.s32 v14, $0x0;
	vm14 =	vgt.s32 v14, $0x1  }
0x155: {  	vm11 =	veq.f32 v6, v7;
	v36 =	vnsel vm13, $0x0, v14;
	vm12 =	vlt.s32 v16, v8  }
0x156: {  	vm15 =	vlt.f32 v6, v7;
	v14 =	vnsel vm14, $0x1, v14;
	vm0 =	vmand vm11, vm12  }
0x157: {  	v14 =	vadd.s32 $0xFFFFFFFF, v14;
	vm0 =	vmor vm15, vm0  }
0x158: {  	v8 =	vsel vm0, v16, v8  }
0x159: {  	v6 =	vsel vm0, v6, v7;
	[tilespmem:s18+$0x4240] =	vst v8  }
0x15a: {  	[tilespmem:s18+$0x4440] =	vst v6  }
0x15b: {  	v6 =	vld.idx.msk [tilespmem:v36+s2+$0x0], $0xffff  }
0x15c: {  	v37 =	vld.idx.msk [tilespmem:v14+s2+$0x0], $0xffff  }
0x15d: {  	v8 =	vld.idx.msk [tilespmem:v9+s2+$0x0], $0xffff;
	_ =	sdelay $0x4  }
0x15e: {  	vm4 =	vgt.u32 v9, $0x1;
	vm5 =	veq.f32 v37, v6;
	vm6 =	veq.f32 v6, v8  }
0x15f: {  	vm0 =	vmand vm4, vm5;
	v9 =	vsel vm6, v36, v9  }
0x160: {  	v38 =	vsel vm0, v14, v36;
	v15 =	vmax.u32 v9, $0x1  }
0x161: {  	v14 =	vmax.u32 v38, $0x1;
	v15 =	vsub.s32 v15, v2  }
0x162: {  	v14 =	vsub.s32 v14, v2;
	_ =	sdelay $0x3  }
0x163: {  	v40 =	vld.idx.msk [tilespmem:v15+s2+$0x0], $0xffff  }
0x164: {  	v39 =	vld.idx.msk [tilespmem:v14+s2+$0x0], $0xffff;
	_ =	sdelay $0x3  }
0x165: {  	vm8 =	veq.f32 v40, v8  }
0x166: {  	vm7 =	veq.f32 v39, v6;
	v9 =	vsel vm8, v15, v9  }
0x167: {  	v7 =	vsel vm7, v14, v38;
	v15 =	vmax.u32 v9, $0x1  }
0x168: {  	v14 =	vmax.u32 v7, $0x1;
	v15 =	vsub.s32 v15, v2  }
0x169: {  	v14 =	vsub.s32 v14, v2;
	_ =	sdelay $0x3  }
0x16a: {  	v42 =	vld.idx.msk [tilespmem:v15+s2+$0x0], $0xffff  }
0x16b: {  	v41 =	vld.idx.msk [tilespmem:v14+s2+$0x0], $0xffff;
	_ =	sdelay $0x3  }
0x16c: {  	vm10 =	veq.f32 v42, v8  }
0x16d: {  	vm9 =	veq.f32 v41, v6;
	v9 =	vsel vm10, v15, v9  }
0x16e: {  	v7 =	vsel vm9, v14, v7;
	_ =	sdelay $0x3  }
0x16f: {  	v9 =	vld.idx.msk [tilespmem:v9+s9+$0x0], $0xffff  }
0x170: {  	vm11 =	vlt.f32 v13, v4;
	v7 =	vld.idx.msk [tilespmem:v7+s9+$0x0], $0xffff  }
0x171: {  	v43 =	vsel vm11, $0x1, v1;
	v6 =	vsub.f32 v5, v6  }
0x172: {  	v5 =	vsub.f32 v5, v8;
	v8 =	vadd.s32 v43, v12  }
0x173: {  	v12 =	vadd.s32 $0xFFFFFFFF, v8;
	v6 =	vand.u32 $0x7FFFFFFF, v6  }
0x174: {  	v5 =	vand.u32 $0x7FFFFFFF, v5;
	vm14 =	vgt.s32 v12, $0x0;
	vm15 =	vgt.s32 v12, $0x1  }
0x175: {  	vm12 =	veq.f32 v5, v6;
	v44 =	vnsel vm14, $0x0, v12;
	vm13 =	vlt.s32 v9, v7  }
0x176: {  	vm4 =	vlt.f32 v5, v6;
	v12 =	vnsel vm15, $0x1, v12;
	vm0 =	vmand vm12, vm13  }
0x177: {  	v12 =	vadd.s32 $0xFFFFFFFF, v12;
	vm0 =	vmor vm4, vm0  }
0x178: {  	v7 =	vsel vm0, v9, v7  }
0x179: {  	v5 =	vsel vm0, v5, v6;
	[tilespmem:s18+$0x4250] =	vst v7  }
0x17a: {  	[tilespmem:s18+$0x4450] =	vst v5  }
0x17b: {  	v5 =	vld.idx.msk [tilespmem:v44+s2+$0x0], $0xffff  }
0x17c: {  	v45 =	vld.idx.msk [tilespmem:v12+s2+$0x0], $0xffff  }
0x17d: {  	v7 =	vld.idx.msk [tilespmem:v8+s2+$0x0], $0xffff;
	_ =	sdelay $0x4  }
0x17e: {  	vm5 =	vgt.u32 v8, $0x1;
	vm6 =	veq.f32 v45, v5;
	vm7 =	veq.f32 v5, v7  }
0x17f: {  	vm0 =	vmand vm5, vm6;
	v8 =	vsel vm7, v44, v8  }
0x180: {  	v46 =	vsel vm0, v12, v44;
	v48 =	vmax.u32 v8, $0x1  }
0x181: {  	v47 =	vmax.u32 v46, $0x1;
	v12 =	vsub.s32 v48, v2  }
0x182: {  	v9 =	vsub.s32 v47, v2;
	_ =	sdelay $0x3  }
0x183: {  	v50 =	vld.idx.msk [tilespmem:v12+s2+$0x0], $0xffff  }
0x184: {  	v49 =	vld.idx.msk [tilespmem:v9+s2+$0x0], $0xffff;
	_ =	sdelay $0x3  }
0x185: {  	vm9 =	veq.f32 v50, v7  }
0x186: {  	vm8 =	veq.f32 v49, v5;
	v8 =	vsel vm9, v12, v8  }
0x187: {  	v6 =	vsel vm8, v9, v46;
	v12 =	vmax.u32 v8, $0x1  }
0x188: {  	v9 =	vmax.u32 v6, $0x1;
	v12 =	vsub.s32 v12, v2  }
0x189: {  	v9 =	vsub.s32 v9, v2;
	_ =	sdelay $0x3  }
0x18a: {  	v52 =	vld.idx.msk [tilespmem:v12+s2+$0x0], $0xffff  }
0x18b: {  	v51 =	vld.idx.msk [tilespmem:v9+s2+$0x0], $0xffff;
	_ =	sdelay $0x3  }
0x18c: {  	vm11 =	veq.f32 v52, v7  }
0x18d: {  	vm10 =	veq.f32 v51, v5;
	v8 =	vsel vm11, v12, v8  }
0x18e: {  	v6 =	vsel vm10, v9, v6;
	_ =	sdelay $0x3  }
0x18f: {  	v8 =	vld.idx.msk [tilespmem:v8+s9+$0x0], $0xffff  }
0x190: {  	vm12 =	vlt.f32 v11, v3;
	v6 =	vld.idx.msk [tilespmem:v6+s9+$0x0], $0xffff  }
0x191: {  	v53 =	vsel vm12, $0x1, v1;
	v5 =	vsub.f32 v4, v5  }
0x192: {  	v4 =	vsub.f32 v4, v7;
	v7 =	vadd.s32 v53, v10  }
0x193: {  	v54 =	vadd.s32 $0xFFFFFFFF, v7;
	v5 =	vand.u32 $0x7FFFFFFF, v5  }
0x194: {  	v4 =	vand.u32 $0x7FFFFFFF, v4;
	vm15 =	vgt.s32 v54, $0x0;
	vm4 =	vgt.s32 v54, $0x1  }
0x195: {  	vm13 =	veq.f32 v4, v5;
	v55 =	vnsel vm15, $0x0, v54;
	vm14 =	vlt.s32 v8, v6  }
0x196: {  	vm5 =	vlt.f32 v4, v5;
	v9 =	vnsel vm4, $0x1, v54;
	vm0 =	vmand vm13, vm14  }
0x197: {  	v9 =	vadd.s32 $0xFFFFFFFF, v9;
	vm0 =	vmor vm5, vm0  }
0x198: {  	v6 =	vsel vm0, v8, v6  }
0x199: {  	v4 =	vsel vm0, v4, v5;
	[tilespmem:s18+$0x4260] =	vst v6  }
0x19a: {  	[tilespmem:s18+$0x4460] =	vst v4  }
0x19b: {  	v4 =	vld.idx.msk [tilespmem:v55+s2+$0x0], $0xffff  }
0x19c: {  	v56 =	vld.idx.msk [tilespmem:v9+s2+$0x0], $0xffff  }
0x19d: {  	v6 =	vld.idx.msk [tilespmem:v7+s2+$0x0], $0xffff;
	_ =	sdelay $0x4  }
0x19e: {  	vm6 =	vgt.u32 v7, $0x1;
	vm7 =	veq.f32 v56, v4;
	vm8 =	veq.f32 v4, v6  }
0x19f: {  	vm0 =	vmand vm6, vm7;
	v7 =	vsel vm8, v55, v7  }
0x1a0: {  	v57 =	vsel vm0, v9, v55;
	v59 =	vmax.u32 v7, $0x1  }
0x1a1: {  	v58 =	vmax.u32 v57, $0x1;
	v9 =	vsub.s32 v59, v2  }
0x1a2: {  	v8 =	vsub.s32 v58, v2;
	_ =	sdelay $0x3  }
0x1a3: {  	v61 =	vld.idx.msk [tilespmem:v9+s2+$0x0], $0xffff  }
0x1a4: {  	v60 =	vld.idx.msk [tilespmem:v8+s2+$0x0], $0xffff;
	_ =	sdelay $0x3  }
0x1a5: {  	vm10 =	veq.f32 v61, v6  }
0x1a6: {  	vm9 =	veq.f32 v60, v4;
	v7 =	vsel vm10, v9, v7  }
0x1a7: {  	v5 =	vsel vm9, v8, v57;
	v9 =	vmax.u32 v7, $0x1  }
0x1a8: {  	v8 =	vmax.u32 v5, $0x1;
	v9 =	vsub.s32 v9, v2  }
0x1a9: {  	v8 =	vsub.s32 v8, v2;
	_ =	sdelay $0x3  }
0x1aa: {  	v63 =	vld.idx.msk [tilespmem:v9+s2+$0x0], $0xffff  }
0x1ab: {  	v62 =	vld.idx.msk [tilespmem:v8+s2+$0x0], $0xffff;
	_ =	sdelay $0x3  }
0x1ac: {  	vm12 =	veq.f32 v63, v6  }
0x1ad: {  	vm11 =	veq.f32 v62, v4;
	v7 =	vsel vm12, v9, v7  }
0x1ae: {  	v5 =	vsel vm11, v8, v5;
	_ =	sdelay $0x3  }
0x1af: {  	v7 =	vld.idx.msk [tilespmem:v7+s9+$0x0], $0xffff  }
0x1b0: {  	v5 =	vld.idx.msk [tilespmem:v5+s9+$0x0], $0xffff;
	_ =	sdelay $0x1  }
0x1b1: {  	v4 =	vsub.f32 v3, v4;
	v3 =	vsub.f32 v3, v6;
	_ =	sdelay $0x1  }
0x1b2: {  	v4 =	vand.u32 $0x7FFFFFFF, v4;
	v3 =	vand.u32 $0x7FFFFFFF, v3  }
0x1b3: {  	p0 =	sne.s32 s17, $0x600;
	vm13 =	veq.f32 v3, v4;
	vm14 =	vlt.s32 v7, v5  }
.Ltmp0:
0x1b4: {  	vm15 =	vlt.f32 v3, v4;
	vm0 =	vmand vm13, vm14;
	(pc) =	sbr.rel @p0 .LBB2_2-.Ltmp0, $4  }
0x1b5: {  	vm0 =	vmor vm15, vm0  }
0x1b6: {  	v5 =	vsel vm0, v7, v5  }
0x1b7: {  	v3 =	vsel vm0, v3, v4;
	[tilespmem:s18+$0x4270] =	vst v5  }
0x1b8: {  	s17 =	sadd.s32 $0x200, s17;
	[tilespmem:s18+$0x4470] =	vst v3  }
0x1b9: {  	[hbm4b:s6+s2] =	stream.linear.scatter [tilespmem:s14], [sflag:$0x1], $0x200, $0x38;
	[tilespmem:$0x4600] =	vst v63  }
0x1ba: {  	s16 =	sadd.s32 $0x1, s16  }
0x1bb: {  	[hbm4b:s7+s2] =	stream.linear.scatter [tilespmem:s15], [sflag:$0x2], $0x200, $0x38;
	[tilespmem:$0x4600] =	vst v63  }
0x1bc: {  	p0 =	sne.s32 s16, s8;
	_ =	swait.ge [sflag:s11], $0x200  }
.Ltmp1:
0x1bd: {  	[sflag:s11] =	ssyncset.done $0x0;
	(pc) =	sbr.rel @p0 .LBB2_1-.Ltmp1, $4  }
0x1be: {  	[sflag:s11] =	ssyncadd.s32 $0xFFFFFE00  }
0x1bf: {  	_ =	swait.ge [sflag:s12], $0x200  }
0x1c0: {  	[sflag:s12] =	ssyncset.done $0x0  }
0x1c1: {  	[sflag:s12] =	ssyncadd.s32 $0xFFFFFE00  }
0x1c2: {  	_ =	sfence.sel $0x180000  }
0x1c3: {  	[bflag:$0x0] =	sbarrier.arrive $0xFFFF  }
0x1c4: {  	p0 =	sne.s32 s3, $0x0;
	_ =	strace $0x90000047  }
0x1c5: {  	s0 =	sadd.s32 @!p0 $0x100000, s0;
	[bflag:$0x2] =	sbarrier.arrive $0xFFFF  }
0x1c6: {  	[sflag:s0] =	ssyncadd.tile.s32 @!p0 $0x1;
	_ =	shalt  }
.Lfunc_end2:
_tile_overlayer_lowered:
.L_overlay_start_2:
0x1c7: {  	(tag) =	ssettag $0x2  }
0x1c8: {  	s0 =	rddreg [dreg:$0x0];
	s2 =	stileid.u32  }
0x1c9: {  	s1 =	rddreg [dreg:$0x1];
	p0 =	sne.s32 s2, $0x0  }
0x1ca: {  	s3 =	rddreg [dreg:$0x2];
	[bflag:$0x3] =	sbarrier.arrive $0xFFFF;
	s2 =	simm.s32 @!p0 $0x1C04  }
0x1cb: {  	[timem:s3], [sflag:s2] =	dma.local @!p0 [hbm:s0], s1  }
0x1cc: {  	s0 =	simm.s32 @!p0 $0x4  }
0x1cd: {  	_ =	swait.ge @!p0 [sflag:s0], s1  }
0x1ce: {  	s1 =	ssub.s32 @!p0 $0x0, s1;
	[sflag:s0] =	ssyncset.done @!p0 $0x0  }
0x1cf: {  	[sflag:s0] =	ssyncadd.s32 @!p0 s1  }
0x1d0: {  	[bflag:$0x3] =	sbarrier.arrive $0xFFFF  }
0x1d1: {  	_ =	shalt  }

</sc_bundles>
